<compile_context>
chip_gen: v7x
topology: tpu7x:2x2x1
jax: 0.10.2.dev20260603
libtpu: 0.0.44.dev20260713+nightly
codegen_flags: <defaults>
</compile_context>

<pallas_src>
import functools
import math

import jax
import jax.numpy as jnp
from jax import lax
from jax.experimental import pallas as pl
from jax.experimental.pallas import tpu as pltpu
from jax.experimental.pallas import tpu_sc as plsc

D_MODEL = 64
SCALE = math.sqrt(D_MODEL)

NC, NS = 2, 16
NW = NC * NS
LANES = 16

NBUF = 8
G_AHEAD = 5


@functools.cache
def _build(batch, seq):
    assert batch % NW == 0
    b_per_w = batch // NW
    n_steps = b_per_w
    assert n_steps % NBUF == 0 and n_steps > NBUF

    mesh = plsc.VectorSubcoreMesh(core_axis_name="c", subcore_axis_name="s")

    @functools.partial(
        pl.kernel,
        out_type=jax.ShapeDtypeStruct((batch, seq, D_MODEL), jnp.float32),
        mesh=mesh,
        scratch_types=[
            pltpu.VMEM((b_per_w, seq), jnp.int32),
            pltpu.VMEM((NBUF * seq, D_MODEL), jnp.float32),
            pltpu.SemaphoreType.DMA,
            pltpu.SemaphoreType.DMA,
        ],
        compiler_params=pltpu.CompilerParams(use_tc_tiling_on_sc=False),
    )
    def emb_kernel(idx_hbm, lut_hbm, out_hbm, idx_v, rows_v, gsem, wsem):
        wid = lax.axis_index("s") * NC + lax.axis_index("c")
        b0 = wid * b_per_w

        pltpu.sync_copy(idx_hbm.at[pl.ds(b0, b_per_w)], idx_v)

        def buf(j):
            return rows_v.at[pl.ds(j * seq, seq)]

        def fire_gather(s, j):
            pltpu.async_copy(lut_hbm.at[idx_v.at[s]], buf(j), gsem)

        for s in range(G_AHEAD):
            fire_gather(s, s)

        @pl.loop(0, n_steps, step=NBUF)
        def outer(g):
            for b in range(NBUF):
                s = g + b
                pltpu.make_async_copy(
                    lut_hbm.at[pl.ds(0, seq)], buf(b), gsem).wait()

                @plsc.parallel_loop(0, seq, unroll=8)
                def scale_row(i):
                    for c in range(D_MODEL // LANES):
                        sl = (b * seq + i, pl.ds(c * LANES, LANES))
                        rows_v[sl] = rows_v[sl] * SCALE

                pltpu.async_copy(buf(b), out_hbm.at[b0 + s], wsem)

                nb = (b + G_AHEAD) % NBUF

                @pl.when(jnp.logical_and(s >= NBUF - G_AHEAD,
                                         s + G_AHEAD < n_steps))
                def _():
                    pltpu.make_async_copy(
                        buf(nb), out_hbm.at[b0], wsem).wait()

                @pl.when(s + G_AHEAD < n_steps)
                def _():
                    fire_gather(s + G_AHEAD, nb)

        for _ in range(NBUF):
            pltpu.make_async_copy(buf(0), out_hbm.at[b0], wsem).wait()

    return emb_kernel


def kernel(x, lut):
    b, s = x.shape
    return _build(b, s)(x.astype(jnp.int32), lut)

# --- scband reference (transcript-rebuilt; emitter-appended) ---
"""Pipeline reference for scband-embeddings-6914897347220 (READ-ONLY COPY).

The authoritative reference and input builder live on the scoring server;
editing this copy changes nothing except your own understanding.
"""

import jax, jax.numpy as jnp
import numpy as np
import math

D_MODEL = 64
VOCAB = 1000000

def setup_inputs(seed: int = 0) -> dict:
    key = jax.random.key(seed)
    k1, k2 = jax.random.split(key)
    x = jax.random.randint(k1, (4096, 200), 0, VOCAB, dtype=jnp.int64 if jax.config.jax_enable_x64 else jnp.int32)
    lut = jax.random.normal(k2, (VOCAB, D_MODEL), dtype=jnp.float32)
    return {"x": x, "lut": lut}

def reference(x, lut):
    # Embeddings.forward: self.lut(x) * sqrt(d_model)
    emb = jnp.take(lut, x, axis=0)
    return emb * math.sqrt(D_MODEL)

if __name__ == "__main__":
    import jax
    _d = setup_inputs()
    print(jax.jit(kernel)(*tuple(_d.values())))

</pallas_src>

<mosaic_0001>
#map = affine_map<(d0, d1) -> (0, 0)>
#map1 = affine_map<(d0, d1) -> (0, 0, 0)>
module attributes {stable_mosaic.version = 14 : i64} {
  func.func @emb_kernel(%arg0: i32, %arg1: i32, %arg2: memref<4096x200xi32, #tpu.memory_space<hbm>>, %arg3: memref<1000000x64xf32, #tpu.memory_space<hbm>>, %arg4: memref<4096x200x64xf32, #tpu.memory_space<hbm>>, %arg5: memref<128x200xi32, #tpu.memory_space<vmem>>, %arg6: memref<1600x64xf32, #tpu.memory_space<vmem>>, %arg7: memref<!tpu.dma_semaphore, #tpu.memory_space<semaphore_mem>>, %arg8: memref<!tpu.dma_semaphore, #tpu.memory_space<semaphore_mem>>) attributes {dimension_semantics = [#tpu.dimension_semantics<core_parallel>, #tpu.dimension_semantics<subcore_parallel>], iteration_bounds = array<i64: 2, 16>, scalar_prefetch = 0 : i64, scratch_operands = 4 : i64, tpu.core_type = #tpu.core_type<sc_vector_subcore>, window_params = [{transform_indices = #map}, {transform_indices = #map}, {transform_indices = #map1}]} {
    %mul3A = arith.constant 2 : i32
    %mul3A_0 = arith.muli %arg1, %mul3A : i32
    %add3A = arith.addi %mul3A_0, %arg0 : i32
    %mul3A_1 = arith.constant 128 : i32
    %mul3A_2 = arith.muli %add3A, %mul3A_1 : i32
    "tpu.region"() ({
      %run_scoped3A = tpu.sem_alloc : memref<!tpu.dma_semaphore, #tpu.memory_space<semaphore_mem>>
      %dma_start3A_167 = arith.constant 0 : i32
      %dma_start3A_168 = tpu.memref_slice %arg2[%mul3A_2, %dma_start3A_167] : memref<4096x200xi32, #tpu.memory_space<hbm>> -> memref<128x200xi32, #tpu.memory_space<hbm>>
      %dma_start3A_169 = arith.constant 0 : i32
      %dma_start3A_170 = tpu.memref_slice %arg2[%mul3A_2, %dma_start3A_169] : memref<4096x200xi32, #tpu.memory_space<hbm>> -> memref<128x200xi32, #tpu.memory_space<hbm>>
      tpu.enqueue_dma source(%dma_start3A_170 : memref<128x200xi32, #tpu.memory_space<hbm>>) target(%arg5 : memref<128x200xi32, #tpu.memory_space<vmem>>) target_semaphore(%run_scoped3A : memref<!tpu.dma_semaphore, #tpu.memory_space<semaphore_mem>>)
      %dma_wait3A_171 = arith.constant 0 : i32
      %dma_wait3A_172 = tpu.memref_slice %arg2[%mul3A_2, %dma_wait3A_171] : memref<4096x200xi32, #tpu.memory_space<hbm>> -> memref<128x200xi32, #tpu.memory_space<hbm>>
      %dma_wait3A_173 = arith.constant 0 : i32
      %dma_wait3A_174 = tpu.memref_slice %arg2[%mul3A_2, %dma_wait3A_173] : memref<4096x200xi32, #tpu.memory_space<hbm>> -> memref<128x200xi32, #tpu.memory_space<hbm>>
      tpu.wait_dma2 semaphore(%run_scoped3A : memref<!tpu.dma_semaphore, #tpu.memory_space<semaphore_mem>>) src(%dma_wait3A_174 : memref<128x200xi32, #tpu.memory_space<hbm>>) dst(%arg5 : memref<128x200xi32, #tpu.memory_space<vmem>>)
      tpu.yield
    }) : () -> ()
    %dma_start3A = arith.constant 0 : i32
    %dma_start3A_3 = arith.constant 0 : i32
    %dma_start3A_4 = arith.constant 0 : i32
    %dma_start3A_5 = tpu.memref_slice %arg6[%dma_start3A_3, %dma_start3A_4] : memref<1600x64xf32, #tpu.memory_space<vmem>> -> memref<200x64xf32, #tpu.memory_space<vmem>>
    %dma_start3A_6 = arith.constant 0 : i32
    %dma_start3A_7 = tpu.memref_slice %arg5[%dma_start3A, %dma_start3A_6] : memref<128x200xi32, #tpu.memory_space<vmem>> -> memref<1x200xi32, #tpu.memory_space<vmem>>
    %dma_start3A_8 = tpu.memref_squeeze %dma_start3A_7 : memref<1x200xi32, #tpu.memory_space<vmem>> -> memref<200xi32, #tpu.memory_space<vmem>>
    %dma_start3A_9 = arith.constant 0 : i32
    %dma_start3A_10 = arith.constant 0 : i32
    %dma_start3A_11 = tpu.memref_slice %arg3[%dma_start3A_9, %dma_start3A_10] : memref<1000000x64xf32, #tpu.memory_space<hbm>> -> memref<1000000x64xf32, #tpu.memory_space<hbm>>
    tpu.enqueue_indirect_dma source(%dma_start3A_11 : memref<1000000x64xf32, #tpu.memory_space<hbm>>) target(%dma_start3A_5 : memref<200x64xf32, #tpu.memory_space<vmem>>) offsets(%dma_start3A_8 : memref<200xi32, #tpu.memory_space<vmem>>) semaphore(%arg7 : memref<!tpu.dma_semaphore, #tpu.memory_space<semaphore_mem>>)
    %dma_start3A_12 = arith.constant 1 : i32
    %dma_start3A_13 = arith.constant 200 : i32
    %dma_start3A_14 = arith.constant 0 : i32
    %dma_start3A_15 = tpu.memref_slice %arg6[%dma_start3A_13, %dma_start3A_14] : memref<1600x64xf32, #tpu.memory_space<vmem>> -> memref<200x64xf32, #tpu.memory_space<vmem>>
    %dma_start3A_16 = arith.constant 0 : i32
    %dma_start3A_17 = tpu.memref_slice %arg5[%dma_start3A_12, %dma_start3A_16] : memref<128x200xi32, #tpu.memory_space<vmem>> -> memref<1x200xi32, #tpu.memory_space<vmem>>
    %dma_start3A_18 = tpu.memref_squeeze %dma_start3A_17 : memref<1x200xi32, #tpu.memory_space<vmem>> -> memref<200xi32, #tpu.memory_space<vmem>>
    %dma_start3A_19 = arith.constant 0 : i32
    %dma_start3A_20 = arith.constant 0 : i32
    %dma_start3A_21 = tpu.memref_slice %arg3[%dma_start3A_19, %dma_start3A_20] : memref<1000000x64xf32, #tpu.memory_space<hbm>> -> memref<1000000x64xf32, #tpu.memory_space<hbm>>
    tpu.enqueue_indirect_dma source(%dma_start3A_21 : memref<1000000x64xf32, #tpu.memory_space<hbm>>) target(%dma_start3A_15 : memref<200x64xf32, #tpu.memory_space<vmem>>) offsets(%dma_start3A_18 : memref<200xi32, #tpu.memory_space<vmem>>) semaphore(%arg7 : memref<!tpu.dma_semaphore, #tpu.memory_space<semaphore_mem>>)
    %dma_start3A_22 = arith.constant 2 : i32
    %dma_start3A_23 = arith.constant 400 : i32
    %dma_start3A_24 = arith.constant 0 : i32
    %dma_start3A_25 = tpu.memref_slice %arg6[%dma_start3A_23, %dma_start3A_24] : memref<1600x64xf32, #tpu.memory_space<vmem>> -> memref<200x64xf32, #tpu.memory_space<vmem>>
    %dma_start3A_26 = arith.constant 0 : i32
    %dma_start3A_27 = tpu.memref_slice %arg5[%dma_start3A_22, %dma_start3A_26] : memref<128x200xi32, #tpu.memory_space<vmem>> -> memref<1x200xi32, #tpu.memory_space<vmem>>
    %dma_start3A_28 = tpu.memref_squeeze %dma_start3A_27 : memref<1x200xi32, #tpu.memory_space<vmem>> -> memref<200xi32, #tpu.memory_space<vmem>>
    %dma_start3A_29 = arith.constant 0 : i32
    %dma_start3A_30 = arith.constant 0 : i32
    %dma_start3A_31 = tpu.memref_slice %arg3[%dma_start3A_29, %dma_start3A_30] : memref<1000000x64xf32, #tpu.memory_space<hbm>> -> memref<1000000x64xf32, #tpu.memory_space<hbm>>
    tpu.enqueue_indirect_dma source(%dma_start3A_31 : memref<1000000x64xf32, #tpu.memory_space<hbm>>) target(%dma_start3A_25 : memref<200x64xf32, #tpu.memory_space<vmem>>) offsets(%dma_start3A_28 : memref<200xi32, #tpu.memory_space<vmem>>) semaphore(%arg7 : memref<!tpu.dma_semaphore, #tpu.memory_space<semaphore_mem>>)
    %dma_start3A_32 = arith.constant 3 : i32
    %dma_start3A_33 = arith.constant 600 : i32
    %dma_start3A_34 = arith.constant 0 : i32
    %dma_start3A_35 = tpu.memref_slice %arg6[%dma_start3A_33, %dma_start3A_34] : memref<1600x64xf32, #tpu.memory_space<vmem>> -> memref<200x64xf32, #tpu.memory_space<vmem>>
    %dma_start3A_36 = arith.constant 0 : i32
    %dma_start3A_37 = tpu.memref_slice %arg5[%dma_start3A_32, %dma_start3A_36] : memref<128x200xi32, #tpu.memory_space<vmem>> -> memref<1x200xi32, #tpu.memory_space<vmem>>
    %dma_start3A_38 = tpu.memref_squeeze %dma_start3A_37 : memref<1x200xi32, #tpu.memory_space<vmem>> -> memref<200xi32, #tpu.memory_space<vmem>>
    %dma_start3A_39 = arith.constant 0 : i32
    %dma_start3A_40 = arith.constant 0 : i32
    %dma_start3A_41 = tpu.memref_slice %arg3[%dma_start3A_39, %dma_start3A_40] : memref<1000000x64xf32, #tpu.memory_space<hbm>> -> memref<1000000x64xf32, #tpu.memory_space<hbm>>
    tpu.enqueue_indirect_dma source(%dma_start3A_41 : memref<1000000x64xf32, #tpu.memory_space<hbm>>) target(%dma_start3A_35 : memref<200x64xf32, #tpu.memory_space<vmem>>) offsets(%dma_start3A_38 : memref<200xi32, #tpu.memory_space<vmem>>) semaphore(%arg7 : memref<!tpu.dma_semaphore, #tpu.memory_space<semaphore_mem>>)
    %dma_start3A_42 = arith.constant 4 : i32
    %dma_start3A_43 = arith.constant 800 : i32
    %dma_start3A_44 = arith.constant 0 : i32
    %dma_start3A_45 = tpu.memref_slice %arg6[%dma_start3A_43, %dma_start3A_44] : memref<1600x64xf32, #tpu.memory_space<vmem>> -> memref<200x64xf32, #tpu.memory_space<vmem>>
    %dma_start3A_46 = arith.constant 0 : i32
    %dma_start3A_47 = tpu.memref_slice %arg5[%dma_start3A_42, %dma_start3A_46] : memref<128x200xi32, #tpu.memory_space<vmem>> -> memref<1x200xi32, #tpu.memory_space<vmem>>
    %dma_start3A_48 = tpu.memref_squeeze %dma_start3A_47 : memref<1x200xi32, #tpu.memory_space<vmem>> -> memref<200xi32, #tpu.memory_space<vmem>>
    %dma_start3A_49 = arith.constant 0 : i32
    %dma_start3A_50 = arith.constant 0 : i32
    %dma_start3A_51 = tpu.memref_slice %arg3[%dma_start3A_49, %dma_start3A_50] : memref<1000000x64xf32, #tpu.memory_space<hbm>> -> memref<1000000x64xf32, #tpu.memory_space<hbm>>
    tpu.enqueue_indirect_dma source(%dma_start3A_51 : memref<1000000x64xf32, #tpu.memory_space<hbm>>) target(%dma_start3A_45 : memref<200x64xf32, #tpu.memory_space<vmem>>) offsets(%dma_start3A_48 : memref<200xi32, #tpu.memory_space<vmem>>) semaphore(%arg7 : memref<!tpu.dma_semaphore, #tpu.memory_space<semaphore_mem>>)
    %scan3A = arith.constant 0 : i32
    %scan3A_52 = arith.constant 16 : i32
    %scan3A_53 = arith.addi %scan3A, %scan3A_52 : i32
    %scan3A_54 = arith.constant 1 : i32
    scf.for %scan3A_167 = %scan3A to %scan3A_53 step %scan3A_54  : i32 {
      %mul3A_168 = arith.constant 8 : i32
      %mul3A_169 = arith.muli %scan3A_167, %mul3A_168 : i32
      %add3A_170 = arith.constant 0 : i32
      %add3A_171 = arith.addi %add3A_170, %mul3A_169 : i32
      %add3A_172 = arith.constant 0 : i32
      %add3A_173 = arith.addi %add3A_171, %add3A_172 : i32
      %dma_wait3A_174 = arith.constant 0 : i32
      %dma_wait3A_175 = arith.constant 0 : i32
      %dma_wait3A_176 = tpu.memref_slice %arg6[%dma_wait3A_174, %dma_wait3A_175] : memref<1600x64xf32, #tpu.memory_space<vmem>> -> memref<200x64xf32, #tpu.memory_space<vmem>>
      %dma_wait3A_177 = arith.constant 0 : i32
      %dma_wait3A_178 = arith.constant 0 : i32
      %dma_wait3A_179 = tpu.memref_slice %arg3[%dma_wait3A_177, %dma_wait3A_178] : memref<1000000x64xf32, #tpu.memory_space<hbm>> -> memref<200x64xf32, #tpu.memory_space<hbm>>
      %dma_wait3A_180 = arith.constant 0 : i32
      %dma_wait3A_181 = arith.constant 0 : i32
      %dma_wait3A_182 = tpu.memref_slice %arg6[%dma_wait3A_180, %dma_wait3A_181] : memref<1600x64xf32, #tpu.memory_space<vmem>> -> memref<200x64xf32, #tpu.memory_space<vmem>>
      %dma_wait3A_183 = arith.constant 0 : i32
      %dma_wait3A_184 = arith.constant 0 : i32
      %dma_wait3A_185 = tpu.memref_slice %arg3[%dma_wait3A_183, %dma_wait3A_184] : memref<1000000x64xf32, #tpu.memory_space<hbm>> -> memref<200x64xf32, #tpu.memory_space<hbm>>
      tpu.wait_dma2 semaphore(%arg7 : memref<!tpu.dma_semaphore, #tpu.memory_space<semaphore_mem>>) src(%dma_wait3A_185 : memref<200x64xf32, #tpu.memory_space<hbm>>) dst(%dma_wait3A_182 : memref<200x64xf32, #tpu.memory_space<vmem>>)
      %parallel_loop3A = arith.constant 0 : i32
      %parallel_loop3A_186 = arith.constant 200 : i32
      %parallel_loop3A_187 = arith.constant 1 : i32
      scf.for %parallel_loop3A_558 = %parallel_loop3A to %parallel_loop3A_186 step %parallel_loop3A_187  : i32 {
        %parallel_loop3A_559 = arith.constant 0 : i32
        %parallel_loop3A_560 = arith.addi %parallel_loop3A_559, %parallel_loop3A_558 : i32
        %parallel_loop3A_561 = arith.index_cast %parallel_loop3A_560 : i32 to index
        %parallel_loop3A_562 = arith.constant 0 : index
        %parallel_loop3A_563 = tpu.vector_load %arg6[%parallel_loop3A_561, %parallel_loop3A_562] {strides = array<i32>} : memref<1600x64xf32, #tpu.memory_space<vmem>>, vector<1x16xf32>,
        %parallel_loop3A_564 = vector.shape_cast %parallel_loop3A_563 : vector<1x16xf32> to vector<16xf32>
        %parallel_loop3A_565 = arith.constant 8.000000e+00 : f32
        %parallel_loop3A_566 = vector.broadcast %parallel_loop3A_565 : f32 to vector<16xf32>
        %parallel_loop3A_567 = arith.mulf %parallel_loop3A_564, %parallel_loop3A_566 : vector<16xf32>
        %parallel_loop3A_568 = arith.index_cast %parallel_loop3A_560 : i32 to index
        %parallel_loop3A_569 = arith.constant 0 : index
        %parallel_loop3A_570 = tpu.vector_load %arg6[%parallel_loop3A_568, %parallel_loop3A_569] {strides = array<i32>} : memref<1600x64xf32, #tpu.memory_space<vmem>>, vector<1x16xf32>,
        %parallel_loop3A_571 = vector.shape_cast %parallel_loop3A_570 : vector<1x16xf32> to vector<16xf32>
        %parallel_loop3A_572 = vector.shape_cast %parallel_loop3A_567 : vector<16xf32> to vector<1x16xf32>
        tpu.vector_store %arg6[%parallel_loop3A_568, %parallel_loop3A_569], %parallel_loop3A_572 {strides = array<i32>} : memref<1600x64xf32, #tpu.memory_space<vmem>>, vector<1x16xf32>,
        %parallel_loop3A_573 = arith.constant 0 : i32
        %parallel_loop3A_574 = arith.addi %parallel_loop3A_573, %parallel_loop3A_558 : i32
        %parallel_loop3A_575 = arith.index_cast %parallel_loop3A_574 : i32 to index
        %parallel_loop3A_576 = arith.constant 16 : index
        %parallel_loop3A_577 = tpu.vector_load %arg6[%parallel_loop3A_575, %parallel_loop3A_576] {strides = array<i32>} : memref<1600x64xf32, #tpu.memory_space<vmem>>, vector<1x16xf32>,
        %parallel_loop3A_578 = vector.shape_cast %parallel_loop3A_577 : vector<1x16xf32> to vector<16xf32>
        %parallel_loop3A_579 = arith.constant 8.000000e+00 : f32
        %parallel_loop3A_580 = vector.broadcast %parallel_loop3A_579 : f32 to vector<16xf32>
        %parallel_loop3A_581 = arith.mulf %parallel_loop3A_578, %parallel_loop3A_580 : vector<16xf32>
        %parallel_loop3A_582 = arith.index_cast %parallel_loop3A_574 : i32 to index
        %parallel_loop3A_583 = arith.constant 16 : index
        %parallel_loop3A_584 = tpu.vector_load %arg6[%parallel_loop3A_582, %parallel_loop3A_583] {strides = array<i32>} : memref<1600x64xf32, #tpu.memory_space<vmem>>, vector<1x16xf32>,
        %parallel_loop3A_585 = vector.shape_cast %parallel_loop3A_584 : vector<1x16xf32> to vector<16xf32>
        %parallel_loop3A_586 = vector.shape_cast %parallel_loop3A_581 : vector<16xf32> to vector<1x16xf32>
        tpu.vector_store %arg6[%parallel_loop3A_582, %parallel_loop3A_583], %parallel_loop3A_586 {strides = array<i32>} : memref<1600x64xf32, #tpu.memory_space<vmem>>, vector<1x16xf32>,
        %parallel_loop3A_587 = arith.constant 0 : i32
        %parallel_loop3A_588 = arith.addi %parallel_loop3A_587, %parallel_loop3A_558 : i32
        %parallel_loop3A_589 = arith.index_cast %parallel_loop3A_588 : i32 to index
        %parallel_loop3A_590 = arith.constant 32 : index
        %parallel_loop3A_591 = tpu.vector_load %arg6[%parallel_loop3A_589, %parallel_loop3A_590] {strides = array<i32>} : memref<1600x64xf32, #tpu.memory_space<vmem>>, vector<1x16xf32>,
        %parallel_loop3A_592 = vector.shape_cast %parallel_loop3A_591 : vector<1x16xf32> to vector<16xf32>
        %parallel_loop3A_593 = arith.constant 8.000000e+00 : f32
        %parallel_loop3A_594 = vector.broadcast %parallel_loop3A_593 : f32 to vector<16xf32>
        %parallel_loop3A_595 = arith.mulf %parallel_loop3A_592, %parallel_loop3A_594 : vector<16xf32>
        %parallel_loop3A_596 = arith.index_cast %parallel_loop3A_588 : i32 to index
        %parallel_loop3A_597 = arith.constant 32 : index
        %parallel_loop3A_598 = tpu.vector_load %arg6[%parallel_loop3A_596, %parallel_loop3A_597] {strides = array<i32>} : memref<1600x64xf32, #tpu.memory_space<vmem>>, vector<1x16xf32>,
        %parallel_loop3A_599 = vector.shape_cast %parallel_loop3A_598 : vector<1x16xf32> to vector<16xf32>
        %parallel_loop3A_600 = vector.shape_cast %parallel_loop3A_595 : vector<16xf32> to vector<1x16xf32>
        tpu.vector_store %arg6[%parallel_loop3A_596, %parallel_loop3A_597], %parallel_loop3A_600 {strides = array<i32>} : memref<1600x64xf32, #tpu.memory_space<vmem>>, vector<1x16xf32>,
        %parallel_loop3A_601 = arith.constant 0 : i32
        %parallel_loop3A_602 = arith.addi %parallel_loop3A_601, %parallel_loop3A_558 : i32
        %parallel_loop3A_603 = arith.index_cast %parallel_loop3A_602 : i32 to index
        %parallel_loop3A_604 = arith.constant 48 : index
        %parallel_loop3A_605 = tpu.vector_load %arg6[%parallel_loop3A_603, %parallel_loop3A_604] {strides = array<i32>} : memref<1600x64xf32, #tpu.memory_space<vmem>>, vector<1x16xf32>,
        %parallel_loop3A_606 = vector.shape_cast %parallel_loop3A_605 : vector<1x16xf32> to vector<16xf32>
        %parallel_loop3A_607 = arith.constant 8.000000e+00 : f32
        %parallel_loop3A_608 = vector.broadcast %parallel_loop3A_607 : f32 to vector<16xf32>
        %parallel_loop3A_609 = arith.mulf %parallel_loop3A_606, %parallel_loop3A_608 : vector<16xf32>
        %parallel_loop3A_610 = arith.index_cast %parallel_loop3A_602 : i32 to index
        %parallel_loop3A_611 = arith.constant 48 : index
        %parallel_loop3A_612 = tpu.vector_load %arg6[%parallel_loop3A_610, %parallel_loop3A_611] {strides = array<i32>} : memref<1600x64xf32, #tpu.memory_space<vmem>>, vector<1x16xf32>,
        %parallel_loop3A_613 = vector.shape_cast %parallel_loop3A_612 : vector<1x16xf32> to vector<16xf32>
        %parallel_loop3A_614 = vector.shape_cast %parallel_loop3A_609 : vector<16xf32> to vector<1x16xf32>
        tpu.vector_store %arg6[%parallel_loop3A_610, %parallel_loop3A_611], %parallel_loop3A_614 {strides = array<i32>} : memref<1600x64xf32, #tpu.memory_space<vmem>>, vector<1x16xf32>,
      } {sc.loop_unroll_factor = 8 : i64, sc.parallel_access}
      %add3A_188 = arith.addi %mul3A_2, %add3A_173 : i32
      %dma_start3A_189 = arith.constant 0 : i32
      %dma_start3A_190 = arith.constant 0 : i32
      %dma_start3A_191 = tpu.memref_slice %arg6[%dma_start3A_189, %dma_start3A_190] : memref<1600x64xf32, #tpu.memory_space<vmem>> -> memref<200x64xf32, #tpu.memory_space<vmem>>
      %dma_start3A_192 = arith.constant 0 : i32
      %dma_start3A_193 = arith.constant 0 : i32
      %dma_start3A_194 = tpu.memref_slice %arg4[%add3A_188, %dma_start3A_192, %dma_start3A_193] : memref<4096x200x64xf32, #tpu.memory_space<hbm>> -> memref<1x200x64xf32, #tpu.memory_space<hbm>>
      %dma_start3A_195 = tpu.memref_squeeze %dma_start3A_194 : memref<1x200x64xf32, #tpu.memory_space<hbm>> -> memref<200x64xf32, #tpu.memory_space<hbm>>
      %dma_start3A_196 = arith.constant 0 : i32
      %dma_start3A_197 = arith.constant 0 : i32
      %dma_start3A_198 = tpu.memref_slice %arg4[%add3A_188, %dma_start3A_196, %dma_start3A_197] : memref<4096x200x64xf32, #tpu.memory_space<hbm>> -> memref<1x200x64xf32, #tpu.memory_space<hbm>>
      %dma_start3A_199 = tpu.memref_squeeze %dma_start3A_198 : memref<1x200x64xf32, #tpu.memory_space<hbm>> -> memref<200x64xf32, #tpu.memory_space<hbm>>
      %dma_start3A_200 = arith.constant 0 : i32
      %dma_start3A_201 = arith.constant 0 : i32
      %dma_start3A_202 = tpu.memref_slice %arg6[%dma_start3A_200, %dma_start3A_201] : memref<1600x64xf32, #tpu.memory_space<vmem>> -> memref<200x64xf32, #tpu.memory_space<vmem>>
      tpu.enqueue_dma source(%dma_start3A_202 : memref<200x64xf32, #tpu.memory_space<vmem>>) target(%dma_start3A_199 : memref<200x64xf32, #tpu.memory_space<hbm>>) target_semaphore(%arg8 : memref<!tpu.dma_semaphore, #tpu.memory_space<semaphore_mem>>)
      %ge3A = arith.constant 3 : i32
      %ge3A_203 = arith.cmpi sge, %add3A_173, %ge3A : i32
      %add3A_204 = arith.constant 5 : i32
      %add3A_205 = arith.addi %add3A_173, %add3A_204 : i32
      %lt3A = arith.constant 128 : i32
      %lt3A_206 = arith.cmpi slt, %add3A_205, %lt3A : i32
      %and3A = arith.andi %ge3A_203, %lt3A_206 : i1
      %convert_element_type3A = arith.extui %and3A : i1 to i32
      %cond3A = arith.constant 0 : i32
      %cond3A_207 = arith.cmpi ne, %convert_element_type3A, %cond3A : i32
      scf.if %cond3A_207 {
        %dma_wait3A_558 = arith.constant 1000 : i32
        %dma_wait3A_559 = arith.constant 0 : i32
        %dma_wait3A_560 = tpu.memref_slice %arg6[%dma_wait3A_558, %dma_wait3A_559] : memref<1600x64xf32, #tpu.memory_space<vmem>> -> memref<200x64xf32, #tpu.memory_space<vmem>>
        %dma_wait3A_561 = arith.constant 0 : i32
        %dma_wait3A_562 = arith.constant 0 : i32
        %dma_wait3A_563 = tpu.memref_slice %arg4[%mul3A_2, %dma_wait3A_561, %dma_wait3A_562] : memref<4096x200x64xf32, #tpu.memory_space<hbm>> -> memref<1x200x64xf32, #tpu.memory_space<hbm>>
        %dma_wait3A_564 = tpu.memref_squeeze %dma_wait3A_563 : memref<1x200x64xf32, #tpu.memory_space<hbm>> -> memref<200x64xf32, #tpu.memory_space<hbm>>
        %dma_wait3A_565 = arith.constant 0 : i32
        %dma_wait3A_566 = arith.constant 0 : i32
        %dma_wait3A_567 = tpu.memref_slice %arg4[%mul3A_2, %dma_wait3A_565, %dma_wait3A_566] : memref<4096x200x64xf32, #tpu.memory_space<hbm>> -> memref<1x200x64xf32, #tpu.memory_space<hbm>>
        %dma_wait3A_568 = tpu.memref_squeeze %dma_wait3A_567 : memref<1x200x64xf32, #tpu.memory_space<hbm>> -> memref<200x64xf32, #tpu.memory_space<hbm>>
        %dma_wait3A_569 = arith.constant 1000 : i32
        %dma_wait3A_570 = arith.constant 0 : i32
        %dma_wait3A_571 = tpu.memref_slice %arg6[%dma_wait3A_569, %dma_wait3A_570] : memref<1600x64xf32, #tpu.memory_space<vmem>> -> memref<200x64xf32, #tpu.memory_space<vmem>>
        tpu.wait_dma2 semaphore(%arg8 : memref<!tpu.dma_semaphore, #tpu.memory_space<semaphore_mem>>) src(%dma_wait3A_571 : memref<200x64xf32, #tpu.memory_space<vmem>>) dst(%dma_wait3A_568 : memref<200x64xf32, #tpu.memory_space<hbm>>)
      } else {
      }
      %add3A_208 = arith.constant 5 : i32
      %add3A_209 = arith.addi %add3A_173, %add3A_208 : i32
      %lt3A_210 = arith.constant 128 : i32
      %lt3A_211 = arith.cmpi slt, %add3A_209, %lt3A_210 : i32
      %convert_element_type3A_212 = arith.extui %lt3A_211 : i1 to i32
      %cond3A_213 = arith.constant 0 : i32
      %cond3A_214 = arith.cmpi ne, %convert_element_type3A_212, %cond3A_213 : i32
      scf.if %cond3A_214 {
        %add3A_558 = arith.constant 5 : i32
        %add3A_559 = arith.addi %add3A_173, %add3A_558 : i32
        %dma_start3A_560 = arith.constant 1000 : i32
        %dma_start3A_561 = arith.constant 0 : i32
        %dma_start3A_562 = tpu.memref_slice %arg6[%dma_start3A_560, %dma_start3A_561] : memref<1600x64xf32, #tpu.memory_space<vmem>> -> memref<200x64xf32, #tpu.memory_space<vmem>>
        %dma_start3A_563 = arith.constant 0 : i32
        %dma_start3A_564 = tpu.memref_slice %arg5[%add3A_559, %dma_start3A_563] : memref<128x200xi32, #tpu.memory_space<vmem>> -> memref<1x200xi32, #tpu.memory_space<vmem>>
        %dma_start3A_565 = tpu.memref_squeeze %dma_start3A_564 : memref<1x200xi32, #tpu.memory_space<vmem>> -> memref<200xi32, #tpu.memory_space<vmem>>
        %dma_start3A_566 = arith.constant 0 : i32
        %dma_start3A_567 = arith.constant 0 : i32
        %dma_start3A_568 = tpu.memref_slice %arg3[%dma_start3A_566, %dma_start3A_567] : memref<1000000x64xf32, #tpu.memory_space<hbm>> -> memref<1000000x64xf32, #tpu.memory_space<hbm>>
        tpu.enqueue_indirect_dma source(%dma_start3A_568 : memref<1000000x64xf32, #tpu.memory_space<hbm>>) target(%dma_start3A_562 : memref<200x64xf32, #tpu.memory_space<vmem>>) offsets(%dma_start3A_565 : memref<200xi32, #tpu.memory_space<vmem>>) semaphore(%arg7 : memref<!tpu.dma_semaphore, #tpu.memory_space<semaphore_mem>>)
      } else {
      }
      %add3A_215 = arith.constant 1 : i32
      %add3A_216 = arith.addi %add3A_171, %add3A_215 : i32
      %dma_wait3A_217 = arith.constant 200 : i32
      %dma_wait3A_218 = arith.constant 0 : i32
      %dma_wait3A_219 = tpu.memref_slice %arg6[%dma_wait3A_217, %dma_wait3A_218] : memref<1600x64xf32, #tpu.memory_space<vmem>> -> memref<200x64xf32, #tpu.memory_space<vmem>>
      %dma_wait3A_220 = arith.constant 0 : i32
      %dma_wait3A_221 = arith.constant 0 : i32
      %dma_wait3A_222 = tpu.memref_slice %arg3[%dma_wait3A_220, %dma_wait3A_221] : memref<1000000x64xf32, #tpu.memory_space<hbm>> -> memref<200x64xf32, #tpu.memory_space<hbm>>
      %dma_wait3A_223 = arith.constant 200 : i32
      %dma_wait3A_224 = arith.constant 0 : i32
      %dma_wait3A_225 = tpu.memref_slice %arg6[%dma_wait3A_223, %dma_wait3A_224] : memref<1600x64xf32, #tpu.memory_space<vmem>> -> memref<200x64xf32, #tpu.memory_space<vmem>>
      %dma_wait3A_226 = arith.constant 0 : i32
      %dma_wait3A_227 = arith.constant 0 : i32
      %dma_wait3A_228 = tpu.memref_slice %arg3[%dma_wait3A_226, %dma_wait3A_227] : memref<1000000x64xf32, #tpu.memory_space<hbm>> -> memref<200x64xf32, #tpu.memory_space<hbm>>
      tpu.wait_dma2 semaphore(%arg7 : memref<!tpu.dma_semaphore, #tpu.memory_space<semaphore_mem>>) src(%dma_wait3A_228 : memref<200x64xf32, #tpu.memory_space<hbm>>) dst(%dma_wait3A_225 : memref<200x64xf32, #tpu.memory_space<vmem>>)
      %parallel_loop3A_229 = arith.constant 0 : i32
      %parallel_loop3A_230 = arith.constant 200 : i32
      %parallel_loop3A_231 = arith.constant 1 : i32
      scf.for %parallel_loop3A_558 = %parallel_loop3A_229 to %parallel_loop3A_230 step %parallel_loop3A_231  : i32 {
        %parallel_loop3A_559 = arith.constant 200 : i32
        %parallel_loop3A_560 = arith.addi %parallel_loop3A_559, %parallel_loop3A_558 : i32
        %parallel_loop3A_561 = arith.index_cast %parallel_loop3A_560 : i32 to index
        %parallel_loop3A_562 = arith.constant 0 : index
        %parallel_loop3A_563 = tpu.vector_load %arg6[%parallel_loop3A_561, %parallel_loop3A_562] {strides = array<i32>} : memref<1600x64xf32, #tpu.memory_space<vmem>>, vector<1x16xf32>,
        %parallel_loop3A_564 = vector.shape_cast %parallel_loop3A_563 : vector<1x16xf32> to vector<16xf32>
        %parallel_loop3A_565 = arith.constant 8.000000e+00 : f32
        %parallel_loop3A_566 = vector.broadcast %parallel_loop3A_565 : f32 to vector<16xf32>
        %parallel_loop3A_567 = arith.mulf %parallel_loop3A_564, %parallel_loop3A_566 : vector<16xf32>
        %parallel_loop3A_568 = arith.index_cast %parallel_loop3A_560 : i32 to index
        %parallel_loop3A_569 = arith.constant 0 : index
        %parallel_loop3A_570 = tpu.vector_load %arg6[%parallel_loop3A_568, %parallel_loop3A_569] {strides = array<i32>} : memref<1600x64xf32, #tpu.memory_space<vmem>>, vector<1x16xf32>,
        %parallel_loop3A_571 = vector.shape_cast %parallel_loop3A_570 : vector<1x16xf32> to vector<16xf32>
        %parallel_loop3A_572 = vector.shape_cast %parallel_loop3A_567 : vector<16xf32> to vector<1x16xf32>
        tpu.vector_store %arg6[%parallel_loop3A_568, %parallel_loop3A_569], %parallel_loop3A_572 {strides = array<i32>} : memref<1600x64xf32, #tpu.memory_space<vmem>>, vector<1x16xf32>,
        %parallel_loop3A_573 = arith.constant 200 : i32
        %parallel_loop3A_574 = arith.addi %parallel_loop3A_573, %parallel_loop3A_558 : i32
        %parallel_loop3A_575 = arith.index_cast %parallel_loop3A_574 : i32 to index
        %parallel_loop3A_576 = arith.constant 16 : index
        %parallel_loop3A_577 = tpu.vector_load %arg6[%parallel_loop3A_575, %parallel_loop3A_576] {strides = array<i32>} : memref<1600x64xf32, #tpu.memory_space<vmem>>, vector<1x16xf32>,
        %parallel_loop3A_578 = vector.shape_cast %parallel_loop3A_577 : vector<1x16xf32> to vector<16xf32>
        %parallel_loop3A_579 = arith.constant 8.000000e+00 : f32
        %parallel_loop3A_580 = vector.broadcast %parallel_loop3A_579 : f32 to vector<16xf32>
        %parallel_loop3A_581 = arith.mulf %parallel_loop3A_578, %parallel_loop3A_580 : vector<16xf32>
        %parallel_loop3A_582 = arith.index_cast %parallel_loop3A_574 : i32 to index
        %parallel_loop3A_583 = arith.constant 16 : index
        %parallel_loop3A_584 = tpu.vector_load %arg6[%parallel_loop3A_582, %parallel_loop3A_583] {strides = array<i32>} : memref<1600x64xf32, #tpu.memory_space<vmem>>, vector<1x16xf32>,
        %parallel_loop3A_585 = vector.shape_cast %parallel_loop3A_584 : vector<1x16xf32> to vector<16xf32>
        %parallel_loop3A_586 = vector.shape_cast %parallel_loop3A_581 : vector<16xf32> to vector<1x16xf32>
        tpu.vector_store %arg6[%parallel_loop3A_582, %parallel_loop3A_583], %parallel_loop3A_586 {strides = array<i32>} : memref<1600x64xf32, #tpu.memory_space<vmem>>, vector<1x16xf32>,
        %parallel_loop3A_587 = arith.constant 200 : i32
        %parallel_loop3A_588 = arith.addi %parallel_loop3A_587, %parallel_loop3A_558 : i32
        %parallel_loop3A_589 = arith.index_cast %parallel_loop3A_588 : i32 to index
        %parallel_loop3A_590 = arith.constant 32 : index
        %parallel_loop3A_591 = tpu.vector_load %arg6[%parallel_loop3A_589, %parallel_loop3A_590] {strides = array<i32>} : memref<1600x64xf32, #tpu.memory_space<vmem>>, vector<1x16xf32>,
        %parallel_loop3A_592 = vector.shape_cast %parallel_loop3A_591 : vector<1x16xf32> to vector<16xf32>
        %parallel_loop3A_593 = arith.constant 8.000000e+00 : f32
        %parallel_loop3A_594 = vector.broadcast %parallel_loop3A_593 : f32 to vector<16xf32>
        %parallel_loop3A_595 = arith.mulf %parallel_loop3A_592, %parallel_loop3A_594 : vector<16xf32>
        %parallel_loop3A_596 = arith.index_cast %parallel_loop3A_588 : i32 to index
        %parallel_loop3A_597 = arith.constant 32 : index
        %parallel_loop3A_598 = tpu.vector_load %arg6[%parallel_loop3A_596, %parallel_loop3A_597] {strides = array<i32>} : memref<1600x64xf32, #tpu.memory_space<vmem>>, vector<1x16xf32>,
        %parallel_loop3A_599 = vector.shape_cast %parallel_loop3A_598 : vector<1x16xf32> to vector<16xf32>
        %parallel_loop3A_600 = vector.shape_cast %parallel_loop3A_595 : vector<16xf32> to vector<1x16xf32>
        tpu.vector_store %arg6[%parallel_loop3A_596, %parallel_loop3A_597], %parallel_loop3A_600 {strides = array<i32>} : memref<1600x64xf32, #tpu.memory_space<vmem>>, vector<1x16xf32>,
        %parallel_loop3A_601 = arith.constant 200 : i32
        %parallel_loop3A_602 = arith.addi %parallel_loop3A_601, %parallel_loop3A_558 : i32
        %parallel_loop3A_603 = arith.index_cast %parallel_loop3A_602 : i32 to index
        %parallel_loop3A_604 = arith.constant 48 : index
        %parallel_loop3A_605 = tpu.vector_load %arg6[%parallel_loop3A_603, %parallel_loop3A_604] {strides = array<i32>} : memref<1600x64xf32, #tpu.memory_space<vmem>>, vector<1x16xf32>,
        %parallel_loop3A_606 = vector.shape_cast %parallel_loop3A_605 : vector<1x16xf32> to vector<16xf32>
        %parallel_loop3A_607 = arith.constant 8.000000e+00 : f32
        %parallel_loop3A_608 = vector.broadcast %parallel_loop3A_607 : f32 to vector<16xf32>
        %parallel_loop3A_609 = arith.mulf %parallel_loop3A_606, %parallel_loop3A_608 : vector<16xf32>
        %parallel_loop3A_610 = arith.index_cast %parallel_loop3A_602 : i32 to index
        %parallel_loop3A_611 = arith.constant 48 : index
        %parallel_loop3A_612 = tpu.vector_load %arg6[%parallel_loop3A_610, %parallel_loop3A_611] {strides = array<i32>} : memref<1600x64xf32, #tpu.memory_space<vmem>>, vector<1x16xf32>,
        %parallel_loop3A_613 = vector.shape_cast %parallel_loop3A_612 : vector<1x16xf32> to vector<16xf32>
        %parallel_loop3A_614 = vector.shape_cast %parallel_loop3A_609 : vector<16xf32> to vector<1x16xf32>
        tpu.vector_store %arg6[%parallel_loop3A_610, %parallel_loop3A_611], %parallel_loop3A_614 {strides = array<i32>} : memref<1600x64xf32, #tpu.memory_space<vmem>>, vector<1x16xf32>,
      } {sc.loop_unroll_factor = 8 : i64, sc.parallel_access}
      %add3A_232 = arith.addi %mul3A_2, %add3A_216 : i32
      %dma_start3A_233 = arith.constant 200 : i32
      %dma_start3A_234 = arith.constant 0 : i32
      %dma_start3A_235 = tpu.memref_slice %arg6[%dma_start3A_233, %dma_start3A_234] : memref<1600x64xf32, #tpu.memory_space<vmem>> -> memref<200x64xf32, #tpu.memory_space<vmem>>
      %dma_start3A_236 = arith.constant 0 : i32
      %dma_start3A_237 = arith.constant 0 : i32
      %dma_start3A_238 = tpu.memref_slice %arg4[%add3A_232, %dma_start3A_236, %dma_start3A_237] : memref<4096x200x64xf32, #tpu.memory_space<hbm>> -> memref<1x200x64xf32, #tpu.memory_space<hbm>>
      %dma_start3A_239 = tpu.memref_squeeze %dma_start3A_238 : memref<1x200x64xf32, #tpu.memory_space<hbm>> -> memref<200x64xf32, #tpu.memory_space<hbm>>
      %dma_start3A_240 = arith.constant 0 : i32
      %dma_start3A_241 = arith.constant 0 : i32
      %dma_start3A_242 = tpu.memref_slice %arg4[%add3A_232, %dma_start3A_240, %dma_start3A_241] : memref<4096x200x64xf32, #tpu.memory_space<hbm>> -> memref<1x200x64xf32, #tpu.memory_space<hbm>>
      %dma_start3A_243 = tpu.memref_squeeze %dma_start3A_242 : memref<1x200x64xf32, #tpu.memory_space<hbm>> -> memref<200x64xf32, #tpu.memory_space<hbm>>
      %dma_start3A_244 = arith.constant 200 : i32
      %dma_start3A_245 = arith.constant 0 : i32
      %dma_start3A_246 = tpu.memref_slice %arg6[%dma_start3A_244, %dma_start3A_245] : memref<1600x64xf32, #tpu.memory_space<vmem>> -> memref<200x64xf32, #tpu.memory_space<vmem>>
      tpu.enqueue_dma source(%dma_start3A_246 : memref<200x64xf32, #tpu.memory_space<vmem>>) target(%dma_start3A_243 : memref<200x64xf32, #tpu.memory_space<hbm>>) target_semaphore(%arg8 : memref<!tpu.dma_semaphore, #tpu.memory_space<semaphore_mem>>)
      %ge3A_247 = arith.constant 3 : i32
      %ge3A_248 = arith.cmpi sge, %add3A_216, %ge3A_247 : i32
      %add3A_249 = arith.constant 5 : i32
      %add3A_250 = arith.addi %add3A_216, %add3A_249 : i32
      %lt3A_251 = arith.constant 128 : i32
      %lt3A_252 = arith.cmpi slt, %add3A_250, %lt3A_251 : i32
      %and3A_253 = arith.andi %ge3A_248, %lt3A_252 : i1
      %convert_element_type3A_254 = arith.extui %and3A_253 : i1 to i32
      %cond3A_255 = arith.constant 0 : i32
      %cond3A_256 = arith.cmpi ne, %convert_element_type3A_254, %cond3A_255 : i32
      scf.if %cond3A_256 {
        %dma_wait3A_558 = arith.constant 1200 : i32
        %dma_wait3A_559 = arith.constant 0 : i32
        %dma_wait3A_560 = tpu.memref_slice %arg6[%dma_wait3A_558, %dma_wait3A_559] : memref<1600x64xf32, #tpu.memory_space<vmem>> -> memref<200x64xf32, #tpu.memory_space<vmem>>
        %dma_wait3A_561 = arith.constant 0 : i32
        %dma_wait3A_562 = arith.constant 0 : i32
        %dma_wait3A_563 = tpu.memref_slice %arg4[%mul3A_2, %dma_wait3A_561, %dma_wait3A_562] : memref<4096x200x64xf32, #tpu.memory_space<hbm>> -> memref<1x200x64xf32, #tpu.memory_space<hbm>>
        %dma_wait3A_564 = tpu.memref_squeeze %dma_wait3A_563 : memref<1x200x64xf32, #tpu.memory_space<hbm>> -> memref<200x64xf32, #tpu.memory_space<hbm>>
        %dma_wait3A_565 = arith.constant 0 : i32
        %dma_wait3A_566 = arith.constant 0 : i32
        %dma_wait3A_567 = tpu.memref_slice %arg4[%mul3A_2, %dma_wait3A_565, %dma_wait3A_566] : memref<4096x200x64xf32, #tpu.memory_space<hbm>> -> memref<1x200x64xf32, #tpu.memory_space<hbm>>
        %dma_wait3A_568 = tpu.memref_squeeze %dma_wait3A_567 : memref<1x200x64xf32, #tpu.memory_space<hbm>> -> memref<200x64xf32, #tpu.memory_space<hbm>>
        %dma_wait3A_569 = arith.constant 1200 : i32
        %dma_wait3A_570 = arith.constant 0 : i32
        %dma_wait3A_571 = tpu.memref_slice %arg6[%dma_wait3A_569, %dma_wait3A_570] : memref<1600x64xf32, #tpu.memory_space<vmem>> -> memref<200x64xf32, #tpu.memory_space<vmem>>
        tpu.wait_dma2 semaphore(%arg8 : memref<!tpu.dma_semaphore, #tpu.memory_space<semaphore_mem>>) src(%dma_wait3A_571 : memref<200x64xf32, #tpu.memory_space<vmem>>) dst(%dma_wait3A_568 : memref<200x64xf32, #tpu.memory_space<hbm>>)
      } else {
      }
      %add3A_257 = arith.constant 5 : i32
      %add3A_258 = arith.addi %add3A_216, %add3A_257 : i32
      %lt3A_259 = arith.constant 128 : i32
      %lt3A_260 = arith.cmpi slt, %add3A_258, %lt3A_259 : i32
      %convert_element_type3A_261 = arith.extui %lt3A_260 : i1 to i32
      %cond3A_262 = arith.constant 0 : i32
      %cond3A_263 = arith.cmpi ne, %convert_element_type3A_261, %cond3A_262 : i32
      scf.if %cond3A_263 {
        %add3A_558 = arith.constant 5 : i32
        %add3A_559 = arith.addi %add3A_216, %add3A_558 : i32
        %dma_start3A_560 = arith.constant 1200 : i32
        %dma_start3A_561 = arith.constant 0 : i32
        %dma_start3A_562 = tpu.memref_slice %arg6[%dma_start3A_560, %dma_start3A_561] : memref<1600x64xf32, #tpu.memory_space<vmem>> -> memref<200x64xf32, #tpu.memory_space<vmem>>
        %dma_start3A_563 = arith.constant 0 : i32
        %dma_start3A_564 = tpu.memref_slice %arg5[%add3A_559, %dma_start3A_563] : memref<128x200xi32, #tpu.memory_space<vmem>> -> memref<1x200xi32, #tpu.memory_space<vmem>>
        %dma_start3A_565 = tpu.memref_squeeze %dma_start3A_564 : memref<1x200xi32, #tpu.memory_space<vmem>> -> memref<200xi32, #tpu.memory_space<vmem>>
        %dma_start3A_566 = arith.constant 0 : i32
        %dma_start3A_567 = arith.constant 0 : i32
        %dma_start3A_568 = tpu.memref_slice %arg3[%dma_start3A_566, %dma_start3A_567] : memref<1000000x64xf32, #tpu.memory_space<hbm>> -> memref<1000000x64xf32, #tpu.memory_space<hbm>>
        tpu.enqueue_indirect_dma source(%dma_start3A_568 : memref<1000000x64xf32, #tpu.memory_space<hbm>>) target(%dma_start3A_562 : memref<200x64xf32, #tpu.memory_space<vmem>>) offsets(%dma_start3A_565 : memref<200xi32, #tpu.memory_space<vmem>>) semaphore(%arg7 : memref<!tpu.dma_semaphore, #tpu.memory_space<semaphore_mem>>)
      } else {
      }
      %add3A_264 = arith.constant 2 : i32
      %add3A_265 = arith.addi %add3A_171, %add3A_264 : i32
      %dma_wait3A_266 = arith.constant 400 : i32
      %dma_wait3A_267 = arith.constant 0 : i32
      %dma_wait3A_268 = tpu.memref_slice %arg6[%dma_wait3A_266, %dma_wait3A_267] : memref<1600x64xf32, #tpu.memory_space<vmem>> -> memref<200x64xf32, #tpu.memory_space<vmem>>
      %dma_wait3A_269 = arith.constant 0 : i32
      %dma_wait3A_270 = arith.constant 0 : i32
      %dma_wait3A_271 = tpu.memref_slice %arg3[%dma_wait3A_269, %dma_wait3A_270] : memref<1000000x64xf32, #tpu.memory_space<hbm>> -> memref<200x64xf32, #tpu.memory_space<hbm>>
      %dma_wait3A_272 = arith.constant 400 : i32
      %dma_wait3A_273 = arith.constant 0 : i32
      %dma_wait3A_274 = tpu.memref_slice %arg6[%dma_wait3A_272, %dma_wait3A_273] : memref<1600x64xf32, #tpu.memory_space<vmem>> -> memref<200x64xf32, #tpu.memory_space<vmem>>
      %dma_wait3A_275 = arith.constant 0 : i32
      %dma_wait3A_276 = arith.constant 0 : i32
      %dma_wait3A_277 = tpu.memref_slice %arg3[%dma_wait3A_275, %dma_wait3A_276] : memref<1000000x64xf32, #tpu.memory_space<hbm>> -> memref<200x64xf32, #tpu.memory_space<hbm>>
      tpu.wait_dma2 semaphore(%arg7 : memref<!tpu.dma_semaphore, #tpu.memory_space<semaphore_mem>>) src(%dma_wait3A_277 : memref<200x64xf32, #tpu.memory_space<hbm>>) dst(%dma_wait3A_274 : memref<200x64xf32, #tpu.memory_space<vmem>>)
      %parallel_loop3A_278 = arith.constant 0 : i32
      %parallel_loop3A_279 = arith.constant 200 : i32
      %parallel_loop3A_280 = arith.constant 1 : i32
      scf.for %parallel_loop3A_558 = %parallel_loop3A_278 to %parallel_loop3A_279 step %parallel_loop3A_280  : i32 {
        %parallel_loop3A_559 = arith.constant 400 : i32
        %parallel_loop3A_560 = arith.addi %parallel_loop3A_559, %parallel_loop3A_558 : i32
        %parallel_loop3A_561 = arith.index_cast %parallel_loop3A_560 : i32 to index
        %parallel_loop3A_562 = arith.constant 0 : index
        %parallel_loop3A_563 = tpu.vector_load %arg6[%parallel_loop3A_561, %parallel_loop3A_562] {strides = array<i32>} : memref<1600x64xf32, #tpu.memory_space<vmem>>, vector<1x16xf32>,
        %parallel_loop3A_564 = vector.shape_cast %parallel_loop3A_563 : vector<1x16xf32> to vector<16xf32>
        %parallel_loop3A_565 = arith.constant 8.000000e+00 : f32
        %parallel_loop3A_566 = vector.broadcast %parallel_loop3A_565 : f32 to vector<16xf32>
        %parallel_loop3A_567 = arith.mulf %parallel_loop3A_564, %parallel_loop3A_566 : vector<16xf32>
        %parallel_loop3A_568 = arith.index_cast %parallel_loop3A_560 : i32 to index
        %parallel_loop3A_569 = arith.constant 0 : index
        %parallel_loop3A_570 = tpu.vector_load %arg6[%parallel_loop3A_568, %parallel_loop3A_569] {strides = array<i32>} : memref<1600x64xf32, #tpu.memory_space<vmem>>, vector<1x16xf32>,
        %parallel_loop3A_571 = vector.shape_cast %parallel_loop3A_570 : vector<1x16xf32> to vector<16xf32>
        %parallel_loop3A_572 = vector.shape_cast %parallel_loop3A_567 : vector<16xf32> to vector<1x16xf32>
        tpu.vector_store %arg6[%parallel_loop3A_568, %parallel_loop3A_569], %parallel_loop3A_572 {strides = array<i32>} : memref<1600x64xf32, #tpu.memory_space<vmem>>, vector<1x16xf32>,
        %parallel_loop3A_573 = arith.constant 400 : i32
        %parallel_loop3A_574 = arith.addi %parallel_loop3A_573, %parallel_loop3A_558 : i32
        %parallel_loop3A_575 = arith.index_cast %parallel_loop3A_574 : i32 to index
        %parallel_loop3A_576 = arith.constant 16 : index
        %parallel_loop3A_577 = tpu.vector_load %arg6[%parallel_loop3A_575, %parallel_loop3A_576] {strides = array<i32>} : memref<1600x64xf32, #tpu.memory_space<vmem>>, vector<1x16xf32>,
        %parallel_loop3A_578 = vector.shape_cast %parallel_loop3A_577 : vector<1x16xf32> to vector<16xf32>
        %parallel_loop3A_579 = arith.constant 8.000000e+00 : f32
        %parallel_loop3A_580 = vector.broadcast %parallel_loop3A_579 : f32 to vector<16xf32>
        %parallel_loop3A_581 = arith.mulf %parallel_loop3A_578, %parallel_loop3A_580 : vector<16xf32>
        %parallel_loop3A_582 = arith.index_cast %parallel_loop3A_574 : i32 to index
        %parallel_loop3A_583 = arith.constant 16 : index
        %parallel_loop3A_584 = tpu.vector_load %arg6[%parallel_loop3A_582, %parallel_loop3A_583] {strides = array<i32>} : memref<1600x64xf32, #tpu.memory_space<vmem>>, vector<1x16xf32>,
        %parallel_loop3A_585 = vector.shape_cast %parallel_loop3A_584 : vector<1x16xf32> to vector<16xf32>
        %parallel_loop3A_586 = vector.shape_cast %parallel_loop3A_581 : vector<16xf32> to vector<1x16xf32>
        tpu.vector_store %arg6[%parallel_loop3A_582, %parallel_loop3A_583], %parallel_loop3A_586 {strides = array<i32>} : memref<1600x64xf32, #tpu.memory_space<vmem>>, vector<1x16xf32>,
        %parallel_loop3A_587 = arith.constant 400 : i32
        %parallel_loop3A_588 = arith.addi %parallel_loop3A_587, %parallel_loop3A_558 : i32
        %parallel_loop3A_589 = arith.index_cast %parallel_loop3A_588 : i32 to index
        %parallel_loop3A_590 = arith.constant 32 : index
        %parallel_loop3A_591 = tpu.vector_load %arg6[%parallel_loop3A_589, %parallel_loop3A_590] {strides = array<i32>} : memref<1600x64xf32, #tpu.memory_space<vmem>>, vector<1x16xf32>,
        %parallel_loop3A_592 = vector.shape_cast %parallel_loop3A_591 : vector<1x16xf32> to vector<16xf32>
        %parallel_loop3A_593 = arith.constant 8.000000e+00 : f32
        %parallel_loop3A_594 = vector.broadcast %parallel_loop3A_593 : f32 to vector<16xf32>
        %parallel_loop3A_595 = arith.mulf %parallel_loop3A_592, %parallel_loop3A_594 : vector<16xf32>
        %parallel_loop3A_596 = arith.index_cast %parallel_loop3A_588 : i32 to index
        %parallel_loop3A_597 = arith.constant 32 : index
        %parallel_loop3A_598 = tpu.vector_load %arg6[%parallel_loop3A_596, %parallel_loop3A_597] {strides = array<i32>} : memref<1600x64xf32, #tpu.memory_space<vmem>>, vector<1x16xf32>,
        %parallel_loop3A_599 = vector.shape_cast %parallel_loop3A_598 : vector<1x16xf32> to vector<16xf32>
        %parallel_loop3A_600 = vector.shape_cast %parallel_loop3A_595 : vector<16xf32> to vector<1x16xf32>
        tpu.vector_store %arg6[%parallel_loop3A_596, %parallel_loop3A_597], %parallel_loop3A_600 {strides = array<i32>} : memref<1600x64xf32, #tpu.memory_space<vmem>>, vector<1x16xf32>,
        %parallel_loop3A_601 = arith.constant 400 : i32
        %parallel_loop3A_602 = arith.addi %parallel_loop3A_601, %parallel_loop3A_558 : i32
        %parallel_loop3A_603 = arith.index_cast %parallel_loop3A_602 : i32 to index
        %parallel_loop3A_604 = arith.constant 48 : index
        %parallel_loop3A_605 = tpu.vector_load %arg6[%parallel_loop3A_603, %parallel_loop3A_604] {strides = array<i32>} : memref<1600x64xf32, #tpu.memory_space<vmem>>, vector<1x16xf32>,
        %parallel_loop3A_606 = vector.shape_cast %parallel_loop3A_605 : vector<1x16xf32> to vector<16xf32>
        %parallel_loop3A_607 = arith.constant 8.000000e+00 : f32
        %parallel_loop3A_608 = vector.broadcast %parallel_loop3A_607 : f32 to vector<16xf32>
        %parallel_loop3A_609 = arith.mulf %parallel_loop3A_606, %parallel_loop3A_608 : vector<16xf32>
        %parallel_loop3A_610 = arith.index_cast %parallel_loop3A_602 : i32 to index
        %parallel_loop3A_611 = arith.constant 48 : index
        %parallel_loop3A_612 = tpu.vector_load %arg6[%parallel_loop3A_610, %parallel_loop3A_611] {strides = array<i32>} : memref<1600x64xf32, #tpu.memory_space<vmem>>, vector<1x16xf32>,
        %parallel_loop3A_613 = vector.shape_cast %parallel_loop3A_612 : vector<1x16xf32> to vector<16xf32>
        %parallel_loop3A_614 = vector.shape_cast %parallel_loop3A_609 : vector<16xf32> to vector<1x16xf32>
        tpu.vector_store %arg6[%parallel_loop3A_610, %parallel_loop3A_611], %parallel_loop3A_614 {strides = array<i32>} : memref<1600x64xf32, #tpu.memory_space<vmem>>, vector<1x16xf32>,
      } {sc.loop_unroll_factor = 8 : i64, sc.parallel_access}
      %add3A_281 = arith.addi %mul3A_2, %add3A_265 : i32
      %dma_start3A_282 = arith.constant 400 : i32
      %dma_start3A_283 = arith.constant 0 : i32
      %dma_start3A_284 = tpu.memref_slice %arg6[%dma_start3A_282, %dma_start3A_283] : memref<1600x64xf32, #tpu.memory_space<vmem>> -> memref<200x64xf32, #tpu.memory_space<vmem>>
      %dma_start3A_285 = arith.constant 0 : i32
      %dma_start3A_286 = arith.constant 0 : i32
      %dma_start3A_287 = tpu.memref_slice %arg4[%add3A_281, %dma_start3A_285, %dma_start3A_286] : memref<4096x200x64xf32, #tpu.memory_space<hbm>> -> memref<1x200x64xf32, #tpu.memory_space<hbm>>
      %dma_start3A_288 = tpu.memref_squeeze %dma_start3A_287 : memref<1x200x64xf32, #tpu.memory_space<hbm>> -> memref<200x64xf32, #tpu.memory_space<hbm>>
      %dma_start3A_289 = arith.constant 0 : i32
      %dma_start3A_290 = arith.constant 0 : i32
      %dma_start3A_291 = tpu.memref_slice %arg4[%add3A_281, %dma_start3A_289, %dma_start3A_290] : memref<4096x200x64xf32, #tpu.memory_space<hbm>> -> memref<1x200x64xf32, #tpu.memory_space<hbm>>
      %dma_start3A_292 = tpu.memref_squeeze %dma_start3A_291 : memref<1x200x64xf32, #tpu.memory_space<hbm>> -> memref<200x64xf32, #tpu.memory_space<hbm>>
      %dma_start3A_293 = arith.constant 400 : i32
      %dma_start3A_294 = arith.constant 0 : i32
      %dma_start3A_295 = tpu.memref_slice %arg6[%dma_start3A_293, %dma_start3A_294] : memref<1600x64xf32, #tpu.memory_space<vmem>> -> memref<200x64xf32, #tpu.memory_space<vmem>>
      tpu.enqueue_dma source(%dma_start3A_295 : memref<200x64xf32, #tpu.memory_space<vmem>>) target(%dma_start3A_292 : memref<200x64xf32, #tpu.memory_space<hbm>>) target_semaphore(%arg8 : memref<!tpu.dma_semaphore, #tpu.memory_space<semaphore_mem>>)
      %ge3A_296 = arith.constant 3 : i32
      %ge3A_297 = arith.cmpi sge, %add3A_265, %ge3A_296 : i32
      %add3A_298 = arith.constant 5 : i32
      %add3A_299 = arith.addi %add3A_265, %add3A_298 : i32
      %lt3A_300 = arith.constant 128 : i32
      %lt3A_301 = arith.cmpi slt, %add3A_299, %lt3A_300 : i32
      %and3A_302 = arith.andi %ge3A_297, %lt3A_301 : i1
      %convert_element_type3A_303 = arith.extui %and3A_302 : i1 to i32
      %cond3A_304 = arith.constant 0 : i32
      %cond3A_305 = arith.cmpi ne, %convert_element_type3A_303, %cond3A_304 : i32
      scf.if %cond3A_305 {
        %dma_wait3A_558 = arith.constant 1400 : i32
        %dma_wait3A_559 = arith.constant 0 : i32
        %dma_wait3A_560 = tpu.memref_slice %arg6[%dma_wait3A_558, %dma_wait3A_559] : memref<1600x64xf32, #tpu.memory_space<vmem>> -> memref<200x64xf32, #tpu.memory_space<vmem>>
        %dma_wait3A_561 = arith.constant 0 : i32
        %dma_wait3A_562 = arith.constant 0 : i32
        %dma_wait3A_563 = tpu.memref_slice %arg4[%mul3A_2, %dma_wait3A_561, %dma_wait3A_562] : memref<4096x200x64xf32, #tpu.memory_space<hbm>> -> memref<1x200x64xf32, #tpu.memory_space<hbm>>
        %dma_wait3A_564 = tpu.memref_squeeze %dma_wait3A_563 : memref<1x200x64xf32, #tpu.memory_space<hbm>> -> memref<200x64xf32, #tpu.memory_space<hbm>>
        %dma_wait3A_565 = arith.constant 0 : i32
        %dma_wait3A_566 = arith.constant 0 : i32
        %dma_wait3A_567 = tpu.memref_slice %arg4[%mul3A_2, %dma_wait3A_565, %dma_wait3A_566] : memref<4096x200x64xf32, #tpu.memory_space<hbm>> -> memref<1x200x64xf32, #tpu.memory_space<hbm>>
        %dma_wait3A_568 = tpu.memref_squeeze %dma_wait3A_567 : memref<1x200x64xf32, #tpu.memory_space<hbm>> -> memref<200x64xf32, #tpu.memory_space<hbm>>
        %dma_wait3A_569 = arith.constant 1400 : i32
        %dma_wait3A_570 = arith.constant 0 : i32
        %dma_wait3A_571 = tpu.memref_slice %arg6[%dma_wait3A_569, %dma_wait3A_570] : memref<1600x64xf32, #tpu.memory_space<vmem>> -> memref<200x64xf32, #tpu.memory_space<vmem>>
        tpu.wait_dma2 semaphore(%arg8 : memref<!tpu.dma_semaphore, #tpu.memory_space<semaphore_mem>>) src(%dma_wait3A_571 : memref<200x64xf32, #tpu.memory_space<vmem>>) dst(%dma_wait3A_568 : memref<200x64xf32, #tpu.memory_space<hbm>>)
      } else {
      }
      %add3A_306 = arith.constant 5 : i32
      %add3A_307 = arith.addi %add3A_265, %add3A_306 : i32
      %lt3A_308 = arith.constant 128 : i32
      %lt3A_309 = arith.cmpi slt, %add3A_307, %lt3A_308 : i32
      %convert_element_type3A_310 = arith.extui %lt3A_309 : i1 to i32
      %cond3A_311 = arith.constant 0 : i32
      %cond3A_312 = arith.cmpi ne, %convert_element_type3A_310, %cond3A_311 : i32
      scf.if %cond3A_312 {
        %add3A_558 = arith.constant 5 : i32
        %add3A_559 = arith.addi %add3A_265, %add3A_558 : i32
        %dma_start3A_560 = arith.constant 1400 : i32
        %dma_start3A_561 = arith.constant 0 : i32
        %dma_start3A_562 = tpu.memref_slice %arg6[%dma_start3A_560, %dma_start3A_561] : memref<1600x64xf32, #tpu.memory_space<vmem>> -> memref<200x64xf32, #tpu.memory_space<vmem>>
        %dma_start3A_563 = arith.constant 0 : i32
        %dma_start3A_564 = tpu.memref_slice %arg5[%add3A_559, %dma_start3A_563] : memref<128x200xi32, #tpu.memory_space<vmem>> -> memref<1x200xi32, #tpu.memory_space<vmem>>
        %dma_start3A_565 = tpu.memref_squeeze %dma_start3A_564 : memref<1x200xi32, #tpu.memory_space<vmem>> -> memref<200xi32, #tpu.memory_space<vmem>>
        %dma_start3A_566 = arith.constant 0 : i32
        %dma_start3A_567 = arith.constant 0 : i32
        %dma_start3A_568 = tpu.memref_slice %arg3[%dma_start3A_566, %dma_start3A_567] : memref<1000000x64xf32, #tpu.memory_space<hbm>> -> memref<1000000x64xf32, #tpu.memory_space<hbm>>
        tpu.enqueue_indirect_dma source(%dma_start3A_568 : memref<1000000x64xf32, #tpu.memory_space<hbm>>) target(%dma_start3A_562 : memref<200x64xf32, #tpu.memory_space<vmem>>) offsets(%dma_start3A_565 : memref<200xi32, #tpu.memory_space<vmem>>) semaphore(%arg7 : memref<!tpu.dma_semaphore, #tpu.memory_space<semaphore_mem>>)
      } else {
      }
      %add3A_313 = arith.constant 3 : i32
      %add3A_314 = arith.addi %add3A_171, %add3A_313 : i32
      %dma_wait3A_315 = arith.constant 600 : i32
      %dma_wait3A_316 = arith.constant 0 : i32
      %dma_wait3A_317 = tpu.memref_slice %arg6[%dma_wait3A_315, %dma_wait3A_316] : memref<1600x64xf32, #tpu.memory_space<vmem>> -> memref<200x64xf32, #tpu.memory_space<vmem>>
      %dma_wait3A_318 = arith.constant 0 : i32
      %dma_wait3A_319 = arith.constant 0 : i32
      %dma_wait3A_320 = tpu.memref_slice %arg3[%dma_wait3A_318, %dma_wait3A_319] : memref<1000000x64xf32, #tpu.memory_space<hbm>> -> memref<200x64xf32, #tpu.memory_space<hbm>>
      %dma_wait3A_321 = arith.constant 600 : i32
      %dma_wait3A_322 = arith.constant 0 : i32
      %dma_wait3A_323 = tpu.memref_slice %arg6[%dma_wait3A_321, %dma_wait3A_322] : memref<1600x64xf32, #tpu.memory_space<vmem>> -> memref<200x64xf32, #tpu.memory_space<vmem>>
      %dma_wait3A_324 = arith.constant 0 : i32
      %dma_wait3A_325 = arith.constant 0 : i32
      %dma_wait3A_326 = tpu.memref_slice %arg3[%dma_wait3A_324, %dma_wait3A_325] : memref<1000000x64xf32, #tpu.memory_space<hbm>> -> memref<200x64xf32, #tpu.memory_space<hbm>>
      tpu.wait_dma2 semaphore(%arg7 : memref<!tpu.dma_semaphore, #tpu.memory_space<semaphore_mem>>) src(%dma_wait3A_326 : memref<200x64xf32, #tpu.memory_space<hbm>>) dst(%dma_wait3A_323 : memref<200x64xf32, #tpu.memory_space<vmem>>)
      %parallel_loop3A_327 = arith.constant 0 : i32
      %parallel_loop3A_328 = arith.constant 200 : i32
      %parallel_loop3A_329 = arith.constant 1 : i32
      scf.for %parallel_loop3A_558 = %parallel_loop3A_327 to %parallel_loop3A_328 step %parallel_loop3A_329  : i32 {
        %parallel_loop3A_559 = arith.constant 600 : i32
        %parallel_loop3A_560 = arith.addi %parallel_loop3A_559, %parallel_loop3A_558 : i32
        %parallel_loop3A_561 = arith.index_cast %parallel_loop3A_560 : i32 to index
        %parallel_loop3A_562 = arith.constant 0 : index
        %parallel_loop3A_563 = tpu.vector_load %arg6[%parallel_loop3A_561, %parallel_loop3A_562] {strides = array<i32>} : memref<1600x64xf32, #tpu.memory_space<vmem>>, vector<1x16xf32>,
        %parallel_loop3A_564 = vector.shape_cast %parallel_loop3A_563 : vector<1x16xf32> to vector<16xf32>
        %parallel_loop3A_565 = arith.constant 8.000000e+00 : f32
        %parallel_loop3A_566 = vector.broadcast %parallel_loop3A_565 : f32 to vector<16xf32>
        %parallel_loop3A_567 = arith.mulf %parallel_loop3A_564, %parallel_loop3A_566 : vector<16xf32>
        %parallel_loop3A_568 = arith.index_cast %parallel_loop3A_560 : i32 to index
        %parallel_loop3A_569 = arith.constant 0 : index
        %parallel_loop3A_570 = tpu.vector_load %arg6[%parallel_loop3A_568, %parallel_loop3A_569] {strides = array<i32>} : memref<1600x64xf32, #tpu.memory_space<vmem>>, vector<1x16xf32>,
        %parallel_loop3A_571 = vector.shape_cast %parallel_loop3A_570 : vector<1x16xf32> to vector<16xf32>
        %parallel_loop3A_572 = vector.shape_cast %parallel_loop3A_567 : vector<16xf32> to vector<1x16xf32>
        tpu.vector_store %arg6[%parallel_loop3A_568, %parallel_loop3A_569], %parallel_loop3A_572 {strides = array<i32>} : memref<1600x64xf32, #tpu.memory_space<vmem>>, vector<1x16xf32>,
        %parallel_loop3A_573 = arith.constant 600 : i32
        %parallel_loop3A_574 = arith.addi %parallel_loop3A_573, %parallel_loop3A_558 : i32
        %parallel_loop3A_575 = arith.index_cast %parallel_loop3A_574 : i32 to index
        %parallel_loop3A_576 = arith.constant 16 : index
        %parallel_loop3A_577 = tpu.vector_load %arg6[%parallel_loop3A_575, %parallel_loop3A_576] {strides = array<i32>} : memref<1600x64xf32, #tpu.memory_space<vmem>>, vector<1x16xf32>,
        %parallel_loop3A_578 = vector.shape_cast %parallel_loop3A_577 : vector<1x16xf32> to vector<16xf32>
        %parallel_loop3A_579 = arith.constant 8.000000e+00 : f32
        %parallel_loop3A_580 = vector.broadcast %parallel_loop3A_579 : f32 to vector<16xf32>
        %parallel_loop3A_581 = arith.mulf %parallel_loop3A_578, %parallel_loop3A_580 : vector<16xf32>
        %parallel_loop3A_582 = arith.index_cast %parallel_loop3A_574 : i32 to index
        %parallel_loop3A_583 = arith.constant 16 : index
        %parallel_loop3A_584 = tpu.vector_load %arg6[%parallel_loop3A_582, %parallel_loop3A_583] {strides = array<i32>} : memref<1600x64xf32, #tpu.memory_space<vmem>>, vector<1x16xf32>,
        %parallel_loop3A_585 = vector.shape_cast %parallel_loop3A_584 : vector<1x16xf32> to vector<16xf32>
        %parallel_loop3A_586 = vector.shape_cast %parallel_loop3A_581 : vector<16xf32> to vector<1x16xf32>
        tpu.vector_store %arg6[%parallel_loop3A_582, %parallel_loop3A_583], %parallel_loop3A_586 {strides = array<i32>} : memref<1600x64xf32, #tpu.memory_space<vmem>>, vector<1x16xf32>,
        %parallel_loop3A_587 = arith.constant 600 : i32
        %parallel_loop3A_588 = arith.addi %parallel_loop3A_587, %parallel_loop3A_558 : i32
        %parallel_loop3A_589 = arith.index_cast %parallel_loop3A_588 : i32 to index
        %parallel_loop3A_590 = arith.constant 32 : index
        %parallel_loop3A_591 = tpu.vector_load %arg6[%parallel_loop3A_589, %parallel_loop3A_590] {strides = array<i32>} : memref<1600x64xf32, #tpu.memory_space<vmem>>, vector<1x16xf32>,
        %parallel_loop3A_592 = vector.shape_cast %parallel_loop3A_591 : vector<1x16xf32> to vector<16xf32>
        %parallel_loop3A_593 = arith.constant 8.000000e+00 : f32
        %parallel_loop3A_594 = vector.broadcast %parallel_loop3A_593 : f32 to vector<16xf32>
        %parallel_loop3A_595 = arith.mulf %parallel_loop3A_592, %parallel_loop3A_594 : vector<16xf32>
        %parallel_loop3A_596 = arith.index_cast %parallel_loop3A_588 : i32 to index
        %parallel_loop3A_597 = arith.constant 32 : index
        %parallel_loop3A_598 = tpu.vector_load %arg6[%parallel_loop3A_596, %parallel_loop3A_597] {strides = array<i32>} : memref<1600x64xf32, #tpu.memory_space<vmem>>, vector<1x16xf32>,
        %parallel_loop3A_599 = vector.shape_cast %parallel_loop3A_598 : vector<1x16xf32> to vector<16xf32>
        %parallel_loop3A_600 = vector.shape_cast %parallel_loop3A_595 : vector<16xf32> to vector<1x16xf32>
        tpu.vector_store %arg6[%parallel_loop3A_596, %parallel_loop3A_597], %parallel_loop3A_600 {strides = array<i32>} : memref<1600x64xf32, #tpu.memory_space<vmem>>, vector<1x16xf32>,
        %parallel_loop3A_601 = arith.constant 600 : i32
        %parallel_loop3A_602 = arith.addi %parallel_loop3A_601, %parallel_loop3A_558 : i32
        %parallel_loop3A_603 = arith.index_cast %parallel_loop3A_602 : i32 to index
        %parallel_loop3A_604 = arith.constant 48 : index
        %parallel_loop3A_605 = tpu.vector_load %arg6[%parallel_loop3A_603, %parallel_loop3A_604] {strides = array<i32>} : memref<1600x64xf32, #tpu.memory_space<vmem>>, vector<1x16xf32>,
        %parallel_loop3A_606 = vector.shape_cast %parallel_loop3A_605 : vector<1x16xf32> to vector<16xf32>
        %parallel_loop3A_607 = arith.constant 8.000000e+00 : f32
        %parallel_loop3A_608 = vector.broadcast %parallel_loop3A_607 : f32 to vector<16xf32>
        %parallel_loop3A_609 = arith.mulf %parallel_loop3A_606, %parallel_loop3A_608 : vector<16xf32>
        %parallel_loop3A_610 = arith.index_cast %parallel_loop3A_602 : i32 to index
        %parallel_loop3A_611 = arith.constant 48 : index
        %parallel_loop3A_612 = tpu.vector_load %arg6[%parallel_loop3A_610, %parallel_loop3A_611] {strides = array<i32>} : memref<1600x64xf32, #tpu.memory_space<vmem>>, vector<1x16xf32>,
        %parallel_loop3A_613 = vector.shape_cast %parallel_loop3A_612 : vector<1x16xf32> to vector<16xf32>
        %parallel_loop3A_614 = vector.shape_cast %parallel_loop3A_609 : vector<16xf32> to vector<1x16xf32>
        tpu.vector_store %arg6[%parallel_loop3A_610, %parallel_loop3A_611], %parallel_loop3A_614 {strides = array<i32>} : memref<1600x64xf32, #tpu.memory_space<vmem>>, vector<1x16xf32>,
      } {sc.loop_unroll_factor = 8 : i64, sc.parallel_access}
      %add3A_330 = arith.addi %mul3A_2, %add3A_314 : i32
      %dma_start3A_331 = arith.constant 600 : i32
      %dma_start3A_332 = arith.constant 0 : i32
      %dma_start3A_333 = tpu.memref_slice %arg6[%dma_start3A_331, %dma_start3A_332] : memref<1600x64xf32, #tpu.memory_space<vmem>> -> memref<200x64xf32, #tpu.memory_space<vmem>>
      %dma_start3A_334 = arith.constant 0 : i32
      %dma_start3A_335 = arith.constant 0 : i32
      %dma_start3A_336 = tpu.memref_slice %arg4[%add3A_330, %dma_start3A_334, %dma_start3A_335] : memref<4096x200x64xf32, #tpu.memory_space<hbm>> -> memref<1x200x64xf32, #tpu.memory_space<hbm>>
      %dma_start3A_337 = tpu.memref_squeeze %dma_start3A_336 : memref<1x200x64xf32, #tpu.memory_space<hbm>> -> memref<200x64xf32, #tpu.memory_space<hbm>>
      %dma_start3A_338 = arith.constant 0 : i32
      %dma_start3A_339 = arith.constant 0 : i32
      %dma_start3A_340 = tpu.memref_slice %arg4[%add3A_330, %dma_start3A_338, %dma_start3A_339] : memref<4096x200x64xf32, #tpu.memory_space<hbm>> -> memref<1x200x64xf32, #tpu.memory_space<hbm>>
      %dma_start3A_341 = tpu.memref_squeeze %dma_start3A_340 : memref<1x200x64xf32, #tpu.memory_space<hbm>> -> memref<200x64xf32, #tpu.memory_space<hbm>>
      %dma_start3A_342 = arith.constant 600 : i32
      %dma_start3A_343 = arith.constant 0 : i32
      %dma_start3A_344 = tpu.memref_slice %arg6[%dma_start3A_342, %dma_start3A_343] : memref<1600x64xf32, #tpu.memory_space<vmem>> -> memref<200x64xf32, #tpu.memory_space<vmem>>
      tpu.enqueue_dma source(%dma_start3A_344 : memref<200x64xf32, #tpu.memory_space<vmem>>) target(%dma_start3A_341 : memref<200x64xf32, #tpu.memory_space<hbm>>) target_semaphore(%arg8 : memref<!tpu.dma_semaphore, #tpu.memory_space<semaphore_mem>>)
      %ge3A_345 = arith.constant 3 : i32
      %ge3A_346 = arith.cmpi sge, %add3A_314, %ge3A_345 : i32
      %add3A_347 = arith.constant 5 : i32
      %add3A_348 = arith.addi %add3A_314, %add3A_347 : i32
      %lt3A_349 = arith.constant 128 : i32
      %lt3A_350 = arith.cmpi slt, %add3A_348, %lt3A_349 : i32
      %and3A_351 = arith.andi %ge3A_346, %lt3A_350 : i1
      %convert_element_type3A_352 = arith.extui %and3A_351 : i1 to i32
      %cond3A_353 = arith.constant 0 : i32
      %cond3A_354 = arith.cmpi ne, %convert_element_type3A_352, %cond3A_353 : i32
      scf.if %cond3A_354 {
        %dma_wait3A_558 = arith.constant 0 : i32
        %dma_wait3A_559 = arith.constant 0 : i32
        %dma_wait3A_560 = tpu.memref_slice %arg6[%dma_wait3A_558, %dma_wait3A_559] : memref<1600x64xf32, #tpu.memory_space<vmem>> -> memref<200x64xf32, #tpu.memory_space<vmem>>
        %dma_wait3A_561 = arith.constant 0 : i32
        %dma_wait3A_562 = arith.constant 0 : i32
        %dma_wait3A_563 = tpu.memref_slice %arg4[%mul3A_2, %dma_wait3A_561, %dma_wait3A_562] : memref<4096x200x64xf32, #tpu.memory_space<hbm>> -> memref<1x200x64xf32, #tpu.memory_space<hbm>>
        %dma_wait3A_564 = tpu.memref_squeeze %dma_wait3A_563 : memref<1x200x64xf32, #tpu.memory_space<hbm>> -> memref<200x64xf32, #tpu.memory_space<hbm>>
        %dma_wait3A_565 = arith.constant 0 : i32
        %dma_wait3A_566 = arith.constant 0 : i32
        %dma_wait3A_567 = tpu.memref_slice %arg4[%mul3A_2, %dma_wait3A_565, %dma_wait3A_566] : memref<4096x200x64xf32, #tpu.memory_space<hbm>> -> memref<1x200x64xf32, #tpu.memory_space<hbm>>
        %dma_wait3A_568 = tpu.memref_squeeze %dma_wait3A_567 : memref<1x200x64xf32, #tpu.memory_space<hbm>> -> memref<200x64xf32, #tpu.memory_space<hbm>>
        %dma_wait3A_569 = arith.constant 0 : i32
        %dma_wait3A_570 = arith.constant 0 : i32
        %dma_wait3A_571 = tpu.memref_slice %arg6[%dma_wait3A_569, %dma_wait3A_570] : memref<1600x64xf32, #tpu.memory_space<vmem>> -> memref<200x64xf32, #tpu.memory_space<vmem>>
        tpu.wait_dma2 semaphore(%arg8 : memref<!tpu.dma_semaphore, #tpu.memory_space<semaphore_mem>>) src(%dma_wait3A_571 : memref<200x64xf32, #tpu.memory_space<vmem>>) dst(%dma_wait3A_568 : memref<200x64xf32, #tpu.memory_space<hbm>>)
      } else {
      }
      %add3A_355 = arith.constant 5 : i32
      %add3A_356 = arith.addi %add3A_314, %add3A_355 : i32
      %lt3A_357 = arith.constant 128 : i32
      %lt3A_358 = arith.cmpi slt, %add3A_356, %lt3A_357 : i32
      %convert_element_type3A_359 = arith.extui %lt3A_358 : i1 to i32
      %cond3A_360 = arith.constant 0 : i32
      %cond3A_361 = arith.cmpi ne, %convert_element_type3A_359, %cond3A_360 : i32
      scf.if %cond3A_361 {
        %add3A_558 = arith.constant 5 : i32
        %add3A_559 = arith.addi %add3A_314, %add3A_558 : i32
        %dma_start3A_560 = arith.constant 0 : i32
        %dma_start3A_561 = arith.constant 0 : i32
        %dma_start3A_562 = tpu.memref_slice %arg6[%dma_start3A_560, %dma_start3A_561] : memref<1600x64xf32, #tpu.memory_space<vmem>> -> memref<200x64xf32, #tpu.memory_space<vmem>>
        %dma_start3A_563 = arith.constant 0 : i32
        %dma_start3A_564 = tpu.memref_slice %arg5[%add3A_559, %dma_start3A_563] : memref<128x200xi32, #tpu.memory_space<vmem>> -> memref<1x200xi32, #tpu.memory_space<vmem>>
        %dma_start3A_565 = tpu.memref_squeeze %dma_start3A_564 : memref<1x200xi32, #tpu.memory_space<vmem>> -> memref<200xi32, #tpu.memory_space<vmem>>
        %dma_start3A_566 = arith.constant 0 : i32
        %dma_start3A_567 = arith.constant 0 : i32
        %dma_start3A_568 = tpu.memref_slice %arg3[%dma_start3A_566, %dma_start3A_567] : memref<1000000x64xf32, #tpu.memory_space<hbm>> -> memref<1000000x64xf32, #tpu.memory_space<hbm>>
        tpu.enqueue_indirect_dma source(%dma_start3A_568 : memref<1000000x64xf32, #tpu.memory_space<hbm>>) target(%dma_start3A_562 : memref<200x64xf32, #tpu.memory_space<vmem>>) offsets(%dma_start3A_565 : memref<200xi32, #tpu.memory_space<vmem>>) semaphore(%arg7 : memref<!tpu.dma_semaphore, #tpu.memory_space<semaphore_mem>>)
      } else {
      }
      %add3A_362 = arith.constant 4 : i32
      %add3A_363 = arith.addi %add3A_171, %add3A_362 : i32
      %dma_wait3A_364 = arith.constant 800 : i32
      %dma_wait3A_365 = arith.constant 0 : i32
      %dma_wait3A_366 = tpu.memref_slice %arg6[%dma_wait3A_364, %dma_wait3A_365] : memref<1600x64xf32, #tpu.memory_space<vmem>> -> memref<200x64xf32, #tpu.memory_space<vmem>>
      %dma_wait3A_367 = arith.constant 0 : i32
      %dma_wait3A_368 = arith.constant 0 : i32
      %dma_wait3A_369 = tpu.memref_slice %arg3[%dma_wait3A_367, %dma_wait3A_368] : memref<1000000x64xf32, #tpu.memory_space<hbm>> -> memref<200x64xf32, #tpu.memory_space<hbm>>
      %dma_wait3A_370 = arith.constant 800 : i32
      %dma_wait3A_371 = arith.constant 0 : i32
      %dma_wait3A_372 = tpu.memref_slice %arg6[%dma_wait3A_370, %dma_wait3A_371] : memref<1600x64xf32, #tpu.memory_space<vmem>> -> memref<200x64xf32, #tpu.memory_space<vmem>>
      %dma_wait3A_373 = arith.constant 0 : i32
      %dma_wait3A_374 = arith.constant 0 : i32
      %dma_wait3A_375 = tpu.memref_slice %arg3[%dma_wait3A_373, %dma_wait3A_374] : memref<1000000x64xf32, #tpu.memory_space<hbm>> -> memref<200x64xf32, #tpu.memory_space<hbm>>
      tpu.wait_dma2 semaphore(%arg7 : memref<!tpu.dma_semaphore, #tpu.memory_space<semaphore_mem>>) src(%dma_wait3A_375 : memref<200x64xf32, #tpu.memory_space<hbm>>) dst(%dma_wait3A_372 : memref<200x64xf32, #tpu.memory_space<vmem>>)
      %parallel_loop3A_376 = arith.constant 0 : i32
      %parallel_loop3A_377 = arith.constant 200 : i32
      %parallel_loop3A_378 = arith.constant 1 : i32
      scf.for %parallel_loop3A_558 = %parallel_loop3A_376 to %parallel_loop3A_377 step %parallel_loop3A_378  : i32 {
        %parallel_loop3A_559 = arith.constant 800 : i32
        %parallel_loop3A_560 = arith.addi %parallel_loop3A_559, %parallel_loop3A_558 : i32
        %parallel_loop3A_561 = arith.index_cast %parallel_loop3A_560 : i32 to index
        %parallel_loop3A_562 = arith.constant 0 : index
        %parallel_loop3A_563 = tpu.vector_load %arg6[%parallel_loop3A_561, %parallel_loop3A_562] {strides = array<i32>} : memref<1600x64xf32, #tpu.memory_space<vmem>>, vector<1x16xf32>,
        %parallel_loop3A_564 = vector.shape_cast %parallel_loop3A_563 : vector<1x16xf32> to vector<16xf32>
        %parallel_loop3A_565 = arith.constant 8.000000e+00 : f32
        %parallel_loop3A_566 = vector.broadcast %parallel_loop3A_565 : f32 to vector<16xf32>
        %parallel_loop3A_567 = arith.mulf %parallel_loop3A_564, %parallel_loop3A_566 : vector<16xf32>
        %parallel_loop3A_568 = arith.index_cast %parallel_loop3A_560 : i32 to index
        %parallel_loop3A_569 = arith.constant 0 : index
        %parallel_loop3A_570 = tpu.vector_load %arg6[%parallel_loop3A_568, %parallel_loop3A_569] {strides = array<i32>} : memref<1600x64xf32, #tpu.memory_space<vmem>>, vector<1x16xf32>,
        %parallel_loop3A_571 = vector.shape_cast %parallel_loop3A_570 : vector<1x16xf32> to vector<16xf32>
        %parallel_loop3A_572 = vector.shape_cast %parallel_loop3A_567 : vector<16xf32> to vector<1x16xf32>
        tpu.vector_store %arg6[%parallel_loop3A_568, %parallel_loop3A_569], %parallel_loop3A_572 {strides = array<i32>} : memref<1600x64xf32, #tpu.memory_space<vmem>>, vector<1x16xf32>,
        %parallel_loop3A_573 = arith.constant 800 : i32
        %parallel_loop3A_574 = arith.addi %parallel_loop3A_573, %parallel_loop3A_558 : i32
        %parallel_loop3A_575 = arith.index_cast %parallel_loop3A_574 : i32 to index
        %parallel_loop3A_576 = arith.constant 16 : index
        %parallel_loop3A_577 = tpu.vector_load %arg6[%parallel_loop3A_575, %parallel_loop3A_576] {strides = array<i32>} : memref<1600x64xf32, #tpu.memory_space<vmem>>, vector<1x16xf32>,
        %parallel_loop3A_578 = vector.shape_cast %parallel_loop3A_577 : vector<1x16xf32> to vector<16xf32>
        %parallel_loop3A_579 = arith.constant 8.000000e+00 : f32
        %parallel_loop3A_580 = vector.broadcast %parallel_loop3A_579 : f32 to vector<16xf32>
        %parallel_loop3A_581 = arith.mulf %parallel_loop3A_578, %parallel_loop3A_580 : vector<16xf32>
        %parallel_loop3A_582 = arith.index_cast %parallel_loop3A_574 : i32 to index
        %parallel_loop3A_583 = arith.constant 16 : index
        %parallel_loop3A_584 = tpu.vector_load %arg6[%parallel_loop3A_582, %parallel_loop3A_583] {strides = array<i32>} : memref<1600x64xf32, #tpu.memory_space<vmem>>, vector<1x16xf32>,
        %parallel_loop3A_585 = vector.shape_cast %parallel_loop3A_584 : vector<1x16xf32> to vector<16xf32>
        %parallel_loop3A_586 = vector.shape_cast %parallel_loop3A_581 : vector<16xf32> to vector<1x16xf32>
        tpu.vector_store %arg6[%parallel_loop3A_582, %parallel_loop3A_583], %parallel_loop3A_586 {strides = array<i32>} : memref<1600x64xf32, #tpu.memory_space<vmem>>, vector<1x16xf32>,
        %parallel_loop3A_587 = arith.constant 800 : i32
        %parallel_loop3A_588 = arith.addi %parallel_loop3A_587, %parallel_loop3A_558 : i32
        %parallel_loop3A_589 = arith.index_cast %parallel_loop3A_588 : i32 to index
        %parallel_loop3A_590 = arith.constant 32 : index
        %parallel_loop3A_591 = tpu.vector_load %arg6[%parallel_loop3A_589, %parallel_loop3A_590] {strides = array<i32>} : memref<1600x64xf32, #tpu.memory_space<vmem>>, vector<1x16xf32>,
        %parallel_loop3A_592 = vector.shape_cast %parallel_loop3A_591 : vector<1x16xf32> to vector<16xf32>
        %parallel_loop3A_593 = arith.constant 8.000000e+00 : f32
        %parallel_loop3A_594 = vector.broadcast %parallel_loop3A_593 : f32 to vector<16xf32>
        %parallel_loop3A_595 = arith.mulf %parallel_loop3A_592, %parallel_loop3A_594 : vector<16xf32>
        %parallel_loop3A_596 = arith.index_cast %parallel_loop3A_588 : i32 to index
        %parallel_loop3A_597 = arith.constant 32 : index
        %parallel_loop3A_598 = tpu.vector_load %arg6[%parallel_loop3A_596, %parallel_loop3A_597] {strides = array<i32>} : memref<1600x64xf32, #tpu.memory_space<vmem>>, vector<1x16xf32>,
        %parallel_loop3A_599 = vector.shape_cast %parallel_loop3A_598 : vector<1x16xf32> to vector<16xf32>
        %parallel_loop3A_600 = vector.shape_cast %parallel_loop3A_595 : vector<16xf32> to vector<1x16xf32>
        tpu.vector_store %arg6[%parallel_loop3A_596, %parallel_loop3A_597], %parallel_loop3A_600 {strides = array<i32>} : memref<1600x64xf32, #tpu.memory_space<vmem>>, vector<1x16xf32>,
        %parallel_loop3A_601 = arith.constant 800 : i32
        %parallel_loop3A_602 = arith.addi %parallel_loop3A_601, %parallel_loop3A_558 : i32
        %parallel_loop3A_603 = arith.index_cast %parallel_loop3A_602 : i32 to index
        %parallel_loop3A_604 = arith.constant 48 : index
        %parallel_loop3A_605 = tpu.vector_load %arg6[%parallel_loop3A_603, %parallel_loop3A_604] {strides = array<i32>} : memref<1600x64xf32, #tpu.memory_space<vmem>>, vector<1x16xf32>,
        %parallel_loop3A_606 = vector.shape_cast %parallel_loop3A_605 : vector<1x16xf32> to vector<16xf32>
        %parallel_loop3A_607 = arith.constant 8.000000e+00 : f32
        %parallel_loop3A_608 = vector.broadcast %parallel_loop3A_607 : f32 to vector<16xf32>
        %parallel_loop3A_609 = arith.mulf %parallel_loop3A_606, %parallel_loop3A_608 : vector<16xf32>
        %parallel_loop3A_610 = arith.index_cast %parallel_loop3A_602 : i32 to index
        %parallel_loop3A_611 = arith.constant 48 : index
        %parallel_loop3A_612 = tpu.vector_load %arg6[%parallel_loop3A_610, %parallel_loop3A_611] {strides = array<i32>} : memref<1600x64xf32, #tpu.memory_space<vmem>>, vector<1x16xf32>,
        %parallel_loop3A_613 = vector.shape_cast %parallel_loop3A_612 : vector<1x16xf32> to vector<16xf32>
        %parallel_loop3A_614 = vector.shape_cast %parallel_loop3A_609 : vector<16xf32> to vector<1x16xf32>
        tpu.vector_store %arg6[%parallel_loop3A_610, %parallel_loop3A_611], %parallel_loop3A_614 {strides = array<i32>} : memref<1600x64xf32, #tpu.memory_space<vmem>>, vector<1x16xf32>,
      } {sc.loop_unroll_factor = 8 : i64, sc.parallel_access}
      %add3A_379 = arith.addi %mul3A_2, %add3A_363 : i32
      %dma_start3A_380 = arith.constant 800 : i32
      %dma_start3A_381 = arith.constant 0 : i32
      %dma_start3A_382 = tpu.memref_slice %arg6[%dma_start3A_380, %dma_start3A_381] : memref<1600x64xf32, #tpu.memory_space<vmem>> -> memref<200x64xf32, #tpu.memory_space<vmem>>
      %dma_start3A_383 = arith.constant 0 : i32
      %dma_start3A_384 = arith.constant 0 : i32
      %dma_start3A_385 = tpu.memref_slice %arg4[%add3A_379, %dma_start3A_383, %dma_start3A_384] : memref<4096x200x64xf32, #tpu.memory_space<hbm>> -> memref<1x200x64xf32, #tpu.memory_space<hbm>>
      %dma_start3A_386 = tpu.memref_squeeze %dma_start3A_385 : memref<1x200x64xf32, #tpu.memory_space<hbm>> -> memref<200x64xf32, #tpu.memory_space<hbm>>
      %dma_start3A_387 = arith.constant 0 : i32
      %dma_start3A_388 = arith.constant 0 : i32
      %dma_start3A_389 = tpu.memref_slice %arg4[%add3A_379, %dma_start3A_387, %dma_start3A_388] : memref<4096x200x64xf32, #tpu.memory_space<hbm>> -> memref<1x200x64xf32, #tpu.memory_space<hbm>>
      %dma_start3A_390 = tpu.memref_squeeze %dma_start3A_389 : memref<1x200x64xf32, #tpu.memory_space<hbm>> -> memref<200x64xf32, #tpu.memory_space<hbm>>
      %dma_start3A_391 = arith.constant 800 : i32
      %dma_start3A_392 = arith.constant 0 : i32
      %dma_start3A_393 = tpu.memref_slice %arg6[%dma_start3A_391, %dma_start3A_392] : memref<1600x64xf32, #tpu.memory_space<vmem>> -> memref<200x64xf32, #tpu.memory_space<vmem>>
      tpu.enqueue_dma source(%dma_start3A_393 : memref<200x64xf32, #tpu.memory_space<vmem>>) target(%dma_start3A_390 : memref<200x64xf32, #tpu.memory_space<hbm>>) target_semaphore(%arg8 : memref<!tpu.dma_semaphore, #tpu.memory_space<semaphore_mem>>)
      %ge3A_394 = arith.constant 3 : i32
      %ge3A_395 = arith.cmpi sge, %add3A_363, %ge3A_394 : i32
      %add3A_396 = arith.constant 5 : i32
      %add3A_397 = arith.addi %add3A_363, %add3A_396 : i32
      %lt3A_398 = arith.constant 128 : i32
      %lt3A_399 = arith.cmpi slt, %add3A_397, %lt3A_398 : i32
      %and3A_400 = arith.andi %ge3A_395, %lt3A_399 : i1
      %convert_element_type3A_401 = arith.extui %and3A_400 : i1 to i32
      %cond3A_402 = arith.constant 0 : i32
      %cond3A_403 = arith.cmpi ne, %convert_element_type3A_401, %cond3A_402 : i32
      scf.if %cond3A_403 {
        %dma_wait3A_558 = arith.constant 200 : i32
        %dma_wait3A_559 = arith.constant 0 : i32
        %dma_wait3A_560 = tpu.memref_slice %arg6[%dma_wait3A_558, %dma_wait3A_559] : memref<1600x64xf32, #tpu.memory_space<vmem>> -> memref<200x64xf32, #tpu.memory_space<vmem>>
        %dma_wait3A_561 = arith.constant 0 : i32
        %dma_wait3A_562 = arith.constant 0 : i32
        %dma_wait3A_563 = tpu.memref_slice %arg4[%mul3A_2, %dma_wait3A_561, %dma_wait3A_562] : memref<4096x200x64xf32, #tpu.memory_space<hbm>> -> memref<1x200x64xf32, #tpu.memory_space<hbm>>
        %dma_wait3A_564 = tpu.memref_squeeze %dma_wait3A_563 : memref<1x200x64xf32, #tpu.memory_space<hbm>> -> memref<200x64xf32, #tpu.memory_space<hbm>>
        %dma_wait3A_565 = arith.constant 0 : i32
        %dma_wait3A_566 = arith.constant 0 : i32
        %dma_wait3A_567 = tpu.memref_slice %arg4[%mul3A_2, %dma_wait3A_565, %dma_wait3A_566] : memref<4096x200x64xf32, #tpu.memory_space<hbm>> -> memref<1x200x64xf32, #tpu.memory_space<hbm>>
        %dma_wait3A_568 = tpu.memref_squeeze %dma_wait3A_567 : memref<1x200x64xf32, #tpu.memory_space<hbm>> -> memref<200x64xf32, #tpu.memory_space<hbm>>
        %dma_wait3A_569 = arith.constant 200 : i32
        %dma_wait3A_570 = arith.constant 0 : i32
        %dma_wait3A_571 = tpu.memref_slice %arg6[%dma_wait3A_569, %dma_wait3A_570] : memref<1600x64xf32, #tpu.memory_space<vmem>> -> memref<200x64xf32, #tpu.memory_space<vmem>>
        tpu.wait_dma2 semaphore(%arg8 : memref<!tpu.dma_semaphore, #tpu.memory_space<semaphore_mem>>) src(%dma_wait3A_571 : memref<200x64xf32, #tpu.memory_space<vmem>>) dst(%dma_wait3A_568 : memref<200x64xf32, #tpu.memory_space<hbm>>)
      } else {
      }
      %add3A_404 = arith.constant 5 : i32
      %add3A_405 = arith.addi %add3A_363, %add3A_404 : i32
      %lt3A_406 = arith.constant 128 : i32
      %lt3A_407 = arith.cmpi slt, %add3A_405, %lt3A_406 : i32
      %convert_element_type3A_408 = arith.extui %lt3A_407 : i1 to i32
      %cond3A_409 = arith.constant 0 : i32
      %cond3A_410 = arith.cmpi ne, %convert_element_type3A_408, %cond3A_409 : i32
      scf.if %cond3A_410 {
        %add3A_558 = arith.constant 5 : i32
        %add3A_559 = arith.addi %add3A_363, %add3A_558 : i32
        %dma_start3A_560 = arith.constant 200 : i32
        %dma_start3A_561 = arith.constant 0 : i32
        %dma_start3A_562 = tpu.memref_slice %arg6[%dma_start3A_560, %dma_start3A_561] : memref<1600x64xf32, #tpu.memory_space<vmem>> -> memref<200x64xf32, #tpu.memory_space<vmem>>
        %dma_start3A_563 = arith.constant 0 : i32
        %dma_start3A_564 = tpu.memref_slice %arg5[%add3A_559, %dma_start3A_563] : memref<128x200xi32, #tpu.memory_space<vmem>> -> memref<1x200xi32, #tpu.memory_space<vmem>>
        %dma_start3A_565 = tpu.memref_squeeze %dma_start3A_564 : memref<1x200xi32, #tpu.memory_space<vmem>> -> memref<200xi32, #tpu.memory_space<vmem>>
        %dma_start3A_566 = arith.constant 0 : i32
        %dma_start3A_567 = arith.constant 0 : i32
        %dma_start3A_568 = tpu.memref_slice %arg3[%dma_start3A_566, %dma_start3A_567] : memref<1000000x64xf32, #tpu.memory_space<hbm>> -> memref<1000000x64xf32, #tpu.memory_space<hbm>>
        tpu.enqueue_indirect_dma source(%dma_start3A_568 : memref<1000000x64xf32, #tpu.memory_space<hbm>>) target(%dma_start3A_562 : memref<200x64xf32, #tpu.memory_space<vmem>>) offsets(%dma_start3A_565 : memref<200xi32, #tpu.memory_space<vmem>>) semaphore(%arg7 : memref<!tpu.dma_semaphore, #tpu.memory_space<semaphore_mem>>)
      } else {
      }
      %add3A_411 = arith.constant 5 : i32
      %add3A_412 = arith.addi %add3A_171, %add3A_411 : i32
      %dma_wait3A_413 = arith.constant 1000 : i32
      %dma_wait3A_414 = arith.constant 0 : i32
      %dma_wait3A_415 = tpu.memref_slice %arg6[%dma_wait3A_413, %dma_wait3A_414] : memref<1600x64xf32, #tpu.memory_space<vmem>> -> memref<200x64xf32, #tpu.memory_space<vmem>>
      %dma_wait3A_416 = arith.constant 0 : i32
      %dma_wait3A_417 = arith.constant 0 : i32
      %dma_wait3A_418 = tpu.memref_slice %arg3[%dma_wait3A_416, %dma_wait3A_417] : memref<1000000x64xf32, #tpu.memory_space<hbm>> -> memref<200x64xf32, #tpu.memory_space<hbm>>
      %dma_wait3A_419 = arith.constant 1000 : i32
      %dma_wait3A_420 = arith.constant 0 : i32
      %dma_wait3A_421 = tpu.memref_slice %arg6[%dma_wait3A_419, %dma_wait3A_420] : memref<1600x64xf32, #tpu.memory_space<vmem>> -> memref<200x64xf32, #tpu.memory_space<vmem>>
      %dma_wait3A_422 = arith.constant 0 : i32
      %dma_wait3A_423 = arith.constant 0 : i32
      %dma_wait3A_424 = tpu.memref_slice %arg3[%dma_wait3A_422, %dma_wait3A_423] : memref<1000000x64xf32, #tpu.memory_space<hbm>> -> memref<200x64xf32, #tpu.memory_space<hbm>>
      tpu.wait_dma2 semaphore(%arg7 : memref<!tpu.dma_semaphore, #tpu.memory_space<semaphore_mem>>) src(%dma_wait3A_424 : memref<200x64xf32, #tpu.memory_space<hbm>>) dst(%dma_wait3A_421 : memref<200x64xf32, #tpu.memory_space<vmem>>)
      %parallel_loop3A_425 = arith.constant 0 : i32
      %parallel_loop3A_426 = arith.constant 200 : i32
      %parallel_loop3A_427 = arith.constant 1 : i32
      scf.for %parallel_loop3A_558 = %parallel_loop3A_425 to %parallel_loop3A_426 step %parallel_loop3A_427  : i32 {
        %parallel_loop3A_559 = arith.constant 1000 : i32
        %parallel_loop3A_560 = arith.addi %parallel_loop3A_559, %parallel_loop3A_558 : i32
        %parallel_loop3A_561 = arith.index_cast %parallel_loop3A_560 : i32 to index
        %parallel_loop3A_562 = arith.constant 0 : index
        %parallel_loop3A_563 = tpu.vector_load %arg6[%parallel_loop3A_561, %parallel_loop3A_562] {strides = array<i32>} : memref<1600x64xf32, #tpu.memory_space<vmem>>, vector<1x16xf32>,
        %parallel_loop3A_564 = vector.shape_cast %parallel_loop3A_563 : vector<1x16xf32> to vector<16xf32>
        %parallel_loop3A_565 = arith.constant 8.000000e+00 : f32
        %parallel_loop3A_566 = vector.broadcast %parallel_loop3A_565 : f32 to vector<16xf32>
        %parallel_loop3A_567 = arith.mulf %parallel_loop3A_564, %parallel_loop3A_566 : vector<16xf32>
        %parallel_loop3A_568 = arith.index_cast %parallel_loop3A_560 : i32 to index
        %parallel_loop3A_569 = arith.constant 0 : index
        %parallel_loop3A_570 = tpu.vector_load %arg6[%parallel_loop3A_568, %parallel_loop3A_569] {strides = array<i32>} : memref<1600x64xf32, #tpu.memory_space<vmem>>, vector<1x16xf32>,
        %parallel_loop3A_571 = vector.shape_cast %parallel_loop3A_570 : vector<1x16xf32> to vector<16xf32>
        %parallel_loop3A_572 = vector.shape_cast %parallel_loop3A_567 : vector<16xf32> to vector<1x16xf32>
        tpu.vector_store %arg6[%parallel_loop3A_568, %parallel_loop3A_569], %parallel_loop3A_572 {strides = array<i32>} : memref<1600x64xf32, #tpu.memory_space<vmem>>, vector<1x16xf32>,
        %parallel_loop3A_573 = arith.constant 1000 : i32
        %parallel_loop3A_574 = arith.addi %parallel_loop3A_573, %parallel_loop3A_558 : i32
        %parallel_loop3A_575 = arith.index_cast %parallel_loop3A_574 : i32 to index
        %parallel_loop3A_576 = arith.constant 16 : index
        %parallel_loop3A_577 = tpu.vector_load %arg6[%parallel_loop3A_575, %parallel_loop3A_576] {strides = array<i32>} : memref<1600x64xf32, #tpu.memory_space<vmem>>, vector<1x16xf32>,
        %parallel_loop3A_578 = vector.shape_cast %parallel_loop3A_577 : vector<1x16xf32> to vector<16xf32>
        %parallel_loop3A_579 = arith.constant 8.000000e+00 : f32
        %parallel_loop3A_580 = vector.broadcast %parallel_loop3A_579 : f32 to vector<16xf32>
        %parallel_loop3A_581 = arith.mulf %parallel_loop3A_578, %parallel_loop3A_580 : vector<16xf32>
        %parallel_loop3A_582 = arith.index_cast %parallel_loop3A_574 : i32 to index
        %parallel_loop3A_583 = arith.constant 16 : index
        %parallel_loop3A_584 = tpu.vector_load %arg6[%parallel_loop3A_582, %parallel_loop3A_583] {strides = array<i32>} : memref<1600x64xf32, #tpu.memory_space<vmem>>, vector<1x16xf32>,
        %parallel_loop3A_585 = vector.shape_cast %parallel_loop3A_584 : vector<1x16xf32> to vector<16xf32>
        %parallel_loop3A_586 = vector.shape_cast %parallel_loop3A_581 : vector<16xf32> to vector<1x16xf32>
        tpu.vector_store %arg6[%parallel_loop3A_582, %parallel_loop3A_583], %parallel_loop3A_586 {strides = array<i32>} : memref<1600x64xf32, #tpu.memory_space<vmem>>, vector<1x16xf32>,
        %parallel_loop3A_587 = arith.constant 1000 : i32
        %parallel_loop3A_588 = arith.addi %parallel_loop3A_587, %parallel_loop3A_558 : i32
        %parallel_loop3A_589 = arith.index_cast %parallel_loop3A_588 : i32 to index
        %parallel_loop3A_590 = arith.constant 32 : index
        %parallel_loop3A_591 = tpu.vector_load %arg6[%parallel_loop3A_589, %parallel_loop3A_590] {strides = array<i32>} : memref<1600x64xf32, #tpu.memory_space<vmem>>, vector<1x16xf32>,
        %parallel_loop3A_592 = vector.shape_cast %parallel_loop3A_591 : vector<1x16xf32> to vector<16xf32>
        %parallel_loop3A_593 = arith.constant 8.000000e+00 : f32
        %parallel_loop3A_594 = vector.broadcast %parallel_loop3A_593 : f32 to vector<16xf32>
        %parallel_loop3A_595 = arith.mulf %parallel_loop3A_592, %parallel_loop3A_594 : vector<16xf32>
        %parallel_loop3A_596 = arith.index_cast %parallel_loop3A_588 : i32 to index
        %parallel_loop3A_597 = arith.constant 32 : index
        %parallel_loop3A_598 = tpu.vector_load %arg6[%parallel_loop3A_596, %parallel_loop3A_597] {strides = array<i32>} : memref<1600x64xf32, #tpu.memory_space<vmem>>, vector<1x16xf32>,
        %parallel_loop3A_599 = vector.shape_cast %parallel_loop3A_598 : vector<1x16xf32> to vector<16xf32>
        %parallel_loop3A_600 = vector.shape_cast %parallel_loop3A_595 : vector<16xf32> to vector<1x16xf32>
        tpu.vector_store %arg6[%parallel_loop3A_596, %parallel_loop3A_597], %parallel_loop3A_600 {strides = array<i32>} : memref<1600x64xf32, #tpu.memory_space<vmem>>, vector<1x16xf32>,
        %parallel_loop3A_601 = arith.constant 1000 : i32
        %parallel_loop3A_602 = arith.addi %parallel_loop3A_601, %parallel_loop3A_558 : i32
        %parallel_loop3A_603 = arith.index_cast %parallel_loop3A_602 : i32 to index
        %parallel_loop3A_604 = arith.constant 48 : index
        %parallel_loop3A_605 = tpu.vector_load %arg6[%parallel_loop3A_603, %parallel_loop3A_604] {strides = array<i32>} : memref<1600x64xf32, #tpu.memory_space<vmem>>, vector<1x16xf32>,
        %parallel_loop3A_606 = vector.shape_cast %parallel_loop3A_605 : vector<1x16xf32> to vector<16xf32>
        %parallel_loop3A_607 = arith.constant 8.000000e+00 : f32
        %parallel_loop3A_608 = vector.broadcast %parallel_loop3A_607 : f32 to vector<16xf32>
        %parallel_loop3A_609 = arith.mulf %parallel_loop3A_606, %parallel_loop3A_608 : vector<16xf32>
        %parallel_loop3A_610 = arith.index_cast %parallel_loop3A_602 : i32 to index
        %parallel_loop3A_611 = arith.constant 48 : index
        %parallel_loop3A_612 = tpu.vector_load %arg6[%parallel_loop3A_610, %parallel_loop3A_611] {strides = array<i32>} : memref<1600x64xf32, #tpu.memory_space<vmem>>, vector<1x16xf32>,
        %parallel_loop3A_613 = vector.shape_cast %parallel_loop3A_612 : vector<1x16xf32> to vector<16xf32>
        %parallel_loop3A_614 = vector.shape_cast %parallel_loop3A_609 : vector<16xf32> to vector<1x16xf32>
        tpu.vector_store %arg6[%parallel_loop3A_610, %parallel_loop3A_611], %parallel_loop3A_614 {strides = array<i32>} : memref<1600x64xf32, #tpu.memory_space<vmem>>, vector<1x16xf32>,
      } {sc.loop_unroll_factor = 8 : i64, sc.parallel_access}
      %add3A_428 = arith.addi %mul3A_2, %add3A_412 : i32
      %dma_start3A_429 = arith.constant 1000 : i32
      %dma_start3A_430 = arith.constant 0 : i32
      %dma_start3A_431 = tpu.memref_slice %arg6[%dma_start3A_429, %dma_start3A_430] : memref<1600x64xf32, #tpu.memory_space<vmem>> -> memref<200x64xf32, #tpu.memory_space<vmem>>
      %dma_start3A_432 = arith.constant 0 : i32
      %dma_start3A_433 = arith.constant 0 : i32
      %dma_start3A_434 = tpu.memref_slice %arg4[%add3A_428, %dma_start3A_432, %dma_start3A_433] : memref<4096x200x64xf32, #tpu.memory_space<hbm>> -> memref<1x200x64xf32, #tpu.memory_space<hbm>>
      %dma_start3A_435 = tpu.memref_squeeze %dma_start3A_434 : memref<1x200x64xf32, #tpu.memory_space<hbm>> -> memref<200x64xf32, #tpu.memory_space<hbm>>
      %dma_start3A_436 = arith.constant 0 : i32
      %dma_start3A_437 = arith.constant 0 : i32
      %dma_start3A_438 = tpu.memref_slice %arg4[%add3A_428, %dma_start3A_436, %dma_start3A_437] : memref<4096x200x64xf32, #tpu.memory_space<hbm>> -> memref<1x200x64xf32, #tpu.memory_space<hbm>>
      %dma_start3A_439 = tpu.memref_squeeze %dma_start3A_438 : memref<1x200x64xf32, #tpu.memory_space<hbm>> -> memref<200x64xf32, #tpu.memory_space<hbm>>
      %dma_start3A_440 = arith.constant 1000 : i32
      %dma_start3A_441 = arith.constant 0 : i32
      %dma_start3A_442 = tpu.memref_slice %arg6[%dma_start3A_440, %dma_start3A_441] : memref<1600x64xf32, #tpu.memory_space<vmem>> -> memref<200x64xf32, #tpu.memory_space<vmem>>
      tpu.enqueue_dma source(%dma_start3A_442 : memref<200x64xf32, #tpu.memory_space<vmem>>) target(%dma_start3A_439 : memref<200x64xf32, #tpu.memory_space<hbm>>) target_semaphore(%arg8 : memref<!tpu.dma_semaphore, #tpu.memory_space<semaphore_mem>>)
      %ge3A_443 = arith.constant 3 : i32
      %ge3A_444 = arith.cmpi sge, %add3A_412, %ge3A_443 : i32
      %add3A_445 = arith.constant 5 : i32
      %add3A_446 = arith.addi %add3A_412, %add3A_445 : i32
      %lt3A_447 = arith.constant 128 : i32
      %lt3A_448 = arith.cmpi slt, %add3A_446, %lt3A_447 : i32
      %and3A_449 = arith.andi %ge3A_444, %lt3A_448 : i1
      %convert_element_type3A_450 = arith.extui %and3A_449 : i1 to i32
      %cond3A_451 = arith.constant 0 : i32
      %cond3A_452 = arith.cmpi ne, %convert_element_type3A_450, %cond3A_451 : i32
      scf.if %cond3A_452 {
        %dma_wait3A_558 = arith.constant 400 : i32
        %dma_wait3A_559 = arith.constant 0 : i32
        %dma_wait3A_560 = tpu.memref_slice %arg6[%dma_wait3A_558, %dma_wait3A_559] : memref<1600x64xf32, #tpu.memory_space<vmem>> -> memref<200x64xf32, #tpu.memory_space<vmem>>
        %dma_wait3A_561 = arith.constant 0 : i32
        %dma_wait3A_562 = arith.constant 0 : i32
        %dma_wait3A_563 = tpu.memref_slice %arg4[%mul3A_2, %dma_wait3A_561, %dma_wait3A_562] : memref<4096x200x64xf32, #tpu.memory_space<hbm>> -> memref<1x200x64xf32, #tpu.memory_space<hbm>>
        %dma_wait3A_564 = tpu.memref_squeeze %dma_wait3A_563 : memref<1x200x64xf32, #tpu.memory_space<hbm>> -> memref<200x64xf32, #tpu.memory_space<hbm>>
        %dma_wait3A_565 = arith.constant 0 : i32
        %dma_wait3A_566 = arith.constant 0 : i32
        %dma_wait3A_567 = tpu.memref_slice %arg4[%mul3A_2, %dma_wait3A_565, %dma_wait3A_566] : memref<4096x200x64xf32, #tpu.memory_space<hbm>> -> memref<1x200x64xf32, #tpu.memory_space<hbm>>
        %dma_wait3A_568 = tpu.memref_squeeze %dma_wait3A_567 : memref<1x200x64xf32, #tpu.memory_space<hbm>> -> memref<200x64xf32, #tpu.memory_space<hbm>>
        %dma_wait3A_569 = arith.constant 400 : i32
        %dma_wait3A_570 = arith.constant 0 : i32
        %dma_wait3A_571 = tpu.memref_slice %arg6[%dma_wait3A_569, %dma_wait3A_570] : memref<1600x64xf32, #tpu.memory_space<vmem>> -> memref<200x64xf32, #tpu.memory_space<vmem>>
        tpu.wait_dma2 semaphore(%arg8 : memref<!tpu.dma_semaphore, #tpu.memory_space<semaphore_mem>>) src(%dma_wait3A_571 : memref<200x64xf32, #tpu.memory_space<vmem>>) dst(%dma_wait3A_568 : memref<200x64xf32, #tpu.memory_space<hbm>>)
      } else {
      }
      %add3A_453 = arith.constant 5 : i32
      %add3A_454 = arith.addi %add3A_412, %add3A_453 : i32
      %lt3A_455 = arith.constant 128 : i32
      %lt3A_456 = arith.cmpi slt, %add3A_454, %lt3A_455 : i32
      %convert_element_type3A_457 = arith.extui %lt3A_456 : i1 to i32
      %cond3A_458 = arith.constant 0 : i32
      %cond3A_459 = arith.cmpi ne, %convert_element_type3A_457, %cond3A_458 : i32
      scf.if %cond3A_459 {
        %add3A_558 = arith.constant 5 : i32
        %add3A_559 = arith.addi %add3A_412, %add3A_558 : i32
        %dma_start3A_560 = arith.constant 400 : i32
        %dma_start3A_561 = arith.constant 0 : i32
        %dma_start3A_562 = tpu.memref_slice %arg6[%dma_start3A_560, %dma_start3A_561] : memref<1600x64xf32, #tpu.memory_space<vmem>> -> memref<200x64xf32, #tpu.memory_space<vmem>>
        %dma_start3A_563 = arith.constant 0 : i32
        %dma_start3A_564 = tpu.memref_slice %arg5[%add3A_559, %dma_start3A_563] : memref<128x200xi32, #tpu.memory_space<vmem>> -> memref<1x200xi32, #tpu.memory_space<vmem>>
        %dma_start3A_565 = tpu.memref_squeeze %dma_start3A_564 : memref<1x200xi32, #tpu.memory_space<vmem>> -> memref<200xi32, #tpu.memory_space<vmem>>
        %dma_start3A_566 = arith.constant 0 : i32
        %dma_start3A_567 = arith.constant 0 : i32
        %dma_start3A_568 = tpu.memref_slice %arg3[%dma_start3A_566, %dma_start3A_567] : memref<1000000x64xf32, #tpu.memory_space<hbm>> -> memref<1000000x64xf32, #tpu.memory_space<hbm>>
        tpu.enqueue_indirect_dma source(%dma_start3A_568 : memref<1000000x64xf32, #tpu.memory_space<hbm>>) target(%dma_start3A_562 : memref<200x64xf32, #tpu.memory_space<vmem>>) offsets(%dma_start3A_565 : memref<200xi32, #tpu.memory_space<vmem>>) semaphore(%arg7 : memref<!tpu.dma_semaphore, #tpu.memory_space<semaphore_mem>>)
      } else {
      }
      %add3A_460 = arith.constant 6 : i32
      %add3A_461 = arith.addi %add3A_171, %add3A_460 : i32
      %dma_wait3A_462 = arith.constant 1200 : i32
      %dma_wait3A_463 = arith.constant 0 : i32
      %dma_wait3A_464 = tpu.memref_slice %arg6[%dma_wait3A_462, %dma_wait3A_463] : memref<1600x64xf32, #tpu.memory_space<vmem>> -> memref<200x64xf32, #tpu.memory_space<vmem>>
      %dma_wait3A_465 = arith.constant 0 : i32
      %dma_wait3A_466 = arith.constant 0 : i32
      %dma_wait3A_467 = tpu.memref_slice %arg3[%dma_wait3A_465, %dma_wait3A_466] : memref<1000000x64xf32, #tpu.memory_space<hbm>> -> memref<200x64xf32, #tpu.memory_space<hbm>>
      %dma_wait3A_468 = arith.constant 1200 : i32
      %dma_wait3A_469 = arith.constant 0 : i32
      %dma_wait3A_470 = tpu.memref_slice %arg6[%dma_wait3A_468, %dma_wait3A_469] : memref<1600x64xf32, #tpu.memory_space<vmem>> -> memref<200x64xf32, #tpu.memory_space<vmem>>
      %dma_wait3A_471 = arith.constant 0 : i32
      %dma_wait3A_472 = arith.constant 0 : i32
      %dma_wait3A_473 = tpu.memref_slice %arg3[%dma_wait3A_471, %dma_wait3A_472] : memref<1000000x64xf32, #tpu.memory_space<hbm>> -> memref<200x64xf32, #tpu.memory_space<hbm>>
      tpu.wait_dma2 semaphore(%arg7 : memref<!tpu.dma_semaphore, #tpu.memory_space<semaphore_mem>>) src(%dma_wait3A_473 : memref<200x64xf32, #tpu.memory_space<hbm>>) dst(%dma_wait3A_470 : memref<200x64xf32, #tpu.memory_space<vmem>>)
      %parallel_loop3A_474 = arith.constant 0 : i32
      %parallel_loop3A_475 = arith.constant 200 : i32
      %parallel_loop3A_476 = arith.constant 1 : i32
      scf.for %parallel_loop3A_558 = %parallel_loop3A_474 to %parallel_loop3A_475 step %parallel_loop3A_476  : i32 {
        %parallel_loop3A_559 = arith.constant 1200 : i32
        %parallel_loop3A_560 = arith.addi %parallel_loop3A_559, %parallel_loop3A_558 : i32
        %parallel_loop3A_561 = arith.index_cast %parallel_loop3A_560 : i32 to index
        %parallel_loop3A_562 = arith.constant 0 : index
        %parallel_loop3A_563 = tpu.vector_load %arg6[%parallel_loop3A_561, %parallel_loop3A_562] {strides = array<i32>} : memref<1600x64xf32, #tpu.memory_space<vmem>>, vector<1x16xf32>,
        %parallel_loop3A_564 = vector.shape_cast %parallel_loop3A_563 : vector<1x16xf32> to vector<16xf32>
        %parallel_loop3A_565 = arith.constant 8.000000e+00 : f32
        %parallel_loop3A_566 = vector.broadcast %parallel_loop3A_565 : f32 to vector<16xf32>
        %parallel_loop3A_567 = arith.mulf %parallel_loop3A_564, %parallel_loop3A_566 : vector<16xf32>
        %parallel_loop3A_568 = arith.index_cast %parallel_loop3A_560 : i32 to index
        %parallel_loop3A_569 = arith.constant 0 : index
        %parallel_loop3A_570 = tpu.vector_load %arg6[%parallel_loop3A_568, %parallel_loop3A_569] {strides = array<i32>} : memref<1600x64xf32, #tpu.memory_space<vmem>>, vector<1x16xf32>,
        %parallel_loop3A_571 = vector.shape_cast %parallel_loop3A_570 : vector<1x16xf32> to vector<16xf32>
        %parallel_loop3A_572 = vector.shape_cast %parallel_loop3A_567 : vector<16xf32> to vector<1x16xf32>
        tpu.vector_store %arg6[%parallel_loop3A_568, %parallel_loop3A_569], %parallel_loop3A_572 {strides = array<i32>} : memref<1600x64xf32, #tpu.memory_space<vmem>>, vector<1x16xf32>,
        %parallel_loop3A_573 = arith.constant 1200 : i32
        %parallel_loop3A_574 = arith.addi %parallel_loop3A_573, %parallel_loop3A_558 : i32
        %parallel_loop3A_575 = arith.index_cast %parallel_loop3A_574 : i32 to index
        %parallel_loop3A_576 = arith.constant 16 : index
        %parallel_loop3A_577 = tpu.vector_load %arg6[%parallel_loop3A_575, %parallel_loop3A_576] {strides = array<i32>} : memref<1600x64xf32, #tpu.memory_space<vmem>>, vector<1x16xf32>,
        %parallel_loop3A_578 = vector.shape_cast %parallel_loop3A_577 : vector<1x16xf32> to vector<16xf32>
        %parallel_loop3A_579 = arith.constant 8.000000e+00 : f32
        %parallel_loop3A_580 = vector.broadcast %parallel_loop3A_579 : f32 to vector<16xf32>
        %parallel_loop3A_581 = arith.mulf %parallel_loop3A_578, %parallel_loop3A_580 : vector<16xf32>
        %parallel_loop3A_582 = arith.index_cast %parallel_loop3A_574 : i32 to index
        %parallel_loop3A_583 = arith.constant 16 : index
        %parallel_loop3A_584 = tpu.vector_load %arg6[%parallel_loop3A_582, %parallel_loop3A_583] {strides = array<i32>} : memref<1600x64xf32, #tpu.memory_space<vmem>>, vector<1x16xf32>,
        %parallel_loop3A_585 = vector.shape_cast %parallel_loop3A_584 : vector<1x16xf32> to vector<16xf32>
        %parallel_loop3A_586 = vector.shape_cast %parallel_loop3A_581 : vector<16xf32> to vector<1x16xf32>
        tpu.vector_store %arg6[%parallel_loop3A_582, %parallel_loop3A_583], %parallel_loop3A_586 {strides = array<i32>} : memref<1600x64xf32, #tpu.memory_space<vmem>>, vector<1x16xf32>,
        %parallel_loop3A_587 = arith.constant 1200 : i32
        %parallel_loop3A_588 = arith.addi %parallel_loop3A_587, %parallel_loop3A_558 : i32
        %parallel_loop3A_589 = arith.index_cast %parallel_loop3A_588 : i32 to index
        %parallel_loop3A_590 = arith.constant 32 : index
        %parallel_loop3A_591 = tpu.vector_load %arg6[%parallel_loop3A_589, %parallel_loop3A_590] {strides = array<i32>} : memref<1600x64xf32, #tpu.memory_space<vmem>>, vector<1x16xf32>,
        %parallel_loop3A_592 = vector.shape_cast %parallel_loop3A_591 : vector<1x16xf32> to vector<16xf32>
        %parallel_loop3A_593 = arith.constant 8.000000e+00 : f32
        %parallel_loop3A_594 = vector.broadcast %parallel_loop3A_593 : f32 to vector<16xf32>
        %parallel_loop3A_595 = arith.mulf %parallel_loop3A_592, %parallel_loop3A_594 : vector<16xf32>
        %parallel_loop3A_596 = arith.index_cast %parallel_loop3A_588 : i32 to index
        %parallel_loop3A_597 = arith.constant 32 : index
        %parallel_loop3A_598 = tpu.vector_load %arg6[%parallel_loop3A_596, %parallel_loop3A_597] {strides = array<i32>} : memref<1600x64xf32, #tpu.memory_space<vmem>>, vector<1x16xf32>,
        %parallel_loop3A_599 = vector.shape_cast %parallel_loop3A_598 : vector<1x16xf32> to vector<16xf32>
        %parallel_loop3A_600 = vector.shape_cast %parallel_loop3A_595 : vector<16xf32> to vector<1x16xf32>
        tpu.vector_store %arg6[%parallel_loop3A_596, %parallel_loop3A_597], %parallel_loop3A_600 {strides = array<i32>} : memref<1600x64xf32, #tpu.memory_space<vmem>>, vector<1x16xf32>,
        %parallel_loop3A_601 = arith.constant 1200 : i32
        %parallel_loop3A_602 = arith.addi %parallel_loop3A_601, %parallel_loop3A_558 : i32
        %parallel_loop3A_603 = arith.index_cast %parallel_loop3A_602 : i32 to index
        %parallel_loop3A_604 = arith.constant 48 : index
        %parallel_loop3A_605 = tpu.vector_load %arg6[%parallel_loop3A_603, %parallel_loop3A_604] {strides = array<i32>} : memref<1600x64xf32, #tpu.memory_space<vmem>>, vector<1x16xf32>,
        %parallel_loop3A_606 = vector.shape_cast %parallel_loop3A_605 : vector<1x16xf32> to vector<16xf32>
        %parallel_loop3A_607 = arith.constant 8.000000e+00 : f32
        %parallel_loop3A_608 = vector.broadcast %parallel_loop3A_607 : f32 to vector<16xf32>
        %parallel_loop3A_609 = arith.mulf %parallel_loop3A_606, %parallel_loop3A_608 : vector<16xf32>
        %parallel_loop3A_610 = arith.index_cast %parallel_loop3A_602 : i32 to index
        %parallel_loop3A_611 = arith.constant 48 : index
        %parallel_loop3A_612 = tpu.vector_load %arg6[%parallel_loop3A_610, %parallel_loop3A_611] {strides = array<i32>} : memref<1600x64xf32, #tpu.memory_space<vmem>>, vector<1x16xf32>,
        %parallel_loop3A_613 = vector.shape_cast %parallel_loop3A_612 : vector<1x16xf32> to vector<16xf32>
        %parallel_loop3A_614 = vector.shape_cast %parallel_loop3A_609 : vector<16xf32> to vector<1x16xf32>
        tpu.vector_store %arg6[%parallel_loop3A_610, %parallel_loop3A_611], %parallel_loop3A_614 {strides = array<i32>} : memref<1600x64xf32, #tpu.memory_space<vmem>>, vector<1x16xf32>,
      } {sc.loop_unroll_factor = 8 : i64, sc.parallel_access}
      %add3A_477 = arith.addi %mul3A_2, %add3A_461 : i32
      %dma_start3A_478 = arith.constant 1200 : i32
      %dma_start3A_479 = arith.constant 0 : i32
      %dma_start3A_480 = tpu.memref_slice %arg6[%dma_start3A_478, %dma_start3A_479] : memref<1600x64xf32, #tpu.memory_space<vmem>> -> memref<200x64xf32, #tpu.memory_space<vmem>>
      %dma_start3A_481 = arith.constant 0 : i32
      %dma_start3A_482 = arith.constant 0 : i32
      %dma_start3A_483 = tpu.memref_slice %arg4[%add3A_477, %dma_start3A_481, %dma_start3A_482] : memref<4096x200x64xf32, #tpu.memory_space<hbm>> -> memref<1x200x64xf32, #tpu.memory_space<hbm>>
      %dma_start3A_484 = tpu.memref_squeeze %dma_start3A_483 : memref<1x200x64xf32, #tpu.memory_space<hbm>> -> memref<200x64xf32, #tpu.memory_space<hbm>>
      %dma_start3A_485 = arith.constant 0 : i32
      %dma_start3A_486 = arith.constant 0 : i32
      %dma_start3A_487 = tpu.memref_slice %arg4[%add3A_477, %dma_start3A_485, %dma_start3A_486] : memref<4096x200x64xf32, #tpu.memory_space<hbm>> -> memref<1x200x64xf32, #tpu.memory_space<hbm>>
      %dma_start3A_488 = tpu.memref_squeeze %dma_start3A_487 : memref<1x200x64xf32, #tpu.memory_space<hbm>> -> memref<200x64xf32, #tpu.memory_space<hbm>>
      %dma_start3A_489 = arith.constant 1200 : i32
      %dma_start3A_490 = arith.constant 0 : i32
      %dma_start3A_491 = tpu.memref_slice %arg6[%dma_start3A_489, %dma_start3A_490] : memref<1600x64xf32, #tpu.memory_space<vmem>> -> memref<200x64xf32, #tpu.memory_space<vmem>>
      tpu.enqueue_dma source(%dma_start3A_491 : memref<200x64xf32, #tpu.memory_space<vmem>>) target(%dma_start3A_488 : memref<200x64xf32, #tpu.memory_space<hbm>>) target_semaphore(%arg8 : memref<!tpu.dma_semaphore, #tpu.memory_space<semaphore_mem>>)
      %ge3A_492 = arith.constant 3 : i32
      %ge3A_493 = arith.cmpi sge, %add3A_461, %ge3A_492 : i32
      %add3A_494 = arith.constant 5 : i32
      %add3A_495 = arith.addi %add3A_461, %add3A_494 : i32
      %lt3A_496 = arith.constant 128 : i32
      %lt3A_497 = arith.cmpi slt, %add3A_495, %lt3A_496 : i32
      %and3A_498 = arith.andi %ge3A_493, %lt3A_497 : i1
      %convert_element_type3A_499 = arith.extui %and3A_498 : i1 to i32
      %cond3A_500 = arith.constant 0 : i32
      %cond3A_501 = arith.cmpi ne, %convert_element_type3A_499, %cond3A_500 : i32
      scf.if %cond3A_501 {
        %dma_wait3A_558 = arith.constant 600 : i32
        %dma_wait3A_559 = arith.constant 0 : i32
        %dma_wait3A_560 = tpu.memref_slice %arg6[%dma_wait3A_558, %dma_wait3A_559] : memref<1600x64xf32, #tpu.memory_space<vmem>> -> memref<200x64xf32, #tpu.memory_space<vmem>>
        %dma_wait3A_561 = arith.constant 0 : i32
        %dma_wait3A_562 = arith.constant 0 : i32
        %dma_wait3A_563 = tpu.memref_slice %arg4[%mul3A_2, %dma_wait3A_561, %dma_wait3A_562] : memref<4096x200x64xf32, #tpu.memory_space<hbm>> -> memref<1x200x64xf32, #tpu.memory_space<hbm>>
        %dma_wait3A_564 = tpu.memref_squeeze %dma_wait3A_563 : memref<1x200x64xf32, #tpu.memory_space<hbm>> -> memref<200x64xf32, #tpu.memory_space<hbm>>
        %dma_wait3A_565 = arith.constant 0 : i32
        %dma_wait3A_566 = arith.constant 0 : i32
        %dma_wait3A_567 = tpu.memref_slice %arg4[%mul3A_2, %dma_wait3A_565, %dma_wait3A_566] : memref<4096x200x64xf32, #tpu.memory_space<hbm>> -> memref<1x200x64xf32, #tpu.memory_space<hbm>>
        %dma_wait3A_568 = tpu.memref_squeeze %dma_wait3A_567 : memref<1x200x64xf32, #tpu.memory_space<hbm>> -> memref<200x64xf32, #tpu.memory_space<hbm>>
        %dma_wait3A_569 = arith.constant 600 : i32
        %dma_wait3A_570 = arith.constant 0 : i32
        %dma_wait3A_571 = tpu.memref_slice %arg6[%dma_wait3A_569, %dma_wait3A_570] : memref<1600x64xf32, #tpu.memory_space<vmem>> -> memref<200x64xf32, #tpu.memory_space<vmem>>
        tpu.wait_dma2 semaphore(%arg8 : memref<!tpu.dma_semaphore, #tpu.memory_space<semaphore_mem>>) src(%dma_wait3A_571 : memref<200x64xf32, #tpu.memory_space<vmem>>) dst(%dma_wait3A_568 : memref<200x64xf32, #tpu.memory_space<hbm>>)
      } else {
      }
      %add3A_502 = arith.constant 5 : i32
      %add3A_503 = arith.addi %add3A_461, %add3A_502 : i32
      %lt3A_504 = arith.constant 128 : i32
      %lt3A_505 = arith.cmpi slt, %add3A_503, %lt3A_504 : i32
      %convert_element_type3A_506 = arith.extui %lt3A_505 : i1 to i32
      %cond3A_507 = arith.constant 0 : i32
      %cond3A_508 = arith.cmpi ne, %convert_element_type3A_506, %cond3A_507 : i32
      scf.if %cond3A_508 {
        %add3A_558 = arith.constant 5 : i32
        %add3A_559 = arith.addi %add3A_461, %add3A_558 : i32
        %dma_start3A_560 = arith.constant 600 : i32
        %dma_start3A_561 = arith.constant 0 : i32
        %dma_start3A_562 = tpu.memref_slice %arg6[%dma_start3A_560, %dma_start3A_561] : memref<1600x64xf32, #tpu.memory_space<vmem>> -> memref<200x64xf32, #tpu.memory_space<vmem>>
        %dma_start3A_563 = arith.constant 0 : i32
        %dma_start3A_564 = tpu.memref_slice %arg5[%add3A_559, %dma_start3A_563] : memref<128x200xi32, #tpu.memory_space<vmem>> -> memref<1x200xi32, #tpu.memory_space<vmem>>
        %dma_start3A_565 = tpu.memref_squeeze %dma_start3A_564 : memref<1x200xi32, #tpu.memory_space<vmem>> -> memref<200xi32, #tpu.memory_space<vmem>>
        %dma_start3A_566 = arith.constant 0 : i32
        %dma_start3A_567 = arith.constant 0 : i32
        %dma_start3A_568 = tpu.memref_slice %arg3[%dma_start3A_566, %dma_start3A_567] : memref<1000000x64xf32, #tpu.memory_space<hbm>> -> memref<1000000x64xf32, #tpu.memory_space<hbm>>
        tpu.enqueue_indirect_dma source(%dma_start3A_568 : memref<1000000x64xf32, #tpu.memory_space<hbm>>) target(%dma_start3A_562 : memref<200x64xf32, #tpu.memory_space<vmem>>) offsets(%dma_start3A_565 : memref<200xi32, #tpu.memory_space<vmem>>) semaphore(%arg7 : memref<!tpu.dma_semaphore, #tpu.memory_space<semaphore_mem>>)
      } else {
      }
      %add3A_509 = arith.constant 7 : i32
      %add3A_510 = arith.addi %add3A_171, %add3A_509 : i32
      %dma_wait3A_511 = arith.constant 1400 : i32
      %dma_wait3A_512 = arith.constant 0 : i32
      %dma_wait3A_513 = tpu.memref_slice %arg6[%dma_wait3A_511, %dma_wait3A_512] : memref<1600x64xf32, #tpu.memory_space<vmem>> -> memref<200x64xf32, #tpu.memory_space<vmem>>
      %dma_wait3A_514 = arith.constant 0 : i32
      %dma_wait3A_515 = arith.constant 0 : i32
      %dma_wait3A_516 = tpu.memref_slice %arg3[%dma_wait3A_514, %dma_wait3A_515] : memref<1000000x64xf32, #tpu.memory_space<hbm>> -> memref<200x64xf32, #tpu.memory_space<hbm>>
      %dma_wait3A_517 = arith.constant 1400 : i32
      %dma_wait3A_518 = arith.constant 0 : i32
      %dma_wait3A_519 = tpu.memref_slice %arg6[%dma_wait3A_517, %dma_wait3A_518] : memref<1600x64xf32, #tpu.memory_space<vmem>> -> memref<200x64xf32, #tpu.memory_space<vmem>>
      %dma_wait3A_520 = arith.constant 0 : i32
      %dma_wait3A_521 = arith.constant 0 : i32
      %dma_wait3A_522 = tpu.memref_slice %arg3[%dma_wait3A_520, %dma_wait3A_521] : memref<1000000x64xf32, #tpu.memory_space<hbm>> -> memref<200x64xf32, #tpu.memory_space<hbm>>
      tpu.wait_dma2 semaphore(%arg7 : memref<!tpu.dma_semaphore, #tpu.memory_space<semaphore_mem>>) src(%dma_wait3A_522 : memref<200x64xf32, #tpu.memory_space<hbm>>) dst(%dma_wait3A_519 : memref<200x64xf32, #tpu.memory_space<vmem>>)
      %parallel_loop3A_523 = arith.constant 0 : i32
      %parallel_loop3A_524 = arith.constant 200 : i32
      %parallel_loop3A_525 = arith.constant 1 : i32
      scf.for %parallel_loop3A_558 = %parallel_loop3A_523 to %parallel_loop3A_524 step %parallel_loop3A_525  : i32 {
        %parallel_loop3A_559 = arith.constant 1400 : i32
        %parallel_loop3A_560 = arith.addi %parallel_loop3A_559, %parallel_loop3A_558 : i32
        %parallel_loop3A_561 = arith.index_cast %parallel_loop3A_560 : i32 to index
        %parallel_loop3A_562 = arith.constant 0 : index
        %parallel_loop3A_563 = tpu.vector_load %arg6[%parallel_loop3A_561, %parallel_loop3A_562] {strides = array<i32>} : memref<1600x64xf32, #tpu.memory_space<vmem>>, vector<1x16xf32>,
        %parallel_loop3A_564 = vector.shape_cast %parallel_loop3A_563 : vector<1x16xf32> to vector<16xf32>
        %parallel_loop3A_565 = arith.constant 8.000000e+00 : f32
        %parallel_loop3A_566 = vector.broadcast %parallel_loop3A_565 : f32 to vector<16xf32>
        %parallel_loop3A_567 = arith.mulf %parallel_loop3A_564, %parallel_loop3A_566 : vector<16xf32>
        %parallel_loop3A_568 = arith.index_cast %parallel_loop3A_560 : i32 to index
        %parallel_loop3A_569 = arith.constant 0 : index
        %parallel_loop3A_570 = tpu.vector_load %arg6[%parallel_loop3A_568, %parallel_loop3A_569] {strides = array<i32>} : memref<1600x64xf32, #tpu.memory_space<vmem>>, vector<1x16xf32>,
        %parallel_loop3A_571 = vector.shape_cast %parallel_loop3A_570 : vector<1x16xf32> to vector<16xf32>
        %parallel_loop3A_572 = vector.shape_cast %parallel_loop3A_567 : vector<16xf32> to vector<1x16xf32>
        tpu.vector_store %arg6[%parallel_loop3A_568, %parallel_loop3A_569], %parallel_loop3A_572 {strides = array<i32>} : memref<1600x64xf32, #tpu.memory_space<vmem>>, vector<1x16xf32>,
        %parallel_loop3A_573 = arith.constant 1400 : i32
        %parallel_loop3A_574 = arith.addi %parallel_loop3A_573, %parallel_loop3A_558 : i32
        %parallel_loop3A_575 = arith.index_cast %parallel_loop3A_574 : i32 to index
        %parallel_loop3A_576 = arith.constant 16 : index
        %parallel_loop3A_577 = tpu.vector_load %arg6[%parallel_loop3A_575, %parallel_loop3A_576] {strides = array<i32>} : memref<1600x64xf32, #tpu.memory_space<vmem>>, vector<1x16xf32>,
        %parallel_loop3A_578 = vector.shape_cast %parallel_loop3A_577 : vector<1x16xf32> to vector<16xf32>
        %parallel_loop3A_579 = arith.constant 8.000000e+00 : f32
        %parallel_loop3A_580 = vector.broadcast %parallel_loop3A_579 : f32 to vector<16xf32>
        %parallel_loop3A_581 = arith.mulf %parallel_loop3A_578, %parallel_loop3A_580 : vector<16xf32>
        %parallel_loop3A_582 = arith.index_cast %parallel_loop3A_574 : i32 to index
        %parallel_loop3A_583 = arith.constant 16 : index
        %parallel_loop3A_584 = tpu.vector_load %arg6[%parallel_loop3A_582, %parallel_loop3A_583] {strides = array<i32>} : memref<1600x64xf32, #tpu.memory_space<vmem>>, vector<1x16xf32>,
        %parallel_loop3A_585 = vector.shape_cast %parallel_loop3A_584 : vector<1x16xf32> to vector<16xf32>
        %parallel_loop3A_586 = vector.shape_cast %parallel_loop3A_581 : vector<16xf32> to vector<1x16xf32>
        tpu.vector_store %arg6[%parallel_loop3A_582, %parallel_loop3A_583], %parallel_loop3A_586 {strides = array<i32>} : memref<1600x64xf32, #tpu.memory_space<vmem>>, vector<1x16xf32>,
        %parallel_loop3A_587 = arith.constant 1400 : i32
        %parallel_loop3A_588 = arith.addi %parallel_loop3A_587, %parallel_loop3A_558 : i32
        %parallel_loop3A_589 = arith.index_cast %parallel_loop3A_588 : i32 to index
        %parallel_loop3A_590 = arith.constant 32 : index
        %parallel_loop3A_591 = tpu.vector_load %arg6[%parallel_loop3A_589, %parallel_loop3A_590] {strides = array<i32>} : memref<1600x64xf32, #tpu.memory_space<vmem>>, vector<1x16xf32>,
        %parallel_loop3A_592 = vector.shape_cast %parallel_loop3A_591 : vector<1x16xf32> to vector<16xf32>
        %parallel_loop3A_593 = arith.constant 8.000000e+00 : f32
        %parallel_loop3A_594 = vector.broadcast %parallel_loop3A_593 : f32 to vector<16xf32>
        %parallel_loop3A_595 = arith.mulf %parallel_loop3A_592, %parallel_loop3A_594 : vector<16xf32>
        %parallel_loop3A_596 = arith.index_cast %parallel_loop3A_588 : i32 to index
        %parallel_loop3A_597 = arith.constant 32 : index
        %parallel_loop3A_598 = tpu.vector_load %arg6[%parallel_loop3A_596, %parallel_loop3A_597] {strides = array<i32>} : memref<1600x64xf32, #tpu.memory_space<vmem>>, vector<1x16xf32>,
        %parallel_loop3A_599 = vector.shape_cast %parallel_loop3A_598 : vector<1x16xf32> to vector<16xf32>
        %parallel_loop3A_600 = vector.shape_cast %parallel_loop3A_595 : vector<16xf32> to vector<1x16xf32>
        tpu.vector_store %arg6[%parallel_loop3A_596, %parallel_loop3A_597], %parallel_loop3A_600 {strides = array<i32>} : memref<1600x64xf32, #tpu.memory_space<vmem>>, vector<1x16xf32>,
        %parallel_loop3A_601 = arith.constant 1400 : i32
        %parallel_loop3A_602 = arith.addi %parallel_loop3A_601, %parallel_loop3A_558 : i32
        %parallel_loop3A_603 = arith.index_cast %parallel_loop3A_602 : i32 to index
        %parallel_loop3A_604 = arith.constant 48 : index
        %parallel_loop3A_605 = tpu.vector_load %arg6[%parallel_loop3A_603, %parallel_loop3A_604] {strides = array<i32>} : memref<1600x64xf32, #tpu.memory_space<vmem>>, vector<1x16xf32>,
        %parallel_loop3A_606 = vector.shape_cast %parallel_loop3A_605 : vector<1x16xf32> to vector<16xf32>
        %parallel_loop3A_607 = arith.constant 8.000000e+00 : f32
        %parallel_loop3A_608 = vector.broadcast %parallel_loop3A_607 : f32 to vector<16xf32>
        %parallel_loop3A_609 = arith.mulf %parallel_loop3A_606, %parallel_loop3A_608 : vector<16xf32>
        %parallel_loop3A_610 = arith.index_cast %parallel_loop3A_602 : i32 to index
        %parallel_loop3A_611 = arith.constant 48 : index
        %parallel_loop3A_612 = tpu.vector_load %arg6[%parallel_loop3A_610, %parallel_loop3A_611] {strides = array<i32>} : memref<1600x64xf32, #tpu.memory_space<vmem>>, vector<1x16xf32>,
        %parallel_loop3A_613 = vector.shape_cast %parallel_loop3A_612 : vector<1x16xf32> to vector<16xf32>
        %parallel_loop3A_614 = vector.shape_cast %parallel_loop3A_609 : vector<16xf32> to vector<1x16xf32>
        tpu.vector_store %arg6[%parallel_loop3A_610, %parallel_loop3A_611], %parallel_loop3A_614 {strides = array<i32>} : memref<1600x64xf32, #tpu.memory_space<vmem>>, vector<1x16xf32>,
      } {sc.loop_unroll_factor = 8 : i64, sc.parallel_access}
      %add3A_526 = arith.addi %mul3A_2, %add3A_510 : i32
      %dma_start3A_527 = arith.constant 1400 : i32
      %dma_start3A_528 = arith.constant 0 : i32
      %dma_start3A_529 = tpu.memref_slice %arg6[%dma_start3A_527, %dma_start3A_528] : memref<1600x64xf32, #tpu.memory_space<vmem>> -> memref<200x64xf32, #tpu.memory_space<vmem>>
      %dma_start3A_530 = arith.constant 0 : i32
      %dma_start3A_531 = arith.constant 0 : i32
      %dma_start3A_532 = tpu.memref_slice %arg4[%add3A_526, %dma_start3A_530, %dma_start3A_531] : memref<4096x200x64xf32, #tpu.memory_space<hbm>> -> memref<1x200x64xf32, #tpu.memory_space<hbm>>
      %dma_start3A_533 = tpu.memref_squeeze %dma_start3A_532 : memref<1x200x64xf32, #tpu.memory_space<hbm>> -> memref<200x64xf32, #tpu.memory_space<hbm>>
      %dma_start3A_534 = arith.constant 0 : i32
      %dma_start3A_535 = arith.constant 0 : i32
      %dma_start3A_536 = tpu.memref_slice %arg4[%add3A_526, %dma_start3A_534, %dma_start3A_535] : memref<4096x200x64xf32, #tpu.memory_space<hbm>> -> memref<1x200x64xf32, #tpu.memory_space<hbm>>
      %dma_start3A_537 = tpu.memref_squeeze %dma_start3A_536 : memref<1x200x64xf32, #tpu.memory_space<hbm>> -> memref<200x64xf32, #tpu.memory_space<hbm>>
      %dma_start3A_538 = arith.constant 1400 : i32
      %dma_start3A_539 = arith.constant 0 : i32
      %dma_start3A_540 = tpu.memref_slice %arg6[%dma_start3A_538, %dma_start3A_539] : memref<1600x64xf32, #tpu.memory_space<vmem>> -> memref<200x64xf32, #tpu.memory_space<vmem>>
      tpu.enqueue_dma source(%dma_start3A_540 : memref<200x64xf32, #tpu.memory_space<vmem>>) target(%dma_start3A_537 : memref<200x64xf32, #tpu.memory_space<hbm>>) target_semaphore(%arg8 : memref<!tpu.dma_semaphore, #tpu.memory_space<semaphore_mem>>)
      %ge3A_541 = arith.constant 3 : i32
      %ge3A_542 = arith.cmpi sge, %add3A_510, %ge3A_541 : i32
      %add3A_543 = arith.constant 5 : i32
      %add3A_544 = arith.addi %add3A_510, %add3A_543 : i32
      %lt3A_545 = arith.constant 128 : i32
      %lt3A_546 = arith.cmpi slt, %add3A_544, %lt3A_545 : i32
      %and3A_547 = arith.andi %ge3A_542, %lt3A_546 : i1
      %convert_element_type3A_548 = arith.extui %and3A_547 : i1 to i32
      %cond3A_549 = arith.constant 0 : i32
      %cond3A_550 = arith.cmpi ne, %convert_element_type3A_548, %cond3A_549 : i32
      scf.if %cond3A_550 {
        %dma_wait3A_558 = arith.constant 800 : i32
        %dma_wait3A_559 = arith.constant 0 : i32
        %dma_wait3A_560 = tpu.memref_slice %arg6[%dma_wait3A_558, %dma_wait3A_559] : memref<1600x64xf32, #tpu.memory_space<vmem>> -> memref<200x64xf32, #tpu.memory_space<vmem>>
        %dma_wait3A_561 = arith.constant 0 : i32
        %dma_wait3A_562 = arith.constant 0 : i32
        %dma_wait3A_563 = tpu.memref_slice %arg4[%mul3A_2, %dma_wait3A_561, %dma_wait3A_562] : memref<4096x200x64xf32, #tpu.memory_space<hbm>> -> memref<1x200x64xf32, #tpu.memory_space<hbm>>
        %dma_wait3A_564 = tpu.memref_squeeze %dma_wait3A_563 : memref<1x200x64xf32, #tpu.memory_space<hbm>> -> memref<200x64xf32, #tpu.memory_space<hbm>>
        %dma_wait3A_565 = arith.constant 0 : i32
        %dma_wait3A_566 = arith.constant 0 : i32
        %dma_wait3A_567 = tpu.memref_slice %arg4[%mul3A_2, %dma_wait3A_565, %dma_wait3A_566] : memref<4096x200x64xf32, #tpu.memory_space<hbm>> -> memref<1x200x64xf32, #tpu.memory_space<hbm>>
        %dma_wait3A_568 = tpu.memref_squeeze %dma_wait3A_567 : memref<1x200x64xf32, #tpu.memory_space<hbm>> -> memref<200x64xf32, #tpu.memory_space<hbm>>
        %dma_wait3A_569 = arith.constant 800 : i32
        %dma_wait3A_570 = arith.constant 0 : i32
        %dma_wait3A_571 = tpu.memref_slice %arg6[%dma_wait3A_569, %dma_wait3A_570] : memref<1600x64xf32, #tpu.memory_space<vmem>> -> memref<200x64xf32, #tpu.memory_space<vmem>>
        tpu.wait_dma2 semaphore(%arg8 : memref<!tpu.dma_semaphore, #tpu.memory_space<semaphore_mem>>) src(%dma_wait3A_571 : memref<200x64xf32, #tpu.memory_space<vmem>>) dst(%dma_wait3A_568 : memref<200x64xf32, #tpu.memory_space<hbm>>)
      } else {
      }
      %add3A_551 = arith.constant 5 : i32
      %add3A_552 = arith.addi %add3A_510, %add3A_551 : i32
      %lt3A_553 = arith.constant 128 : i32
      %lt3A_554 = arith.cmpi slt, %add3A_552, %lt3A_553 : i32
      %convert_element_type3A_555 = arith.extui %lt3A_554 : i1 to i32
      %cond3A_556 = arith.constant 0 : i32
      %cond3A_557 = arith.cmpi ne, %convert_element_type3A_555, %cond3A_556 : i32
      scf.if %cond3A_557 {
        %add3A_558 = arith.constant 5 : i32
        %add3A_559 = arith.addi %add3A_510, %add3A_558 : i32
        %dma_start3A_560 = arith.constant 800 : i32
        %dma_start3A_561 = arith.constant 0 : i32
        %dma_start3A_562 = tpu.memref_slice %arg6[%dma_start3A_560, %dma_start3A_561] : memref<1600x64xf32, #tpu.memory_space<vmem>> -> memref<200x64xf32, #tpu.memory_space<vmem>>
        %dma_start3A_563 = arith.constant 0 : i32
        %dma_start3A_564 = tpu.memref_slice %arg5[%add3A_559, %dma_start3A_563] : memref<128x200xi32, #tpu.memory_space<vmem>> -> memref<1x200xi32, #tpu.memory_space<vmem>>
        %dma_start3A_565 = tpu.memref_squeeze %dma_start3A_564 : memref<1x200xi32, #tpu.memory_space<vmem>> -> memref<200xi32, #tpu.memory_space<vmem>>
        %dma_start3A_566 = arith.constant 0 : i32
        %dma_start3A_567 = arith.constant 0 : i32
        %dma_start3A_568 = tpu.memref_slice %arg3[%dma_start3A_566, %dma_start3A_567] : memref<1000000x64xf32, #tpu.memory_space<hbm>> -> memref<1000000x64xf32, #tpu.memory_space<hbm>>
        tpu.enqueue_indirect_dma source(%dma_start3A_568 : memref<1000000x64xf32, #tpu.memory_space<hbm>>) target(%dma_start3A_562 : memref<200x64xf32, #tpu.memory_space<vmem>>) offsets(%dma_start3A_565 : memref<200xi32, #tpu.memory_space<vmem>>) semaphore(%arg7 : memref<!tpu.dma_semaphore, #tpu.memory_space<semaphore_mem>>)
      } else {
      }
    }
    %scan3A_55 = arith.constant 16 : i32
    %dma_wait3A = arith.constant 0 : i32
    %dma_wait3A_56 = arith.constant 0 : i32
    %dma_wait3A_57 = tpu.memref_slice %arg6[%dma_wait3A, %dma_wait3A_56] : memref<1600x64xf32, #tpu.memory_space<vmem>> -> memref<200x64xf32, #tpu.memory_space<vmem>>
    %dma_wait3A_58 = arith.constant 0 : i32
    %dma_wait3A_59 = arith.constant 0 : i32
    %dma_wait3A_60 = tpu.memref_slice %arg4[%mul3A_2, %dma_wait3A_58, %dma_wait3A_59] : memref<4096x200x64xf32, #tpu.memory_space<hbm>> -> memref<1x200x64xf32, #tpu.memory_space<hbm>>
    %dma_wait3A_61 = tpu.memref_squeeze %dma_wait3A_60 : memref<1x200x64xf32, #tpu.memory_space<hbm>> -> memref<200x64xf32, #tpu.memory_space<hbm>>
    %dma_wait3A_62 = arith.constant 0 : i32
    %dma_wait3A_63 = arith.constant 0 : i32
    %dma_wait3A_64 = tpu.memref_slice %arg4[%mul3A_2, %dma_wait3A_62, %dma_wait3A_63] : memref<4096x200x64xf32, #tpu.memory_space<hbm>> -> memref<1x200x64xf32, #tpu.memory_space<hbm>>
    %dma_wait3A_65 = tpu.memref_squeeze %dma_wait3A_64 : memref<1x200x64xf32, #tpu.memory_space<hbm>> -> memref<200x64xf32, #tpu.memory_space<hbm>>
    %dma_wait3A_66 = arith.constant 0 : i32
    %dma_wait3A_67 = arith.constant 0 : i32
    %dma_wait3A_68 = tpu.memref_slice %arg6[%dma_wait3A_66, %dma_wait3A_67] : memref<1600x64xf32, #tpu.memory_space<vmem>> -> memref<200x64xf32, #tpu.memory_space<vmem>>
    tpu.wait_dma2 semaphore(%arg8 : memref<!tpu.dma_semaphore, #tpu.memory_space<semaphore_mem>>) src(%dma_wait3A_68 : memref<200x64xf32, #tpu.memory_space<vmem>>) dst(%dma_wait3A_65 : memref<200x64xf32, #tpu.memory_space<hbm>>)
    %dma_wait3A_69 = arith.constant 0 : i32
    %dma_wait3A_70 = arith.constant 0 : i32
    %dma_wait3A_71 = tpu.memref_slice %arg6[%dma_wait3A_69, %dma_wait3A_70] : memref<1600x64xf32, #tpu.memory_space<vmem>> -> memref<200x64xf32, #tpu.memory_space<vmem>>
    %dma_wait3A_72 = arith.constant 0 : i32
    %dma_wait3A_73 = arith.constant 0 : i32
    %dma_wait3A_74 = tpu.memref_slice %arg4[%mul3A_2, %dma_wait3A_72, %dma_wait3A_73] : memref<4096x200x64xf32, #tpu.memory_space<hbm>> -> memref<1x200x64xf32, #tpu.memory_space<hbm>>
    %dma_wait3A_75 = tpu.memref_squeeze %dma_wait3A_74 : memref<1x200x64xf32, #tpu.memory_space<hbm>> -> memref<200x64xf32, #tpu.memory_space<hbm>>
    %dma_wait3A_76 = arith.constant 0 : i32
    %dma_wait3A_77 = arith.constant 0 : i32
    %dma_wait3A_78 = tpu.memref_slice %arg4[%mul3A_2, %dma_wait3A_76, %dma_wait3A_77] : memref<4096x200x64xf32, #tpu.memory_space<hbm>> -> memref<1x200x64xf32, #tpu.memory_space<hbm>>
    %dma_wait3A_79 = tpu.memref_squeeze %dma_wait3A_78 : memref<1x200x64xf32, #tpu.memory_space<hbm>> -> memref<200x64xf32, #tpu.memory_space<hbm>>
    %dma_wait3A_80 = arith.constant 0 : i32
    %dma_wait3A_81 = arith.constant 0 : i32
    %dma_wait3A_82 = tpu.memref_slice %arg6[%dma_wait3A_80, %dma_wait3A_81] : memref<1600x64xf32, #tpu.memory_space<vmem>> -> memref<200x64xf32, #tpu.memory_space<vmem>>
    tpu.wait_dma2 semaphore(%arg8 : memref<!tpu.dma_semaphore, #tpu.memory_space<semaphore_mem>>) src(%dma_wait3A_82 : memref<200x64xf32, #tpu.memory_space<vmem>>) dst(%dma_wait3A_79 : memref<200x64xf32, #tpu.memory_space<hbm>>)
    %dma_wait3A_83 = arith.constant 0 : i32
    %dma_wait3A_84 = arith.constant 0 : i32
    %dma_wait3A_85 = tpu.memref_slice %arg6[%dma_wait3A_83, %dma_wait3A_84] : memref<1600x64xf32, #tpu.memory_space<vmem>> -> memref<200x64xf32, #tpu.memory_space<vmem>>
    %dma_wait3A_86 = arith.constant 0 : i32
    %dma_wait3A_87 = arith.constant 0 : i32
    %dma_wait3A_88 = tpu.memref_slice %arg4[%mul3A_2, %dma_wait3A_86, %dma_wait3A_87] : memref<4096x200x64xf32, #tpu.memory_space<hbm>> -> memref<1x200x64xf32, #tpu.memory_space<hbm>>
    %dma_wait3A_89 = tpu.memref_squeeze %dma_wait3A_88 : memref<1x200x64xf32, #tpu.memory_space<hbm>> -> memref<200x64xf32, #tpu.memory_space<hbm>>
    %dma_wait3A_90 = arith.constant 0 : i32
    %dma_wait3A_91 = arith.constant 0 : i32
    %dma_wait3A_92 = tpu.memref_slice %arg4[%mul3A_2, %dma_wait3A_90, %dma_wait3A_91] : memref<4096x200x64xf32, #tpu.memory_space<hbm>> -> memref<1x200x64xf32, #tpu.memory_space<hbm>>
    %dma_wait3A_93 = tpu.memref_squeeze %dma_wait3A_92 : memref<1x200x64xf32, #tpu.memory_space<hbm>> -> memref<200x64xf32, #tpu.memory_space<hbm>>
    %dma_wait3A_94 = arith.constant 0 : i32
    %dma_wait3A_95 = arith.constant 0 : i32
    %dma_wait3A_96 = tpu.memref_slice %arg6[%dma_wait3A_94, %dma_wait3A_95] : memref<1600x64xf32, #tpu.memory_space<vmem>> -> memref<200x64xf32, #tpu.memory_space<vmem>>
    tpu.wait_dma2 semaphore(%arg8 : memref<!tpu.dma_semaphore, #tpu.memory_space<semaphore_mem>>) src(%dma_wait3A_96 : memref<200x64xf32, #tpu.memory_space<vmem>>) dst(%dma_wait3A_93 : memref<200x64xf32, #tpu.memory_space<hbm>>)
    %dma_wait3A_97 = arith.constant 0 : i32
    %dma_wait3A_98 = arith.constant 0 : i32
    %dma_wait3A_99 = tpu.memref_slice %arg6[%dma_wait3A_97, %dma_wait3A_98] : memref<1600x64xf32, #tpu.memory_space<vmem>> -> memref<200x64xf32, #tpu.memory_space<vmem>>
    %dma_wait3A_100 = arith.constant 0 : i32
    %dma_wait3A_101 = arith.constant 0 : i32
    %dma_wait3A_102 = tpu.memref_slice %arg4[%mul3A_2, %dma_wait3A_100, %dma_wait3A_101] : memref<4096x200x64xf32, #tpu.memory_space<hbm>> -> memref<1x200x64xf32, #tpu.memory_space<hbm>>
    %dma_wait3A_103 = tpu.memref_squeeze %dma_wait3A_102 : memref<1x200x64xf32, #tpu.memory_space<hbm>> -> memref<200x64xf32, #tpu.memory_space<hbm>>
    %dma_wait3A_104 = arith.constant 0 : i32
    %dma_wait3A_105 = arith.constant 0 : i32
    %dma_wait3A_106 = tpu.memref_slice %arg4[%mul3A_2, %dma_wait3A_104, %dma_wait3A_105] : memref<4096x200x64xf32, #tpu.memory_space<hbm>> -> memref<1x200x64xf32, #tpu.memory_space<hbm>>
    %dma_wait3A_107 = tpu.memref_squeeze %dma_wait3A_106 : memref<1x200x64xf32, #tpu.memory_space<hbm>> -> memref<200x64xf32, #tpu.memory_space<hbm>>
    %dma_wait3A_108 = arith.constant 0 : i32
    %dma_wait3A_109 = arith.constant 0 : i32
    %dma_wait3A_110 = tpu.memref_slice %arg6[%dma_wait3A_108, %dma_wait3A_109] : memref<1600x64xf32, #tpu.memory_space<vmem>> -> memref<200x64xf32, #tpu.memory_space<vmem>>
    tpu.wait_dma2 semaphore(%arg8 : memref<!tpu.dma_semaphore, #tpu.memory_space<semaphore_mem>>) src(%dma_wait3A_110 : memref<200x64xf32, #tpu.memory_space<vmem>>) dst(%dma_wait3A_107 : memref<200x64xf32, #tpu.memory_space<hbm>>)
    %dma_wait3A_111 = arith.constant 0 : i32
    %dma_wait3A_112 = arith.constant 0 : i32
    %dma_wait3A_113 = tpu.memref_slice %arg6[%dma_wait3A_111, %dma_wait3A_112] : memref<1600x64xf32, #tpu.memory_space<vmem>> -> memref<200x64xf32, #tpu.memory_space<vmem>>
    %dma_wait3A_114 = arith.constant 0 : i32
    %dma_wait3A_115 = arith.constant 0 : i32
    %dma_wait3A_116 = tpu.memref_slice %arg4[%mul3A_2, %dma_wait3A_114, %dma_wait3A_115] : memref<4096x200x64xf32, #tpu.memory_space<hbm>> -> memref<1x200x64xf32, #tpu.memory_space<hbm>>
    %dma_wait3A_117 = tpu.memref_squeeze %dma_wait3A_116 : memref<1x200x64xf32, #tpu.memory_space<hbm>> -> memref<200x64xf32, #tpu.memory_space<hbm>>
    %dma_wait3A_118 = arith.constant 0 : i32
    %dma_wait3A_119 = arith.constant 0 : i32
    %dma_wait3A_120 = tpu.memref_slice %arg4[%mul3A_2, %dma_wait3A_118, %dma_wait3A_119] : memref<4096x200x64xf32, #tpu.memory_space<hbm>> -> memref<1x200x64xf32, #tpu.memory_space<hbm>>
    %dma_wait3A_121 = tpu.memref_squeeze %dma_wait3A_120 : memref<1x200x64xf32, #tpu.memory_space<hbm>> -> memref<200x64xf32, #tpu.memory_space<hbm>>
    %dma_wait3A_122 = arith.constant 0 : i32
    %dma_wait3A_123 = arith.constant 0 : i32
    %dma_wait3A_124 = tpu.memref_slice %arg6[%dma_wait3A_122, %dma_wait3A_123] : memref<1600x64xf32, #tpu.memory_space<vmem>> -> memref<200x64xf32, #tpu.memory_space<vmem>>
    tpu.wait_dma2 semaphore(%arg8 : memref<!tpu.dma_semaphore, #tpu.memory_space<semaphore_mem>>) src(%dma_wait3A_124 : memref<200x64xf32, #tpu.memory_space<vmem>>) dst(%dma_wait3A_121 : memref<200x64xf32, #tpu.memory_space<hbm>>)
    %dma_wait3A_125 = arith.constant 0 : i32
    %dma_wait3A_126 = arith.constant 0 : i32
    %dma_wait3A_127 = tpu.memref_slice %arg6[%dma_wait3A_125, %dma_wait3A_126] : memref<1600x64xf32, #tpu.memory_space<vmem>> -> memref<200x64xf32, #tpu.memory_space<vmem>>
    %dma_wait3A_128 = arith.constant 0 : i32
    %dma_wait3A_129 = arith.constant 0 : i32
    %dma_wait3A_130 = tpu.memref_slice %arg4[%mul3A_2, %dma_wait3A_128, %dma_wait3A_129] : memref<4096x200x64xf32, #tpu.memory_space<hbm>> -> memref<1x200x64xf32, #tpu.memory_space<hbm>>
    %dma_wait3A_131 = tpu.memref_squeeze %dma_wait3A_130 : memref<1x200x64xf32, #tpu.memory_space<hbm>> -> memref<200x64xf32, #tpu.memory_space<hbm>>
    %dma_wait3A_132 = arith.constant 0 : i32
    %dma_wait3A_133 = arith.constant 0 : i32
    %dma_wait3A_134 = tpu.memref_slice %arg4[%mul3A_2, %dma_wait3A_132, %dma_wait3A_133] : memref<4096x200x64xf32, #tpu.memory_space<hbm>> -> memref<1x200x64xf32, #tpu.memory_space<hbm>>
    %dma_wait3A_135 = tpu.memref_squeeze %dma_wait3A_134 : memref<1x200x64xf32, #tpu.memory_space<hbm>> -> memref<200x64xf32, #tpu.memory_space<hbm>>
    %dma_wait3A_136 = arith.constant 0 : i32
    %dma_wait3A_137 = arith.constant 0 : i32
    %dma_wait3A_138 = tpu.memref_slice %arg6[%dma_wait3A_136, %dma_wait3A_137] : memref<1600x64xf32, #tpu.memory_space<vmem>> -> memref<200x64xf32, #tpu.memory_space<vmem>>
    tpu.wait_dma2 semaphore(%arg8 : memref<!tpu.dma_semaphore, #tpu.memory_space<semaphore_mem>>) src(%dma_wait3A_138 : memref<200x64xf32, #tpu.memory_space<vmem>>) dst(%dma_wait3A_135 : memref<200x64xf32, #tpu.memory_space<hbm>>)
    %dma_wait3A_139 = arith.constant 0 : i32
    %dma_wait3A_140 = arith.constant 0 : i32
    %dma_wait3A_141 = tpu.memref_slice %arg6[%dma_wait3A_139, %dma_wait3A_140] : memref<1600x64xf32, #tpu.memory_space<vmem>> -> memref<200x64xf32, #tpu.memory_space<vmem>>
    %dma_wait3A_142 = arith.constant 0 : i32
    %dma_wait3A_143 = arith.constant 0 : i32
    %dma_wait3A_144 = tpu.memref_slice %arg4[%mul3A_2, %dma_wait3A_142, %dma_wait3A_143] : memref<4096x200x64xf32, #tpu.memory_space<hbm>> -> memref<1x200x64xf32, #tpu.memory_space<hbm>>
    %dma_wait3A_145 = tpu.memref_squeeze %dma_wait3A_144 : memref<1x200x64xf32, #tpu.memory_space<hbm>> -> memref<200x64xf32, #tpu.memory_space<hbm>>
    %dma_wait3A_146 = arith.constant 0 : i32
    %dma_wait3A_147 = arith.constant 0 : i32
    %dma_wait3A_148 = tpu.memref_slice %arg4[%mul3A_2, %dma_wait3A_146, %dma_wait3A_147] : memref<4096x200x64xf32, #tpu.memory_space<hbm>> -> memref<1x200x64xf32, #tpu.memory_space<hbm>>
    %dma_wait3A_149 = tpu.memref_squeeze %dma_wait3A_148 : memref<1x200x64xf32, #tpu.memory_space<hbm>> -> memref<200x64xf32, #tpu.memory_space<hbm>>
    %dma_wait3A_150 = arith.constant 0 : i32
    %dma_wait3A_151 = arith.constant 0 : i32
    %dma_wait3A_152 = tpu.memref_slice %arg6[%dma_wait3A_150, %dma_wait3A_151] : memref<1600x64xf32, #tpu.memory_space<vmem>> -> memref<200x64xf32, #tpu.memory_space<vmem>>
    tpu.wait_dma2 semaphore(%arg8 : memref<!tpu.dma_semaphore, #tpu.memory_space<semaphore_mem>>) src(%dma_wait3A_152 : memref<200x64xf32, #tpu.memory_space<vmem>>) dst(%dma_wait3A_149 : memref<200x64xf32, #tpu.memory_space<hbm>>)
    %dma_wait3A_153 = arith.constant 0 : i32
    %dma_wait3A_154 = arith.constant 0 : i32
    %dma_wait3A_155 = tpu.memref_slice %arg6[%dma_wait3A_153, %dma_wait3A_154] : memref<1600x64xf32, #tpu.memory_space<vmem>> -> memref<200x64xf32, #tpu.memory_space<vmem>>
    %dma_wait3A_156 = arith.constant 0 : i32
    %dma_wait3A_157 = arith.constant 0 : i32
    %dma_wait3A_158 = tpu.memref_slice %arg4[%mul3A_2, %dma_wait3A_156, %dma_wait3A_157] : memref<4096x200x64xf32, #tpu.memory_space<hbm>> -> memref<1x200x64xf32, #tpu.memory_space<hbm>>
    %dma_wait3A_159 = tpu.memref_squeeze %dma_wait3A_158 : memref<1x200x64xf32, #tpu.memory_space<hbm>> -> memref<200x64xf32, #tpu.memory_space<hbm>>
    %dma_wait3A_160 = arith.constant 0 : i32
    %dma_wait3A_161 = arith.constant 0 : i32
    %dma_wait3A_162 = tpu.memref_slice %arg4[%mul3A_2, %dma_wait3A_160, %dma_wait3A_161] : memref<4096x200x64xf32, #tpu.memory_space<hbm>> -> memref<1x200x64xf32, #tpu.memory_space<hbm>>
    %dma_wait3A_163 = tpu.memref_squeeze %dma_wait3A_162 : memref<1x200x64xf32, #tpu.memory_space<hbm>> -> memref<200x64xf32, #tpu.memory_space<hbm>>
    %dma_wait3A_164 = arith.constant 0 : i32
    %dma_wait3A_165 = arith.constant 0 : i32
    %dma_wait3A_166 = tpu.memref_slice %arg6[%dma_wait3A_164, %dma_wait3A_165] : memref<1600x64xf32, #tpu.memory_space<vmem>> -> memref<200x64xf32, #tpu.memory_space<vmem>>
    tpu.wait_dma2 semaphore(%arg8 : memref<!tpu.dma_semaphore, #tpu.memory_space<semaphore_mem>>) src(%dma_wait3A_166 : memref<200x64xf32, #tpu.memory_space<vmem>>) dst(%dma_wait3A_163 : memref<200x64xf32, #tpu.memory_space<hbm>>)
    return
  }
}

</mosaic_0001>

<sc_bundles>
// kernel: kernel.3.cloned.1.call-start
scs
__scs_entry_jumppad:
0x0: {  	(pc) =	sbr.rel $0x88, $3  }
0x1: {  	(tag) =	ssettag $0x0;
	lr =	simm.s32 $0x1  }
0x2: {  	[smem:$0x3F9F] =	sst lr;
	_ =	strace $0xD0000000  }
0x3: {  	_ = 	snop  }
0x4: {  	_ = 	snop  }
0x5: {  	_ = 	snop  }
0x6: {  	_ = 	snop  }
0x7: {  	_ = 	snop  }
__scs_overlays_trampoline_lowered:
0x8: {  	[smem:$0x3FAE] =	sst s0  }
0x9: {  	[smem:$0x3FAF] =	sst s1  }
0xa: {  	[smem:$0x3FB0] =	sst s2  }
0xb: {  	[smem:$0x3FB1] =	sst s3  }
0xc: {  	[smem:$0x3FB2] =	sst s4  }
0xd: {  	[smem:$0x3FB3] =	sst s5  }
0xe: {  	[smem:$0x3FB4] =	sst s6  }
0xf: {  	[smem:$0x3FB5] =	sst s7  }
0x10: {  	[smem:$0x3FB6] =	sst s8  }
0x11: {  	[smem:$0x3FB7] =	sst s9;
	s0 =	simm.s32 @!p0 $0x0  }
0x12: {  	s1 =	sld [smem:$0x3F9D];
	s0 =	simm.s32 @p0 $0x1  }
0x13: {  	[smem:$0x3FB8] =	sst s0;
	s0 =	simm.s32 @!p1 $0x0  }
0x14: {  	s2 =	sld [smem:$0x3F9C];
	s0 =	simm.s32 @p1 $0x1  }
0x15: {  	[smem:$0x3FB9] =	sst s0;
	s0 =	simm.s32 @!p2 $0x0  }
0x16: {  	s3 =	sld [smem:$0x3FDB];
	s0 =	simm.s32 @p2 $0x1  }
0x17: {  	s4 =	simm.s32 $0x1BF5;
	[smem:$0x3FBB] =	sst s0  }
0x18: {  	s0 =	sld [smem:$0x3F9E];
	_ =	swait.ge [sflag:s4], $0x0  }
0x19: {  	s7 =	sld [smem:$0x3F9F]  }
0x1a: {  	s8 =	sadd.s32 $0xFFFFE003, lr  }
0x1b: {  	s9 =	sadd.s32 $0xFFFFFEF7, lr;
	s5 =	simm.s32 $0xFFFFFFFF;
	p2 =	slt.u32 s8, $0xFFFFF086  }
0x1c: {  	p1 =	slt.u32 s9, $0xF7A;
	s5 =	simm.s32 @!p2 $0x0  }
0x1d: {  	s5 =	simm.s32 @p1 $0x1;
	p0 =	seq.s32 s7, s2  }
0x1e: {  	s7 =	smul.u32 @!p0 $0xF7A, s2;
	p2 =	seq.s32 @!p0 s5, $0x0  }
0x1f: {  	s9 =	smul.u32 $0xF7A, s1;
	s8 =	simm.s32 @!p0 $0x1BF5;
	p2 =	por !p2, p0  }
0x20: {  	[sflag:s8] =	ssyncset.s32 @!p0 $0xFFFFF086;
	s6 =	sadd.s32 @!p0 s3, s7;
	s7 =	simm.s32 @!p0 $0x108  }
0x21: {  	s3 =	sadd.s32 s3, s9;
	s6 =	sadd.s32 @!p0 $0x88, s6;
	s7 =	simm.s32 @p2 $0x1082  }
0x22: {  	[simem:s7], [sflag:s8] =	dma.local @!p0 [hbm:s6], $0xF7A  }
0x23: {  	s9 =	sor.u32 $0xD0000000, s2;
	s6 =	simm.s32 $0x108;
	_ =	swait.ge @!p0 [sflag:s8], $0x0  }
0x24: {  	s3 =	sadd.s32 $0x88, s3;
	s6 =	simm.s32 @!p1 $0x1082;
	[sflag:s4] =	ssyncset.s32 $0xFFFFF086  }
0x25: {  	[simem:s6], [sflag:s4] =	dma.local [hbm:s3], $0xF7A  }
0x26: {  	[smem:$0x3F9F] =	sst s1;
	(tag) =	ssettag s2;
	_ =	strace s9  }
0x27: {  	s1 =	sld [smem:$0x3FAF]  }
0x28: {  	s2 =	sld [smem:$0x3FB0]  }
0x29: {  	s4 =	sld [smem:$0x3FB2]  }
0x2a: {  	p0 =	seq.s32 s5, $0x0;
	s5 =	sld [smem:$0x3FB3]  }
0x2b: {  	s6 =	sld [smem:$0x3FB4]  }
0x2c: {  	s7 =	sld [smem:$0x3FB5]  }
0x2d: {  	s3 =	simm.s32 $0x108;
	s8 =	sld [smem:$0x3FB6]  }
0x2e: {  	s3 =	simm.s32 @!p0 $0x1082;
	s9 =	sld [smem:$0x3FB7]  }
0x2f: {  	lr =	sadd.s32 s0, s3;
	s0 =	sld [smem:$0x3FAE]  }
0x30: {  	s3 =	sld [smem:$0x3FB1]  }
0x31: {  	[smem:$0x3FBA] =	sst s10  }
0x32: {  	s10 =	sld [smem:$0x3FB8];
	_ =	sdelay $0x3  }
0x33: {  	p0 =	seq.s32 s10, $0x1;
	s10 =	sld [smem:$0x3FBA];
	_ =	sdelay $0x3  }
0x34: {  	[smem:$0x3FBA] =	sst s10  }
0x35: {  	s10 =	sld [smem:$0x3FB9];
	_ =	sdelay $0x3  }
0x36: {  	p1 =	seq.s32 s10, $0x1;
	s10 =	sld [smem:$0x3FBA];
	_ =	sdelay $0x3  }
0x37: {  	[smem:$0x3FBA] =	sst s10  }
0x38: {  	s10 =	sld [smem:$0x3FBB]  }
0x39: {  	_ = 	snop;
	(pc) =	sbr.ind lr, $3  }
0x3a: {  	_ = 	snop  }
0x3b: {  	_ = 	snop  }
0x3c: {  	p2 =	seq.s32 s10, $0x1;
	s10 =	sld [smem:$0x3FBA]  }
0x3d: {  	_ =	shalt  }
0x3e: {  	_ =	shalt  }
0x3f: {  	_ =	shalt  }
0x40: {  	_ =	shalt  }
0x41: {  	_ =	shalt  }
0x42: {  	_ =	shalt  }
0x43: {  	_ =	shalt  }
0x44: {  	_ =	shalt  }
0x45: {  	_ =	shalt  }
0x46: {  	_ =	shalt  }
0x47: {  	_ =	shalt  }
0x48: {  	_ =	shalt  }
0x49: {  	_ =	shalt  }
0x4a: {  	_ =	shalt  }
0x4b: {  	_ =	shalt  }
0x4c: {  	_ =	shalt  }
0x4d: {  	_ =	shalt  }
0x4e: {  	_ =	shalt  }
0x4f: {  	_ =	shalt  }
0x50: {  	_ =	shalt  }
0x51: {  	_ =	shalt  }
0x52: {  	_ =	shalt  }
0x53: {  	_ =	shalt  }
0x54: {  	_ =	shalt  }
0x55: {  	_ =	shalt  }
0x56: {  	_ =	shalt  }
0x57: {  	_ =	shalt  }
0x58: {  	_ =	shalt  }
0x59: {  	_ =	shalt  }
0x5a: {  	_ =	shalt  }
0x5b: {  	_ =	shalt  }
0x5c: {  	_ =	shalt  }
0x5d: {  	_ =	shalt  }
0x5e: {  	_ =	shalt  }
0x5f: {  	_ =	shalt  }
0x60: {  	_ =	shalt  }
0x61: {  	_ =	shalt  }
0x62: {  	_ =	shalt  }
0x63: {  	_ =	shalt  }
0x64: {  	_ =	shalt  }
0x65: {  	_ =	shalt  }
0x66: {  	_ =	shalt  }
0x67: {  	_ =	shalt  }
0x68: {  	_ =	shalt  }
0x69: {  	_ =	shalt  }
0x6a: {  	_ =	shalt  }
0x6b: {  	_ =	shalt  }
0x6c: {  	_ =	shalt  }
0x6d: {  	_ =	shalt  }
0x6e: {  	_ =	shalt  }
0x6f: {  	_ =	shalt  }
0x70: {  	_ =	shalt  }
0x71: {  	_ =	shalt  }
0x72: {  	_ =	shalt  }
0x73: {  	_ =	shalt  }
0x74: {  	_ =	shalt  }
0x75: {  	_ =	shalt  }
0x76: {  	_ =	shalt  }
0x77: {  	_ =	shalt  }
0x78: {  	_ =	shalt  }
0x79: {  	_ =	shalt  }
0x7a: {  	_ =	shalt  }
0x7b: {  	_ =	shalt  }
0x7c: {  	_ =	shalt  }
0x7d: {  	_ =	shalt  }
0x7e: {  	_ =	shalt  }
0x7f: {  	_ =	shalt  }
0x80: {  	_ =	shalt  }
0x81: {  	_ =	shalt  }
0x82: {  	_ =	shalt  }
0x83: {  	_ =	shalt  }
0x84: {  	_ =	shalt  }
0x85: {  	_ =	shalt  }
0x86: {  	_ =	shalt  }
0x87: {  	_ =	shalt  }
.Lfunc_end0:
.L_simem_size_0:
called_computation.1_lowered:
.L_overlay_start_0:
0x88: {  	s2 =	sld [smem:$0x3FD9]  }
0x89: {  	s3 =	sld [smem:$0x3FFE];
	_ =	sdelay $0x1  }
0x8a: {  	s1 =	srdreg.scid  }
0x8b: {  	s0 =	sand.u32 $0x1, s1  }
0x8c: {  	s17 =	sshll.u32 s0, $0xA;
	s2 =	sadd.s32 s3, s2  }
0x8d: {  	s2 =	sadd.s32 s2, s17  }
0x8e: {  	[smem:$0x3FC6] =	sst s2  }
0x8f: {  	_ = 	snop  }
0x90: {  	s2 =	sld [smem:$0x3FD0];
	(tm) =	ssettm $0x1  }
0x91: {  	s18 =	sld [smem:$0x3FFB];
	_ =	sdelay $0x3  }
0x92: {  	_ =	strace s18  }
0x93: {  	s3 =	sld [smem:$0x3FFC];
	_ =	sdelay $0x3  }
0x94: {  	_ =	strace s3  }
0x95: {  	s3 =	sld [smem:$0x3FFD];
	_ =	sdelay $0x3  }
0x96: {  	_ =	strace s3  }
0x97: {  	_ =	strace $0x8FFFFFFF  }
0x98: {  	s19 =	sld [smem:$0x3FDB];
	_ =	sdelay $0x1  }
0x99: {  	s4 =	simm.s32 $_scs_section_size  }
0x9a: {  	s5 =	simm.s32 $_size__tile_overlayer_lowered;
	s6 =	simm.s32 $_tile_overlayer_lowered  }
0x9b: {  	s22 =	simm.s32 $0x1BFF;
	s21 =	sshll.u32 s6, $0x1;
	s3 =	sadd.s32 s4, s19  }
0x9c: {  	s7 =	simm.s32 $0x0;
	s20 =	sshll.u32 s5, $0x1;
	s5 =	sadd.s32 s21, s3  }
0x9d: {  	[timem:s7], [sflag:s22] =	dma.local [hbm:s5], s20  }
0x9e: {  	_ =	swait.ge [sflag:s22], s20  }
0x9f: {  	s4 =	ssub.s32 $0x0, s20;
	[sflag:s22] =	ssyncset.done $0x0  }
0xa0: {  	[sflag:s22] =	ssyncadd.s32 s4;
	_ =	sdelay $0x1  }
0xa1: {  	s23 =	simm.s32 $0x1B8B  }
0xa2: {  	_ =	swait.ge [sflag:s23], $0x1  }
0xa3: {  	[sflag:s23] =	ssyncset.done $0x0  }
0xa4: {  	s25 =	simm.s32 $0x1B8E;
	s24 =	sld [smem:$0x3FFE];
	[sflag:s23] =	ssyncadd.s32 $0xFFFFFFFF  }
0xa5: {  	s26 =	simm.s32 $execute0_lowered;
	[smem:$0x3FD2] =	sst s25  }
0xa6: {  	s5 =	sshll.u32 s26, $0x1;
	_ =	strace $0x80000046;
	[dreg:$0x1] =	wrdreg $0xFFFFFFFF  }
0xa7: {  	s28 =	simm.s32 $_size_execute0_lowered;
	s3 =	sadd.s32 s3, s5;
	[dreg:$0x0] =	wrdreg $0x0  }
0xa8: {  	s5 =	sshll.u32 s28, $0x1;
	[dreg:$0x2] =	wrdreg s3  }
0xa9: {  	[dreg:$0x3] =	wrdreg s5  }
0xaa: {  	[dreg:$0x4] =	wrdreg $0xC0  }
0xab: {  	_ =	task [dreg:s7], $0x5FFFF  }
0xac: {  	[dreg:$0x1] =	wrdreg $0xFFFFFFFF  }
0xad: {  	[dreg:$0x0] =	wrdreg $0x60  }
0xae: {  	[dreg:$0x2] =	wrdreg s24  }
0xaf: {  	[dreg:$0x3] =	wrdreg s2  }
0xb0: {  	[dreg:$0x4] =	wrdreg $0x9  }
0xb1: {  	_ =	task.clear_ibuf [dreg:s7], $0x5FFFF;
	_ =	strace $0x90000046  }
0xb2: {  	s29 =	simm.s32 $0x9;
	_ =	strace $0x80000048  }
0xb3: {  	_ =	swait.ge [sflag:s29], $0x1  }
0xb4: {  	[sflag:s29] =	ssyncadd.s32 $0xFFFFFFFF  }
0xb5: {  	_ =	strace $0x90000048  }
0xb6: {  	_ =	sfence  }
0xb7: {  	s30 =	sld [smem:$0x0];
	_ =	sdelay $0x2  }
0xb8: {  	s31 =	sshll.u32 s1, $0xD;
	s1 =	sshrl.u32 s1, $0x2  }
0xb9: {  	s3 =	sand.u32 $0x4000, s31;
	s1 =	sadd.s32 s1, s30  }
0xba: {  	s0 =	sor.u32 s3, s0;
	s1 =	sshll.u32 s1, $0x11  }
0xbb: {  	s0 =	sor.u32 s1, s0  }
0xbc: {  	s0 =	sadd.s32 $0x8F2B, s0  }
0xbd: {  	[sflag:s0] =	ssyncadd.remote.s32 $0x1  }
0xbe: {  	_ =	sfence.sel $0xFFFF  }
0xbf: {  	[dreg:$0x0] =	wrdreg $0xFFFFFFFF;
	(pc) =	sbr.abs _section_cstart, $3  }
0xc0: {  	[dreg:$0x1] =	wrdreg $0xFFFFFFFF  }
0xc1: {  	_ =	task.clear_ibuf [dreg:s7], $0x2FFFF;
	_ =	strace $0x9FFFFFFF  }
0xc2: {  	(tm) =	ssettm $0x7FFFFFFF  }
0xc3: {  	_ =	shalt  }
tec
execute0_lowered:
.L_overlay_start_1:
0x0: {  	(tag) =	ssettag $0x1  }
0x1: {  	s0 =	srdreg.scid  }
0x2: {  	s1 =	rddreg [dreg:$0x0];
	s3 =	stileid.u32  }
0x3: {  	s2 =	rddreg [dreg:$0x1];
	s8 =	simm.s32 $0x3;
	s9 =	simm.s32 $0xC8  }
0x4: {  	s10 =	simm.s32 $0x6400;
	s11 =	simm.s32 $0x9600;
	s12 =	simm.s32 $0x190  }
0x5: {  	s13 =	simm.s32 $0xC800;
	s14 =	simm.s32 $0x258;
	s15 =	simm.s32 $0xFA00  }
0x6: {  	s16 =	simm.s32 $0x320;
	s17 =	simm.s32 $0x12C00;
	s18 =	simm.s32 $0x1  }
0x7: {  	s19 =	simm.s32 $0x15E00;
	s20 =	simm.s32 $0x19000;
	s0 =	sand.u32 $0x1, s0  }
0x8: {  	s21 =	simm.s32 $0x1C200;
	s4 =	sshll.u32 s3, $0x8;
	s5 =	sshll.u32 s0, $0x7  }
.Ltmp0:
0x9: {  	s22 =	simm.s32 $0x2;
	s4 =	sor.u32 s5, s4;
	(pc) =	sbr.rel .LBB2_1-.Ltmp0, $4  }
0xa: {  	s3 =	simm.s32 $0x0;
	s0 =	ssub.s32 $0x2, s0;
	s5 =	smul.u32 $0x19, s4  }
0xb: {  	s23 =	simm.s32 $0x0;
	[smem:$0x7FF] =	sst s3;
	s6 =	sshrl.u32 s0, $0x1  }
0xc: {  	_ =	strace $0x80000047;
	s0 =	ssub.s32 s0, s6;
	s7 =	sadd.s32 s5, s1  }
0xd: {  	s5 =	sadd.s32 $0xF42E00, s1;
	s6 =	sadd.s32 $0xA00, s7;
	s7 =	smax.u32 s0, $0x1  }
.LBB2_20:
0xe: {  	_ =	swait.ge [sflag:s22], $0x3200  }
0xf: {  	[sflag:s22] =	ssyncset.done $0x0  }
0x10: {  	[sflag:s22] =	ssyncadd.s32 $0xFFFFCE00  }
0x11: {  	_ =	swait.ge [sflag:s22], $0x3200  }
0x12: {  	[sflag:s22] =	ssyncset.done $0x0  }
0x13: {  	[sflag:s22] =	ssyncadd.s32 $0xFFFFCE00  }
0x14: {  	_ =	swait.ge [sflag:s22], $0x3200  }
0x15: {  	[sflag:s22] =	ssyncset.done $0x0  }
0x16: {  	[sflag:s22] =	ssyncadd.s32 $0xFFFFCE00  }
0x17: {  	_ =	swait.ge [sflag:s22], $0x3200  }
0x18: {  	[sflag:s22] =	ssyncset.done $0x0  }
0x19: {  	[sflag:s22] =	ssyncadd.s32 $0xFFFFCE00  }
0x1a: {  	_ =	swait.ge [sflag:s22], $0x3200  }
0x1b: {  	[sflag:s22] =	ssyncset.done $0x0  }
0x1c: {  	s23 =	sadd.s32 $0x1, s23;
	[sflag:s22] =	ssyncadd.s32 $0xFFFFCE00  }
0x1d: {  	p0 =	sne.s32 s23, s7;
	_ =	swait.ge [sflag:s22], $0x3200  }
.Ltmp1:
0x1e: {  	[sflag:s22] =	ssyncset.done $0x0;
	(pc) =	sbr.rel @!p0 .LBB2_21-.Ltmp1, $4  }
0x1f: {  	[sflag:s22] =	ssyncadd.s32 $0xFFFFCE00  }
0x20: {  	_ =	swait.ge [sflag:s22], $0x3200  }
0x21: {  	[sflag:s22] =	ssyncset.done $0x0  }
0x22: {  	[sflag:s22] =	ssyncadd.s32 $0xFFFFCE00  }
.LBB2_1:
0x23: {  	[tilespmem:s3], [sflag:$0x3] =	stream.linear.gather [hbm4b:s6+s3], $0x6400, $0x38;
	[tilespmem:$0x1F400] =	vst v63  }
0x24: {  	_ =	swait.ge [sflag:s8], $0x6400  }
0x25: {  	[sflag:s8] =	ssyncset.done $0x0  }
0x26: {  	[sflag:s8] =	ssyncadd.s32 $0xFFFF9C00  }
0x27: {  	[tilespmem:s10], [sflag:$0x1] =	stream.indirect.gather [hbm4b:s5+s9], $0x40, s3, s9, $0xb8;
	[tilespmem:$0x1F400] =	vst v63  }
0x28: {  	_ = 	snop  }
0x29: {  	[tilespmem:s11], [sflag:$0x1] =	stream.indirect.gather [hbm4b:s5+s9], $0x40, s9, s9, $0xb8;
	[tilespmem:$0x1F400] =	vst v63  }
0x2a: {  	_ = 	snop  }
0x2b: {  	[tilespmem:s13], [sflag:$0x1] =	stream.indirect.gather [hbm4b:s5+s9], $0x40, s12, s9, $0xb8;
	[tilespmem:$0x1F400] =	vst v63  }
0x2c: {  	_ = 	snop  }
0x2d: {  	[tilespmem:s15], [sflag:$0x1] =	stream.indirect.gather [hbm4b:s5+s9], $0x40, s14, s9, $0xb8;
	[tilespmem:$0x1F400] =	vst v63  }
0x2e: {  	s24 =	simm.s32 $0x0  }
0x2f: {  	[tilespmem:s17], [sflag:$0x1] =	stream.indirect.gather [hbm4b:s5+s9], $0x40, s16, s9, $0xb8;
	[tilespmem:$0x1F400] =	vst v63  }
.LBB2_2:
0x30: {  	_ =	swait.ge [sflag:s18], $0x3200  }
0x31: {  	[sflag:s18] =	ssyncset.done $0x0  }
0x32: {  	s26 =	simm.s32 $0x6500;
	[sflag:s18] =	ssyncadd.s32 $0xFFFFCE00  }
0x33: {  	v0 =	vld [tilespmem:s26+$0xF0]  }
0x34: {  	v1 =	vld [tilespmem:s26+$0xFFFFFF10]  }
0x35: {  	v2 =	vld [tilespmem:s26+$0xFFFFFF20]  }
0x36: {  	v3 =	vld [tilespmem:s26+$0xFFFFFF30]  }
0x37: {  	v4 =	vld [tilespmem:s26+$0xFFFFFF40]  }
0x38: {  	v5 =	vld [tilespmem:s26+$0xFFFFFF50];
	v0 =	vmul.f32 $8.000000000e+00, v0  }
0x39: {  	v6 =	vld [tilespmem:s26+$0xFFFFFF60];
	v1 =	vmul.f32 $8.000000000e+00, v1  }
0x3a: {  	v7 =	vld [tilespmem:s26+$0xFFFFFF70];
	v2 =	vmul.f32 $8.000000000e+00, v2;
	[tilespmem:s26+$0xF0] =	vst v0  }
0x3b: {  	[tilespmem:s26+$0xFFFFFF10] =	vst v1;
	v0 =	vmul.f32 $8.000000000e+00, v3;
	v1 =	vld [tilespmem:s26+$0xFFFFFF80]  }
0x3c: {  	[tilespmem:s26+$0xFFFFFF20] =	vst v2;
	v2 =	vmul.f32 $8.000000000e+00, v4;
	v3 =	vld [tilespmem:s26+$0xFFFFFF90]  }
0x3d: {  	v4 =	vld [tilespmem:s26+$0xFFFFFFA0];
	[tilespmem:s26+$0xFFFFFF30] =	vst v0;
	v0 =	vmul.f32 $8.000000000e+00, v5  }
0x3e: {  	[tilespmem:s26+$0xFFFFFF40] =	vst v2;
	v2 =	vmul.f32 $8.000000000e+00, v6;
	v5 =	vld [tilespmem:s26+$0xFFFFFFB0]  }
0x3f: {  	v6 =	vld [tilespmem:s26+$0xFFFFFFC0];
	[tilespmem:s26+$0xFFFFFF50] =	vst v0;
	v0 =	vmul.f32 $8.000000000e+00, v7  }
0x40: {  	[tilespmem:s26+$0xFFFFFF60] =	vst v2;
	v2 =	vld [tilespmem:s26+$0xFFFFFFD0];
	v1 =	vmul.f32 $8.000000000e+00, v1  }
0x41: {  	[tilespmem:s26+$0xFFFFFF70] =	vst v0;
	v0 =	vmul.f32 $8.000000000e+00, v3;
	v3 =	vld [tilespmem:s26+$0xFFFFFFE0]  }
0x42: {  	[tilespmem:s26+$0xFFFFFF80] =	vst v1;
	v1 =	vmul.f32 $8.000000000e+00, v4;
	v4 =	vld [tilespmem:s26+$0xFFFFFFF0]  }
0x43: {  	[tilespmem:s26+$0xFFFFFF90] =	vst v0;
	v0 =	vmul.f32 $8.000000000e+00, v5;
	v5 =	vld [tilespmem:s26+$0x0]  }
0x44: {  	[tilespmem:s26+$0xFFFFFFA0] =	vst v1;
	v1 =	vmul.f32 $8.000000000e+00, v6;
	v6 =	vld [tilespmem:s26+$0x10]  }
0x45: {  	[tilespmem:s26+$0xFFFFFFB0] =	vst v0;
	v0 =	vmul.f32 $8.000000000e+00, v2;
	v2 =	vld [tilespmem:s26+$0x20]  }
0x46: {  	[tilespmem:s26+$0xFFFFFFC0] =	vst v1;
	v1 =	vmul.f32 $8.000000000e+00, v3;
	v3 =	vld [tilespmem:s26+$0x30]  }
0x47: {  	[tilespmem:s26+$0xFFFFFFD0] =	vst v0;
	v0 =	vmul.f32 $8.000000000e+00, v4;
	v4 =	vld [tilespmem:s26+$0x40]  }
0x48: {  	[tilespmem:s26+$0xFFFFFFE0] =	vst v1;
	v1 =	vmul.f32 $8.000000000e+00, v5;
	v5 =	vld [tilespmem:s26+$0x50]  }
0x49: {  	[tilespmem:s26+$0xFFFFFFF0] =	vst v0;
	v0 =	vmul.f32 $8.000000000e+00, v6;
	v6 =	vld [tilespmem:s26+$0x60]  }
0x4a: {  	[tilespmem:s26+$0x0] =	vst v1;
	v1 =	vmul.f32 $8.000000000e+00, v2;
	v2 =	vld [tilespmem:s26+$0x70]  }
0x4b: {  	[tilespmem:s26+$0x10] =	vst v0;
	v0 =	vmul.f32 $8.000000000e+00, v3;
	v3 =	vld [tilespmem:s26+$0x80]  }
0x4c: {  	v7 =	vld [tilespmem:s26+$0x90];
	[tilespmem:s26+$0x20] =	vst v1;
	v1 =	vmul.f32 $8.000000000e+00, v4  }
0x4d: {  	v8 =	vld [tilespmem:s26+$0xA0];
	[tilespmem:s26+$0x30] =	vst v0;
	v4 =	vmul.f32 $8.000000000e+00, v5  }
0x4e: {  	v0 =	vld [tilespmem:s26+$0xB0];
	[tilespmem:s26+$0x40] =	vst v1;
	v5 =	vmul.f32 $8.000000000e+00, v6  }
0x4f: {  	v1 =	vld [tilespmem:s26+$0xC0];
	[tilespmem:s26+$0x50] =	vst v4;
	v2 =	vmul.f32 $8.000000000e+00, v2  }
0x50: {  	v4 =	vld [tilespmem:s26+$0xD0];
	[tilespmem:s26+$0x60] =	vst v5;
	v6 =	vmul.f32 $8.000000000e+00, v3  }
0x51: {  	v5 =	vmul.f32 $8.000000000e+00, v7;
	[tilespmem:s26+$0x70] =	vst v2;
	v2 =	vld [tilespmem:s26+$0xE0]  }
0x52: {  	s25 =	simm.s32 $0x0;
	s1 =	simm.s32 $0x6700;
	v3 =	vld [tilespmem:s26+$0xFFFFFF00];
	[tilespmem:s26+$0x80] =	vst v6;
	v6 =	vmul.f32 $8.000000000e+00, v8  }
.LBB2_3:
0x53: {  	v7 =	vld [tilespmem:s1+$0xF0];
	s25 =	sadd.s32 $0x8, s25;
	[tilespmem:s26+$0x90] =	vst v5;
	v0 =	vmul.f32 $8.000000000e+00, v0  }
0x54: {  	v5 =	vld [tilespmem:s1+$0xFFFFFF10];
	p0 =	slt.u32 s25, $0xC0;
	[tilespmem:s26+$0xA0] =	vst v6;
	v1 =	vmul.f32 $8.000000000e+00, v1  }
0x55: {  	v6 =	vld [tilespmem:s1+$0xFFFFFF20];
	[tilespmem:s26+$0xB0] =	vst v0;
	v0 =	vmul.f32 $8.000000000e+00, v4  }
0x56: {  	v4 =	vld [tilespmem:s1+$0xFFFFFF30];
	[tilespmem:s26+$0xC0] =	vst v1;
	v1 =	vmul.f32 $8.000000000e+00, v2  }
0x57: {  	v2 =	vld [tilespmem:s1+$0xFFFFFF40];
	v3 =	vmul.f32 $8.000000000e+00, v3;
	[tilespmem:s26+$0xD0] =	vst v0  }
0x58: {  	v0 =	vld [tilespmem:s1+$0xFFFFFF50];
	v7 =	vmul.f32 $8.000000000e+00, v7;
	[tilespmem:s26+$0xE0] =	vst v1  }
0x59: {  	v1 =	vmul.f32 $8.000000000e+00, v5;
	v5 =	vld [tilespmem:s1+$0xFFFFFF60];
	[tilespmem:s26+$0xFFFFFF00] =	vst v3;
	s26 =	smov.u32 s1  }
0x5a: {  	v3 =	vmul.f32 $8.000000000e+00, v6;
	v6 =	vld [tilespmem:s1+$0xFFFFFF70];
	[tilespmem:s1+$0xF0] =	vst v7  }
0x5b: {  	[tilespmem:s1+$0xFFFFFF10] =	vst v1;
	v1 =	vmul.f32 $8.000000000e+00, v4;
	v4 =	vld [tilespmem:s1+$0xFFFFFF80]  }
0x5c: {  	[tilespmem:s1+$0xFFFFFF20] =	vst v3;
	v2 =	vmul.f32 $8.000000000e+00, v2;
	v3 =	vld [tilespmem:s1+$0xFFFFFF90]  }
0x5d: {  	[tilespmem:s1+$0xFFFFFF30] =	vst v1;
	v0 =	vmul.f32 $8.000000000e+00, v0;
	v1 =	vld [tilespmem:s1+$0xFFFFFFA0]  }
0x5e: {  	[tilespmem:s1+$0xFFFFFF40] =	vst v2;
	v2 =	vmul.f32 $8.000000000e+00, v5;
	v5 =	vld [tilespmem:s1+$0xFFFFFFB0]  }
0x5f: {  	[tilespmem:s1+$0xFFFFFF50] =	vst v0;
	v0 =	vmul.f32 $8.000000000e+00, v6;
	v6 =	vld [tilespmem:s1+$0xFFFFFFC0]  }
0x60: {  	[tilespmem:s1+$0xFFFFFF60] =	vst v2;
	v2 =	vmul.f32 $8.000000000e+00, v4;
	v4 =	vld [tilespmem:s1+$0xFFFFFFD0]  }
0x61: {  	[tilespmem:s1+$0xFFFFFF70] =	vst v0;
	v0 =	vmul.f32 $8.000000000e+00, v3;
	v3 =	vld [tilespmem:s1+$0xFFFFFFE0]  }
0x62: {  	[tilespmem:s1+$0xFFFFFF80] =	vst v2;
	v1 =	vmul.f32 $8.000000000e+00, v1;
	v2 =	vld [tilespmem:s1+$0xFFFFFFF0]  }
0x63: {  	[tilespmem:s1+$0xFFFFFF90] =	vst v0;
	v0 =	vmul.f32 $8.000000000e+00, v5;
	v5 =	vld [tilespmem:s1+$0x0]  }
0x64: {  	[tilespmem:s1+$0xFFFFFFA0] =	vst v1;
	v1 =	vmul.f32 $8.000000000e+00, v6;
	v6 =	vld [tilespmem:s1+$0x10]  }
0x65: {  	[tilespmem:s1+$0xFFFFFFB0] =	vst v0;
	v0 =	vmul.f32 $8.000000000e+00, v4;
	v4 =	vld [tilespmem:s1+$0x20]  }
0x66: {  	[tilespmem:s1+$0xFFFFFFC0] =	vst v1;
	v1 =	vmul.f32 $8.000000000e+00, v3;
	v3 =	vld [tilespmem:s1+$0x30]  }
0x67: {  	[tilespmem:s1+$0xFFFFFFD0] =	vst v0;
	v0 =	vmul.f32 $8.000000000e+00, v2;
	v2 =	vld [tilespmem:s1+$0x40]  }
0x68: {  	[tilespmem:s1+$0xFFFFFFE0] =	vst v1;
	v1 =	vmul.f32 $8.000000000e+00, v5;
	v5 =	vld [tilespmem:s1+$0x50]  }
0x69: {  	[tilespmem:s1+$0xFFFFFFF0] =	vst v0;
	v0 =	vmul.f32 $8.000000000e+00, v6;
	v6 =	vld [tilespmem:s1+$0x60]  }
0x6a: {  	[tilespmem:s1+$0x0] =	vst v1;
	v1 =	vmul.f32 $8.000000000e+00, v4;
	v4 =	vld [tilespmem:s1+$0x70]  }
0x6b: {  	[tilespmem:s1+$0x10] =	vst v0;
	v0 =	vmul.f32 $8.000000000e+00, v3;
	v3 =	vld [tilespmem:s1+$0x80]  }
0x6c: {  	[tilespmem:s1+$0x20] =	vst v1;
	v1 =	vmul.f32 $8.000000000e+00, v2;
	v2 =	vld [tilespmem:s1+$0x90]  }
0x6d: {  	[tilespmem:s1+$0x30] =	vst v0;
	v5 =	vmul.f32 $8.000000000e+00, v5;
	v7 =	vld [tilespmem:s1+$0xA0]  }
.Ltmp2:
0x6e: {  	[tilespmem:s1+$0x40] =	vst v1;
	v6 =	vmul.f32 $8.000000000e+00, v6;
	v0 =	vld [tilespmem:s1+$0xB0];
	(pc) =	sbr.rel @p0 .LBB2_3-.Ltmp2, $4  }
0x6f: {  	[tilespmem:s1+$0x50] =	vst v5;
	v5 =	vmul.f32 $8.000000000e+00, v4;
	v1 =	vld [tilespmem:s1+$0xC0]  }
0x70: {  	[tilespmem:s1+$0x60] =	vst v6;
	v6 =	vmul.f32 $8.000000000e+00, v3;
	v4 =	vld [tilespmem:s1+$0xD0]  }
0x71: {  	[tilespmem:s1+$0x70] =	vst v5;
	v5 =	vmul.f32 $8.000000000e+00, v2;
	v2 =	vld [tilespmem:s1+$0xE0]  }
0x72: {  	s1 =	sadd.s32 $0x200, s1;
	v3 =	vld [tilespmem:s26+$0xFFFFFF00];
	[tilespmem:s26+$0x80] =	vst v6;
	v6 =	vmul.f32 $8.000000000e+00, v7  }
0x73: {  	[tilespmem:s26+$0x90] =	vst v5;
	v0 =	vmul.f32 $8.000000000e+00, v0  }
0x74: {  	[tilespmem:s26+$0xA0] =	vst v6;
	v1 =	vmul.f32 $8.000000000e+00, v1  }
0x75: {  	s25 =	sshll.u32 s24, $0x3;
	[tilespmem:s26+$0xB0] =	vst v0;
	v0 =	vmul.f32 $8.000000000e+00, v4  }
0x76: {  	s0 =	sadd.s32 s4, s25;
	[tilespmem:s26+$0xC0] =	vst v1;
	v1 =	vmul.f32 $8.000000000e+00, v2  }
0x77: {  	s0 =	smul.u32 $0x640, s0;
	v2 =	vmul.f32 $8.000000000e+00, v3;
	[tilespmem:s26+$0xD0] =	vst v0  }
0x78: {  	[tilespmem:s26+$0xE0] =	vst v1  }
0x79: {  	p0 =	seq.s32 s24, $0x0;
	s0 =	sadd.s32 s2, s0;
	[tilespmem:s26+$0xFFFFFF00] =	vst v2  }
0x7a: {  	[hbm4b:s0+s3] =	stream.linear.scatter [tilespmem:s10], [sflag:$0x2], $0x3200, $0x38;
	[tilespmem:$0x1F400] =	vst v63  }
0x7b: {  	s26 =	sor.u32 $0x5, s25;
	s0 =	simm.s32 @!p0 $0x2  }
0x7c: {  	s1 =	smul.u32 $0x320, s26;
	_ =	swait.ge @!p0 [sflag:s0], $0x3200  }
0x7d: {  	[sflag:s0] =	ssyncset.done @!p0 $0x0  }
0x7e: {  	s31 =	sshra.s32 s1, $0x2;
	[sflag:s0] =	ssyncadd.s32 @!p0 $0xFFFFCE00  }
0x7f: {  	[tilespmem:s19], [sflag:$0x1] =	stream.indirect.gather [hbm4b:s5+s9], $0x40, s31, s9, $0xb8;
	[tilespmem:$0x1F400] =	vst v63  }
0x80: {  	_ =	swait.ge [sflag:s18], $0x3200  }
0x81: {  	[sflag:s18] =	ssyncset.done $0x0  }
0x82: {  	s28 =	simm.s32 $0x97F0;
	[sflag:s18] =	ssyncadd.s32 $0xFFFFCE00  }
0x83: {  	v0 =	vld [tilespmem:s28+$0x0]  }
0x84: {  	v1 =	vld [tilespmem:s28+$0xFFFFFE20]  }
0x85: {  	v2 =	vld [tilespmem:s28+$0xFFFFFE30]  }
0x86: {  	v3 =	vld [tilespmem:s28+$0xFFFFFE40]  }
0x87: {  	v4 =	vld [tilespmem:s28+$0xFFFFFE50]  }
0x88: {  	v5 =	vld [tilespmem:s28+$0xFFFFFE60];
	v0 =	vmul.f32 $8.000000000e+00, v0  }
0x89: {  	v6 =	vld [tilespmem:s28+$0xFFFFFE70];
	v1 =	vmul.f32 $8.000000000e+00, v1  }
0x8a: {  	v7 =	vld [tilespmem:s28+$0xFFFFFE80];
	v2 =	vmul.f32 $8.000000000e+00, v2;
	[tilespmem:s28+$0x0] =	vst v0  }
0x8b: {  	[tilespmem:s28+$0xFFFFFE20] =	vst v1;
	v0 =	vmul.f32 $8.000000000e+00, v3;
	v1 =	vld [tilespmem:s28+$0xFFFFFE90]  }
0x8c: {  	[tilespmem:s28+$0xFFFFFE30] =	vst v2;
	v2 =	vmul.f32 $8.000000000e+00, v4;
	v3 =	vld [tilespmem:s28+$0xFFFFFEA0]  }
0x8d: {  	v4 =	vld [tilespmem:s28+$0xFFFFFEB0];
	[tilespmem:s28+$0xFFFFFE40] =	vst v0;
	v0 =	vmul.f32 $8.000000000e+00, v5  }
0x8e: {  	[tilespmem:s28+$0xFFFFFE50] =	vst v2;
	v2 =	vmul.f32 $8.000000000e+00, v6;
	v5 =	vld [tilespmem:s28+$0xFFFFFEC0]  }
0x8f: {  	v6 =	vld [tilespmem:s28+$0xFFFFFED0];
	[tilespmem:s28+$0xFFFFFE60] =	vst v0;
	v0 =	vmul.f32 $8.000000000e+00, v7  }
0x90: {  	[tilespmem:s28+$0xFFFFFE70] =	vst v2;
	v2 =	vld [tilespmem:s28+$0xFFFFFEE0];
	v1 =	vmul.f32 $8.000000000e+00, v1  }
0x91: {  	[tilespmem:s28+$0xFFFFFE80] =	vst v0;
	v0 =	vmul.f32 $8.000000000e+00, v3;
	v3 =	vld [tilespmem:s28+$0xFFFFFEF0]  }
0x92: {  	[tilespmem:s28+$0xFFFFFE90] =	vst v1;
	v1 =	vmul.f32 $8.000000000e+00, v4;
	v4 =	vld [tilespmem:s28+$0xFFFFFF00]  }
0x93: {  	[tilespmem:s28+$0xFFFFFEA0] =	vst v0;
	v0 =	vmul.f32 $8.000000000e+00, v5;
	v5 =	vld [tilespmem:s28+$0xFFFFFF10]  }
0x94: {  	[tilespmem:s28+$0xFFFFFEB0] =	vst v1;
	v1 =	vmul.f32 $8.000000000e+00, v6;
	v6 =	vld [tilespmem:s28+$0xFFFFFF20]  }
0x95: {  	[tilespmem:s28+$0xFFFFFEC0] =	vst v0;
	v0 =	vmul.f32 $8.000000000e+00, v2;
	v2 =	vld [tilespmem:s28+$0xFFFFFF30]  }
0x96: {  	[tilespmem:s28+$0xFFFFFED0] =	vst v1;
	v1 =	vmul.f32 $8.000000000e+00, v3;
	v3 =	vld [tilespmem:s28+$0xFFFFFF40]  }
0x97: {  	[tilespmem:s28+$0xFFFFFEE0] =	vst v0;
	v0 =	vmul.f32 $8.000000000e+00, v4;
	v4 =	vld [tilespmem:s28+$0xFFFFFF50]  }
0x98: {  	[tilespmem:s28+$0xFFFFFEF0] =	vst v1;
	v1 =	vmul.f32 $8.000000000e+00, v5;
	v5 =	vld [tilespmem:s28+$0xFFFFFF60]  }
0x99: {  	[tilespmem:s28+$0xFFFFFF00] =	vst v0;
	v0 =	vmul.f32 $8.000000000e+00, v6;
	v6 =	vld [tilespmem:s28+$0xFFFFFF70]  }
0x9a: {  	[tilespmem:s28+$0xFFFFFF10] =	vst v1;
	v1 =	vmul.f32 $8.000000000e+00, v2;
	v2 =	vld [tilespmem:s28+$0xFFFFFF80]  }
0x9b: {  	[tilespmem:s28+$0xFFFFFF20] =	vst v0;
	v0 =	vmul.f32 $8.000000000e+00, v3;
	v3 =	vld [tilespmem:s28+$0xFFFFFF90]  }
0x9c: {  	v7 =	vld [tilespmem:s28+$0xFFFFFFA0];
	[tilespmem:s28+$0xFFFFFF30] =	vst v1;
	v1 =	vmul.f32 $8.000000000e+00, v4  }
0x9d: {  	v8 =	vld [tilespmem:s28+$0xFFFFFFB0];
	[tilespmem:s28+$0xFFFFFF40] =	vst v0;
	v4 =	vmul.f32 $8.000000000e+00, v5  }
0x9e: {  	v0 =	vld [tilespmem:s28+$0xFFFFFFC0];
	[tilespmem:s28+$0xFFFFFF50] =	vst v1;
	v5 =	vmul.f32 $8.000000000e+00, v6  }
0x9f: {  	v1 =	vld [tilespmem:s28+$0xFFFFFFD0];
	[tilespmem:s28+$0xFFFFFF60] =	vst v4;
	v2 =	vmul.f32 $8.000000000e+00, v2  }
0xa0: {  	v4 =	vld [tilespmem:s28+$0xFFFFFFE0];
	[tilespmem:s28+$0xFFFFFF70] =	vst v5;
	v6 =	vmul.f32 $8.000000000e+00, v3  }
0xa1: {  	v5 =	vmul.f32 $8.000000000e+00, v7;
	[tilespmem:s28+$0xFFFFFF80] =	vst v2;
	v2 =	vld [tilespmem:s28+$0xFFFFFFF0]  }
0xa2: {  	s29 =	simm.s32 $0x0;
	s1 =	simm.s32 $0x99F0;
	v3 =	vld [tilespmem:s28+$0xFFFFFE10];
	[tilespmem:s28+$0xFFFFFF90] =	vst v6;
	v6 =	vmul.f32 $8.000000000e+00, v8  }
.LBB2_5:
0xa3: {  	v7 =	vld [tilespmem:s1+$0x0];
	s29 =	sadd.s32 $0x8, s29;
	[tilespmem:s28+$0xFFFFFFA0] =	vst v5;
	v0 =	vmul.f32 $8.000000000e+00, v0  }
0xa4: {  	v5 =	vld [tilespmem:s1+$0xFFFFFE20];
	p1 =	slt.u32 s29, $0xC0;
	[tilespmem:s28+$0xFFFFFFB0] =	vst v6;
	v1 =	vmul.f32 $8.000000000e+00, v1  }
0xa5: {  	v6 =	vld [tilespmem:s1+$0xFFFFFE30];
	[tilespmem:s28+$0xFFFFFFC0] =	vst v0;
	v0 =	vmul.f32 $8.000000000e+00, v4  }
0xa6: {  	v4 =	vld [tilespmem:s1+$0xFFFFFE40];
	[tilespmem:s28+$0xFFFFFFD0] =	vst v1;
	v1 =	vmul.f32 $8.000000000e+00, v2  }
0xa7: {  	v2 =	vld [tilespmem:s1+$0xFFFFFE50];
	v3 =	vmul.f32 $8.000000000e+00, v3;
	[tilespmem:s28+$0xFFFFFFE0] =	vst v0  }
0xa8: {  	v0 =	vld [tilespmem:s1+$0xFFFFFE60];
	v7 =	vmul.f32 $8.000000000e+00, v7;
	[tilespmem:s28+$0xFFFFFFF0] =	vst v1  }
0xa9: {  	v1 =	vmul.f32 $8.000000000e+00, v5;
	v5 =	vld [tilespmem:s1+$0xFFFFFE70];
	[tilespmem:s28+$0xFFFFFE10] =	vst v3;
	s28 =	smov.u32 s1  }
0xaa: {  	v3 =	vmul.f32 $8.000000000e+00, v6;
	v6 =	vld [tilespmem:s1+$0xFFFFFE80];
	[tilespmem:s1+$0x0] =	vst v7  }
0xab: {  	[tilespmem:s1+$0xFFFFFE20] =	vst v1;
	v1 =	vmul.f32 $8.000000000e+00, v4;
	v4 =	vld [tilespmem:s1+$0xFFFFFE90]  }
0xac: {  	[tilespmem:s1+$0xFFFFFE30] =	vst v3;
	v2 =	vmul.f32 $8.000000000e+00, v2;
	v3 =	vld [tilespmem:s1+$0xFFFFFEA0]  }
0xad: {  	[tilespmem:s1+$0xFFFFFE40] =	vst v1;
	v0 =	vmul.f32 $8.000000000e+00, v0;
	v1 =	vld [tilespmem:s1+$0xFFFFFEB0]  }
0xae: {  	[tilespmem:s1+$0xFFFFFE50] =	vst v2;
	v2 =	vmul.f32 $8.000000000e+00, v5;
	v5 =	vld [tilespmem:s1+$0xFFFFFEC0]  }
0xaf: {  	[tilespmem:s1+$0xFFFFFE60] =	vst v0;
	v0 =	vmul.f32 $8.000000000e+00, v6;
	v6 =	vld [tilespmem:s1+$0xFFFFFED0]  }
0xb0: {  	[tilespmem:s1+$0xFFFFFE70] =	vst v2;
	v2 =	vmul.f32 $8.000000000e+00, v4;
	v4 =	vld [tilespmem:s1+$0xFFFFFEE0]  }
0xb1: {  	[tilespmem:s1+$0xFFFFFE80] =	vst v0;
	v0 =	vmul.f32 $8.000000000e+00, v3;
	v3 =	vld [tilespmem:s1+$0xFFFFFEF0]  }
0xb2: {  	[tilespmem:s1+$0xFFFFFE90] =	vst v2;
	v1 =	vmul.f32 $8.000000000e+00, v1;
	v2 =	vld [tilespmem:s1+$0xFFFFFF00]  }
0xb3: {  	[tilespmem:s1+$0xFFFFFEA0] =	vst v0;
	v0 =	vmul.f32 $8.000000000e+00, v5;
	v5 =	vld [tilespmem:s1+$0xFFFFFF10]  }
0xb4: {  	[tilespmem:s1+$0xFFFFFEB0] =	vst v1;
	v1 =	vmul.f32 $8.000000000e+00, v6;
	v6 =	vld [tilespmem:s1+$0xFFFFFF20]  }
0xb5: {  	[tilespmem:s1+$0xFFFFFEC0] =	vst v0;
	v0 =	vmul.f32 $8.000000000e+00, v4;
	v4 =	vld [tilespmem:s1+$0xFFFFFF30]  }
0xb6: {  	[tilespmem:s1+$0xFFFFFED0] =	vst v1;
	v1 =	vmul.f32 $8.000000000e+00, v3;
	v3 =	vld [tilespmem:s1+$0xFFFFFF40]  }
0xb7: {  	[tilespmem:s1+$0xFFFFFEE0] =	vst v0;
	v0 =	vmul.f32 $8.000000000e+00, v2;
	v2 =	vld [tilespmem:s1+$0xFFFFFF50]  }
0xb8: {  	[tilespmem:s1+$0xFFFFFEF0] =	vst v1;
	v1 =	vmul.f32 $8.000000000e+00, v5;
	v5 =	vld [tilespmem:s1+$0xFFFFFF60]  }
0xb9: {  	[tilespmem:s1+$0xFFFFFF00] =	vst v0;
	v0 =	vmul.f32 $8.000000000e+00, v6;
	v6 =	vld [tilespmem:s1+$0xFFFFFF70]  }
0xba: {  	[tilespmem:s1+$0xFFFFFF10] =	vst v1;
	v1 =	vmul.f32 $8.000000000e+00, v4;
	v4 =	vld [tilespmem:s1+$0xFFFFFF80]  }
0xbb: {  	[tilespmem:s1+$0xFFFFFF20] =	vst v0;
	v0 =	vmul.f32 $8.000000000e+00, v3;
	v3 =	vld [tilespmem:s1+$0xFFFFFF90]  }
0xbc: {  	[tilespmem:s1+$0xFFFFFF30] =	vst v1;
	v1 =	vmul.f32 $8.000000000e+00, v2;
	v2 =	vld [tilespmem:s1+$0xFFFFFFA0]  }
0xbd: {  	[tilespmem:s1+$0xFFFFFF40] =	vst v0;
	v5 =	vmul.f32 $8.000000000e+00, v5;
	v7 =	vld [tilespmem:s1+$0xFFFFFFB0]  }
.Ltmp3:
0xbe: {  	[tilespmem:s1+$0xFFFFFF50] =	vst v1;
	v6 =	vmul.f32 $8.000000000e+00, v6;
	v0 =	vld [tilespmem:s1+$0xFFFFFFC0];
	(pc) =	sbr.rel @p1 .LBB2_5-.Ltmp3, $4  }
0xbf: {  	[tilespmem:s1+$0xFFFFFF60] =	vst v5;
	v5 =	vmul.f32 $8.000000000e+00, v4;
	v1 =	vld [tilespmem:s1+$0xFFFFFFD0]  }
0xc0: {  	[tilespmem:s1+$0xFFFFFF70] =	vst v6;
	v6 =	vmul.f32 $8.000000000e+00, v3;
	v4 =	vld [tilespmem:s1+$0xFFFFFFE0]  }
0xc1: {  	[tilespmem:s1+$0xFFFFFF80] =	vst v5;
	v5 =	vmul.f32 $8.000000000e+00, v2;
	v2 =	vld [tilespmem:s1+$0xFFFFFFF0]  }
0xc2: {  	s1 =	sadd.s32 $0x200, s1;
	v3 =	vld [tilespmem:s28+$0xFFFFFE10];
	[tilespmem:s28+$0xFFFFFF90] =	vst v6;
	v6 =	vmul.f32 $8.000000000e+00, v7  }
0xc3: {  	[tilespmem:s28+$0xFFFFFFA0] =	vst v5;
	v0 =	vmul.f32 $8.000000000e+00, v0  }
0xc4: {  	[tilespmem:s28+$0xFFFFFFB0] =	vst v6;
	v1 =	vmul.f32 $8.000000000e+00, v1  }
0xc5: {  	s0 =	sadd.s32 s25, s4;
	[tilespmem:s28+$0xFFFFFFC0] =	vst v0;
	v0 =	vmul.f32 $8.000000000e+00, v4  }
0xc6: {  	s0 =	smul.u32 $0x640, s0;
	[tilespmem:s28+$0xFFFFFFD0] =	vst v1;
	v1 =	vmul.f32 $8.000000000e+00, v2  }
0xc7: {  	v2 =	vmul.f32 $8.000000000e+00, v3;
	[tilespmem:s28+$0xFFFFFFE0] =	vst v0  }
0xc8: {  	s29 =	sadd.s32 s2, s0;
	[tilespmem:s28+$0xFFFFFFF0] =	vst v1  }
0xc9: {  	s0 =	sadd.s32 $0x640, s29;
	[tilespmem:s28+$0xFFFFFE10] =	vst v2  }
0xca: {  	[hbm4b:s0+s3] =	stream.linear.scatter [tilespmem:s11], [sflag:$0x2], $0x3200, $0x38;
	[tilespmem:$0x1F400] =	vst v63  }
0xcb: {  	s28 =	sor.u32 $0x6, s25;
	s0 =	simm.s32 @!p0 $0x2  }
0xcc: {  	s1 =	smul.u32 $0x320, s28;
	_ =	swait.ge @!p0 [sflag:s0], $0x3200  }
0xcd: {  	[sflag:s0] =	ssyncset.done @!p0 $0x0  }
0xce: {  	s1 =	sshra.s32 s1, $0x2;
	[sflag:s0] =	ssyncadd.s32 @!p0 $0xFFFFCE00  }
0xcf: {  	[tilespmem:s20], [sflag:$0x1] =	stream.indirect.gather [hbm4b:s5+s9], $0x40, s1, s9, $0xb8;
	[tilespmem:$0x1F400] =	vst v63  }
0xd0: {  	_ =	swait.ge [sflag:s18], $0x3200  }
0xd1: {  	[sflag:s18] =	ssyncset.done $0x0  }
0xd2: {  	s30 =	simm.s32 $0xC800;
	[sflag:s18] =	ssyncadd.s32 $0xFFFFCE00  }
0xd3: {  	v0 =	vld [tilespmem:s30+$0x1F0]  }
0xd4: {  	v1 =	vld [tilespmem:s30+$0x10]  }
0xd5: {  	v2 =	vld [tilespmem:s30+$0x20]  }
0xd6: {  	v3 =	vld [tilespmem:s30+$0x30]  }
0xd7: {  	v4 =	vld [tilespmem:s30+$0x40]  }
0xd8: {  	v5 =	vld [tilespmem:s30+$0x50];
	v0 =	vmul.f32 $8.000000000e+00, v0  }
0xd9: {  	v6 =	vld [tilespmem:s30+$0x60];
	v1 =	vmul.f32 $8.000000000e+00, v1  }
0xda: {  	v7 =	vld [tilespmem:s30+$0x70];
	v2 =	vmul.f32 $8.000000000e+00, v2;
	[tilespmem:s30+$0x1F0] =	vst v0  }
0xdb: {  	[tilespmem:s30+$0x10] =	vst v1;
	v0 =	vmul.f32 $8.000000000e+00, v3;
	v1 =	vld [tilespmem:s30+$0x80]  }
0xdc: {  	[tilespmem:s30+$0x20] =	vst v2;
	v2 =	vmul.f32 $8.000000000e+00, v4;
	v3 =	vld [tilespmem:s30+$0x90]  }
0xdd: {  	v4 =	vld [tilespmem:s30+$0xA0];
	[tilespmem:s30+$0x30] =	vst v0;
	v0 =	vmul.f32 $8.000000000e+00, v5  }
0xde: {  	[tilespmem:s30+$0x40] =	vst v2;
	v2 =	vmul.f32 $8.000000000e+00, v6;
	v5 =	vld [tilespmem:s30+$0xB0]  }
0xdf: {  	v6 =	vld [tilespmem:s30+$0xC0];
	[tilespmem:s30+$0x50] =	vst v0;
	v0 =	vmul.f32 $8.000000000e+00, v7  }
0xe0: {  	[tilespmem:s30+$0x60] =	vst v2;
	v2 =	vld [tilespmem:s30+$0xD0];
	v1 =	vmul.f32 $8.000000000e+00, v1  }
0xe1: {  	[tilespmem:s30+$0x70] =	vst v0;
	v0 =	vmul.f32 $8.000000000e+00, v3;
	v3 =	vld [tilespmem:s30+$0xE0]  }
0xe2: {  	[tilespmem:s30+$0x80] =	vst v1;
	v1 =	vmul.f32 $8.000000000e+00, v4;
	v4 =	vld [tilespmem:s30+$0xF0]  }
0xe3: {  	[tilespmem:s30+$0x90] =	vst v0;
	v0 =	vmul.f32 $8.000000000e+00, v5;
	v5 =	vld [tilespmem:s30+$0x100]  }
0xe4: {  	[tilespmem:s30+$0xA0] =	vst v1;
	v1 =	vmul.f32 $8.000000000e+00, v6;
	v6 =	vld [tilespmem:s30+$0x110]  }
0xe5: {  	[tilespmem:s30+$0xB0] =	vst v0;
	v0 =	vmul.f32 $8.000000000e+00, v2;
	v2 =	vld [tilespmem:s30+$0x120]  }
0xe6: {  	[tilespmem:s30+$0xC0] =	vst v1;
	v1 =	vmul.f32 $8.000000000e+00, v3;
	v3 =	vld [tilespmem:s30+$0x130]  }
0xe7: {  	[tilespmem:s30+$0xD0] =	vst v0;
	v0 =	vmul.f32 $8.000000000e+00, v4;
	v4 =	vld [tilespmem:s30+$0x140]  }
0xe8: {  	[tilespmem:s30+$0xE0] =	vst v1;
	v1 =	vmul.f32 $8.000000000e+00, v5;
	v5 =	vld [tilespmem:s30+$0x150]  }
0xe9: {  	[tilespmem:s30+$0xF0] =	vst v0;
	v0 =	vmul.f32 $8.000000000e+00, v6;
	v6 =	vld [tilespmem:s30+$0x160]  }
0xea: {  	[tilespmem:s30+$0x100] =	vst v1;
	v1 =	vmul.f32 $8.000000000e+00, v2;
	v2 =	vld [tilespmem:s30+$0x170]  }
0xeb: {  	[tilespmem:s30+$0x110] =	vst v0;
	v0 =	vmul.f32 $8.000000000e+00, v3;
	v3 =	vld [tilespmem:s30+$0x180]  }
0xec: {  	[tilespmem:s30+$0x120] =	vst v1;
	v1 =	vmul.f32 $8.000000000e+00, v4;
	v4 =	vld [tilespmem:s30+$0x190]  }
0xed: {  	v7 =	vld [tilespmem:s30+$0x1A0];
	[tilespmem:s30+$0x130] =	vst v0;
	v5 =	vmul.f32 $8.000000000e+00, v5  }
0xee: {  	v0 =	vld [tilespmem:s30+$0x1B0];
	[tilespmem:s30+$0x140] =	vst v1;
	v6 =	vmul.f32 $8.000000000e+00, v6  }
0xef: {  	v1 =	vld [tilespmem:s30+$0x1C0];
	[tilespmem:s30+$0x150] =	vst v5;
	v5 =	vmul.f32 $8.000000000e+00, v2  }
0xf0: {  	v2 =	vld [tilespmem:s30+$0x1D0];
	[tilespmem:s30+$0x160] =	vst v6;
	v6 =	vmul.f32 $8.000000000e+00, v3  }
0xf1: {  	v3 =	vld [tilespmem:s30+$0x1E0];
	[tilespmem:s30+$0x170] =	vst v5;
	v5 =	vmul.f32 $8.000000000e+00, v4  }
0xf2: {  	s31 =	simm.s32 $0x0;
	s1 =	simm.s32 $0xCA00;
	v4 =	vld [tilespmem:s30+$0x0];
	[tilespmem:s30+$0x180] =	vst v6;
	v6 =	vmul.f32 $8.000000000e+00, v7  }
.LBB2_7:
0xf3: {  	v7 =	vld [tilespmem:s1+$0x1F0];
	s31 =	sadd.s32 $0x8, s31;
	[tilespmem:s30+$0x190] =	vst v5;
	v0 =	vmul.f32 $8.000000000e+00, v0  }
0xf4: {  	v5 =	vld [tilespmem:s1+$0x10];
	p1 =	slt.u32 s31, $0xC0;
	[tilespmem:s30+$0x1A0] =	vst v6;
	v1 =	vmul.f32 $8.000000000e+00, v1  }
0xf5: {  	v6 =	vld [tilespmem:s1+$0x20];
	[tilespmem:s30+$0x1B0] =	vst v0;
	v0 =	vmul.f32 $8.000000000e+00, v2  }
0xf6: {  	v2 =	vld [tilespmem:s1+$0x30];
	[tilespmem:s30+$0x1C0] =	vst v1;
	v1 =	vmul.f32 $8.000000000e+00, v3  }
0xf7: {  	v3 =	vld [tilespmem:s1+$0x40];
	v4 =	vmul.f32 $8.000000000e+00, v4;
	[tilespmem:s30+$0x1D0] =	vst v0  }
0xf8: {  	v0 =	vld [tilespmem:s1+$0x50];
	v7 =	vmul.f32 $8.000000000e+00, v7;
	[tilespmem:s30+$0x1E0] =	vst v1  }
0xf9: {  	v1 =	vmul.f32 $8.000000000e+00, v5;
	v5 =	vld [tilespmem:s1+$0x60];
	[tilespmem:s30+$0x0] =	vst v4;
	s30 =	smov.u32 s1  }
0xfa: {  	v4 =	vmul.f32 $8.000000000e+00, v6;
	v6 =	vld [tilespmem:s1+$0x70];
	[tilespmem:s1+$0x1F0] =	vst v7  }
0xfb: {  	[tilespmem:s1+$0x10] =	vst v1;
	v1 =	vmul.f32 $8.000000000e+00, v2;
	v2 =	vld [tilespmem:s1+$0x80]  }
0xfc: {  	[tilespmem:s1+$0x20] =	vst v4;
	v3 =	vmul.f32 $8.000000000e+00, v3;
	v4 =	vld [tilespmem:s1+$0x90]  }
0xfd: {  	[tilespmem:s1+$0x30] =	vst v1;
	v0 =	vmul.f32 $8.000000000e+00, v0;
	v1 =	vld [tilespmem:s1+$0xA0]  }
0xfe: {  	[tilespmem:s1+$0x40] =	vst v3;
	v3 =	vmul.f32 $8.000000000e+00, v5;
	v5 =	vld [tilespmem:s1+$0xB0]  }
0xff: {  	[tilespmem:s1+$0x50] =	vst v0;
	v0 =	vmul.f32 $8.000000000e+00, v6;
	v6 =	vld [tilespmem:s1+$0xC0]  }
0x100: {  	[tilespmem:s1+$0x60] =	vst v3;
	v2 =	vmul.f32 $8.000000000e+00, v2;
	v3 =	vld [tilespmem:s1+$0xD0]  }
0x101: {  	[tilespmem:s1+$0x70] =	vst v0;
	v0 =	vmul.f32 $8.000000000e+00, v4;
	v4 =	vld [tilespmem:s1+$0xE0]  }
0x102: {  	[tilespmem:s1+$0x80] =	vst v2;
	v1 =	vmul.f32 $8.000000000e+00, v1;
	v2 =	vld [tilespmem:s1+$0xF0]  }
0x103: {  	[tilespmem:s1+$0x90] =	vst v0;
	v0 =	vmul.f32 $8.000000000e+00, v5;
	v5 =	vld [tilespmem:s1+$0x100]  }
0x104: {  	[tilespmem:s1+$0xA0] =	vst v1;
	v1 =	vmul.f32 $8.000000000e+00, v6;
	v6 =	vld [tilespmem:s1+$0x110]  }
0x105: {  	[tilespmem:s1+$0xB0] =	vst v0;
	v0 =	vmul.f32 $8.000000000e+00, v3;
	v3 =	vld [tilespmem:s1+$0x120]  }
0x106: {  	[tilespmem:s1+$0xC0] =	vst v1;
	v1 =	vmul.f32 $8.000000000e+00, v4;
	v4 =	vld [tilespmem:s1+$0x130]  }
0x107: {  	[tilespmem:s1+$0xD0] =	vst v0;
	v0 =	vmul.f32 $8.000000000e+00, v2;
	v2 =	vld [tilespmem:s1+$0x140]  }
0x108: {  	[tilespmem:s1+$0xE0] =	vst v1;
	v1 =	vmul.f32 $8.000000000e+00, v5;
	v5 =	vld [tilespmem:s1+$0x150]  }
0x109: {  	[tilespmem:s1+$0xF0] =	vst v0;
	v0 =	vmul.f32 $8.000000000e+00, v6;
	v6 =	vld [tilespmem:s1+$0x160]  }
0x10a: {  	[tilespmem:s1+$0x100] =	vst v1;
	v1 =	vmul.f32 $8.000000000e+00, v3;
	v3 =	vld [tilespmem:s1+$0x170]  }
0x10b: {  	[tilespmem:s1+$0x110] =	vst v0;
	v0 =	vmul.f32 $8.000000000e+00, v4;
	v4 =	vld [tilespmem:s1+$0x180]  }
0x10c: {  	[tilespmem:s1+$0x120] =	vst v1;
	v1 =	vmul.f32 $8.000000000e+00, v2;
	v7 =	vld [tilespmem:s1+$0x190]  }
0x10d: {  	[tilespmem:s1+$0x130] =	vst v0;
	v2 =	vmul.f32 $8.000000000e+00, v5;
	v8 =	vld [tilespmem:s1+$0x1A0]  }
.Ltmp4:
0x10e: {  	[tilespmem:s1+$0x140] =	vst v1;
	v5 =	vmul.f32 $8.000000000e+00, v6;
	v0 =	vld [tilespmem:s1+$0x1B0];
	(pc) =	sbr.rel @p1 .LBB2_7-.Ltmp4, $4  }
0x10f: {  	[tilespmem:s1+$0x150] =	vst v2;
	v3 =	vmul.f32 $8.000000000e+00, v3;
	v1 =	vld [tilespmem:s1+$0x1C0]  }
0x110: {  	[tilespmem:s1+$0x160] =	vst v5;
	v6 =	vmul.f32 $8.000000000e+00, v4;
	v2 =	vld [tilespmem:s1+$0x1D0]  }
0x111: {  	[tilespmem:s1+$0x170] =	vst v3;
	v5 =	vmul.f32 $8.000000000e+00, v7;
	v3 =	vld [tilespmem:s1+$0x1E0]  }
0x112: {  	s1 =	sadd.s32 $0x200, s1;
	v4 =	vld [tilespmem:s30+$0x0];
	[tilespmem:s30+$0x180] =	vst v6;
	v6 =	vmul.f32 $8.000000000e+00, v8  }
0x113: {  	[tilespmem:s30+$0x190] =	vst v5;
	v0 =	vmul.f32 $8.000000000e+00, v0  }
0x114: {  	[tilespmem:s30+$0x1A0] =	vst v6;
	v1 =	vmul.f32 $8.000000000e+00, v1  }
0x115: {  	[tilespmem:s30+$0x1B0] =	vst v0;
	v0 =	vmul.f32 $8.000000000e+00, v2  }
0x116: {  	[tilespmem:s30+$0x1C0] =	vst v1;
	v1 =	vmul.f32 $8.000000000e+00, v3  }
0x117: {  	v2 =	vmul.f32 $8.000000000e+00, v4;
	[tilespmem:s30+$0x1D0] =	vst v0  }
0x118: {  	[tilespmem:s30+$0x1E0] =	vst v1  }
0x119: {  	s0 =	sadd.s32 $0xC80, s29;
	[tilespmem:s30+$0x0] =	vst v2  }
0x11a: {  	[hbm4b:s0+s3] =	stream.linear.scatter [tilespmem:s13], [sflag:$0x2], $0x3200, $0x38;
	[tilespmem:$0x1F400] =	vst v63  }
0x11b: {  	s25 =	sor.u32 $0x7, s25;
	s0 =	simm.s32 @!p0 $0x2  }
0x11c: {  	s1 =	smul.u32 $0x320, s25;
	_ =	swait.ge @!p0 [sflag:s0], $0x3200  }
0x11d: {  	[sflag:s0] =	ssyncset.done @!p0 $0x0  }
0x11e: {  	s1 =	sshra.s32 s1, $0x2;
	[sflag:s0] =	ssyncadd.s32 @!p0 $0xFFFFCE00  }
0x11f: {  	[tilespmem:s21], [sflag:$0x1] =	stream.indirect.gather [hbm4b:s5+s9], $0x40, s1, s9, $0xb8;
	[tilespmem:$0x1F400] =	vst v63  }
0x120: {  	_ =	swait.ge [sflag:s18], $0x3200  }
0x121: {  	[sflag:s18] =	ssyncset.done $0x0  }
0x122: {  	s30 =	simm.s32 $0xFA00;
	[sflag:s18] =	ssyncadd.s32 $0xFFFFCE00  }
0x123: {  	v0 =	vld [tilespmem:s30+$0x1F0]  }
0x124: {  	v1 =	vld [tilespmem:s30+$0x10]  }
0x125: {  	v2 =	vld [tilespmem:s30+$0x20]  }
0x126: {  	v3 =	vld [tilespmem:s30+$0x30]  }
0x127: {  	v4 =	vld [tilespmem:s30+$0x40]  }
0x128: {  	v5 =	vld [tilespmem:s30+$0x50];
	v0 =	vmul.f32 $8.000000000e+00, v0  }
0x129: {  	v6 =	vld [tilespmem:s30+$0x60];
	v1 =	vmul.f32 $8.000000000e+00, v1  }
0x12a: {  	v7 =	vld [tilespmem:s30+$0x70];
	v2 =	vmul.f32 $8.000000000e+00, v2;
	[tilespmem:s30+$0x1F0] =	vst v0  }
0x12b: {  	[tilespmem:s30+$0x10] =	vst v1;
	v0 =	vmul.f32 $8.000000000e+00, v3;
	v1 =	vld [tilespmem:s30+$0x80]  }
0x12c: {  	[tilespmem:s30+$0x20] =	vst v2;
	v2 =	vmul.f32 $8.000000000e+00, v4;
	v3 =	vld [tilespmem:s30+$0x90]  }
0x12d: {  	v4 =	vld [tilespmem:s30+$0xA0];
	[tilespmem:s30+$0x30] =	vst v0;
	v0 =	vmul.f32 $8.000000000e+00, v5  }
0x12e: {  	[tilespmem:s30+$0x40] =	vst v2;
	v2 =	vmul.f32 $8.000000000e+00, v6;
	v5 =	vld [tilespmem:s30+$0xB0]  }
0x12f: {  	v6 =	vld [tilespmem:s30+$0xC0];
	[tilespmem:s30+$0x50] =	vst v0;
	v0 =	vmul.f32 $8.000000000e+00, v7  }
0x130: {  	[tilespmem:s30+$0x60] =	vst v2;
	v2 =	vld [tilespmem:s30+$0xD0];
	v1 =	vmul.f32 $8.000000000e+00, v1  }
0x131: {  	[tilespmem:s30+$0x70] =	vst v0;
	v0 =	vmul.f32 $8.000000000e+00, v3;
	v3 =	vld [tilespmem:s30+$0xE0]  }
0x132: {  	[tilespmem:s30+$0x80] =	vst v1;
	v1 =	vmul.f32 $8.000000000e+00, v4;
	v4 =	vld [tilespmem:s30+$0xF0]  }
0x133: {  	[tilespmem:s30+$0x90] =	vst v0;
	v0 =	vmul.f32 $8.000000000e+00, v5;
	v5 =	vld [tilespmem:s30+$0x100]  }
0x134: {  	[tilespmem:s30+$0xA0] =	vst v1;
	v1 =	vmul.f32 $8.000000000e+00, v6;
	v6 =	vld [tilespmem:s30+$0x110]  }
0x135: {  	[tilespmem:s30+$0xB0] =	vst v0;
	v0 =	vmul.f32 $8.000000000e+00, v2;
	v2 =	vld [tilespmem:s30+$0x120]  }
0x136: {  	[tilespmem:s30+$0xC0] =	vst v1;
	v1 =	vmul.f32 $8.000000000e+00, v3;
	v3 =	vld [tilespmem:s30+$0x130]  }
0x137: {  	[tilespmem:s30+$0xD0] =	vst v0;
	v0 =	vmul.f32 $8.000000000e+00, v4;
	v4 =	vld [tilespmem:s30+$0x140]  }
0x138: {  	[tilespmem:s30+$0xE0] =	vst v1;
	v1 =	vmul.f32 $8.000000000e+00, v5;
	v5 =	vld [tilespmem:s30+$0x150]  }
0x139: {  	[tilespmem:s30+$0xF0] =	vst v0;
	v0 =	vmul.f32 $8.000000000e+00, v6;
	v6 =	vld [tilespmem:s30+$0x160]  }
0x13a: {  	[tilespmem:s30+$0x100] =	vst v1;
	v1 =	vmul.f32 $8.000000000e+00, v2;
	v2 =	vld [tilespmem:s30+$0x170]  }
0x13b: {  	[tilespmem:s30+$0x110] =	vst v0;
	v0 =	vmul.f32 $8.000000000e+00, v3;
	v3 =	vld [tilespmem:s30+$0x180]  }
0x13c: {  	[tilespmem:s30+$0x120] =	vst v1;
	v1 =	vmul.f32 $8.000000000e+00, v4;
	v4 =	vld [tilespmem:s30+$0x190]  }
0x13d: {  	v7 =	vld [tilespmem:s30+$0x1A0];
	[tilespmem:s30+$0x130] =	vst v0;
	v5 =	vmul.f32 $8.000000000e+00, v5  }
0x13e: {  	v0 =	vld [tilespmem:s30+$0x1B0];
	[tilespmem:s30+$0x140] =	vst v1;
	v6 =	vmul.f32 $8.000000000e+00, v6  }
0x13f: {  	v1 =	vld [tilespmem:s30+$0x1C0];
	[tilespmem:s30+$0x150] =	vst v5;
	v5 =	vmul.f32 $8.000000000e+00, v2  }
0x140: {  	v2 =	vld [tilespmem:s30+$0x1D0];
	[tilespmem:s30+$0x160] =	vst v6;
	v6 =	vmul.f32 $8.000000000e+00, v3  }
0x141: {  	v3 =	vld [tilespmem:s30+$0x1E0];
	[tilespmem:s30+$0x170] =	vst v5;
	v5 =	vmul.f32 $8.000000000e+00, v4  }
0x142: {  	s31 =	simm.s32 $0x0;
	s1 =	simm.s32 $0xFC00;
	v4 =	vld [tilespmem:s30+$0x0];
	[tilespmem:s30+$0x180] =	vst v6;
	v6 =	vmul.f32 $8.000000000e+00, v7  }
.LBB2_9:
0x143: {  	v7 =	vld [tilespmem:s1+$0x1F0];
	s31 =	sadd.s32 $0x8, s31;
	[tilespmem:s30+$0x190] =	vst v5;
	v0 =	vmul.f32 $8.000000000e+00, v0  }
0x144: {  	v5 =	vld [tilespmem:s1+$0x10];
	p0 =	slt.u32 s31, $0xC0;
	[tilespmem:s30+$0x1A0] =	vst v6;
	v1 =	vmul.f32 $8.000000000e+00, v1  }
0x145: {  	v6 =	vld [tilespmem:s1+$0x20];
	[tilespmem:s30+$0x1B0] =	vst v0;
	v0 =	vmul.f32 $8.000000000e+00, v2  }
0x146: {  	v2 =	vld [tilespmem:s1+$0x30];
	[tilespmem:s30+$0x1C0] =	vst v1;
	v1 =	vmul.f32 $8.000000000e+00, v3  }
0x147: {  	v3 =	vld [tilespmem:s1+$0x40];
	v4 =	vmul.f32 $8.000000000e+00, v4;
	[tilespmem:s30+$0x1D0] =	vst v0  }
0x148: {  	v0 =	vld [tilespmem:s1+$0x50];
	v7 =	vmul.f32 $8.000000000e+00, v7;
	[tilespmem:s30+$0x1E0] =	vst v1  }
0x149: {  	v1 =	vmul.f32 $8.000000000e+00, v5;
	v5 =	vld [tilespmem:s1+$0x60];
	[tilespmem:s30+$0x0] =	vst v4;
	s30 =	smov.u32 s1  }
0x14a: {  	v4 =	vmul.f32 $8.000000000e+00, v6;
	v6 =	vld [tilespmem:s1+$0x70];
	[tilespmem:s1+$0x1F0] =	vst v7  }
0x14b: {  	[tilespmem:s1+$0x10] =	vst v1;
	v1 =	vmul.f32 $8.000000000e+00, v2;
	v2 =	vld [tilespmem:s1+$0x80]  }
0x14c: {  	[tilespmem:s1+$0x20] =	vst v4;
	v3 =	vmul.f32 $8.000000000e+00, v3;
	v4 =	vld [tilespmem:s1+$0x90]  }
0x14d: {  	[tilespmem:s1+$0x30] =	vst v1;
	v0 =	vmul.f32 $8.000000000e+00, v0;
	v1 =	vld [tilespmem:s1+$0xA0]  }
0x14e: {  	[tilespmem:s1+$0x40] =	vst v3;
	v3 =	vmul.f32 $8.000000000e+00, v5;
	v5 =	vld [tilespmem:s1+$0xB0]  }
0x14f: {  	[tilespmem:s1+$0x50] =	vst v0;
	v0 =	vmul.f32 $8.000000000e+00, v6;
	v6 =	vld [tilespmem:s1+$0xC0]  }
0x150: {  	[tilespmem:s1+$0x60] =	vst v3;
	v2 =	vmul.f32 $8.000000000e+00, v2;
	v3 =	vld [tilespmem:s1+$0xD0]  }
0x151: {  	[tilespmem:s1+$0x70] =	vst v0;
	v0 =	vmul.f32 $8.000000000e+00, v4;
	v4 =	vld [tilespmem:s1+$0xE0]  }
0x152: {  	[tilespmem:s1+$0x80] =	vst v2;
	v1 =	vmul.f32 $8.000000000e+00, v1;
	v2 =	vld [tilespmem:s1+$0xF0]  }
0x153: {  	[tilespmem:s1+$0x90] =	vst v0;
	v0 =	vmul.f32 $8.000000000e+00, v5;
	v5 =	vld [tilespmem:s1+$0x100]  }
0x154: {  	[tilespmem:s1+$0xA0] =	vst v1;
	v1 =	vmul.f32 $8.000000000e+00, v6;
	v6 =	vld [tilespmem:s1+$0x110]  }
0x155: {  	[tilespmem:s1+$0xB0] =	vst v0;
	v0 =	vmul.f32 $8.000000000e+00, v3;
	v3 =	vld [tilespmem:s1+$0x120]  }
0x156: {  	[tilespmem:s1+$0xC0] =	vst v1;
	v1 =	vmul.f32 $8.000000000e+00, v4;
	v4 =	vld [tilespmem:s1+$0x130]  }
0x157: {  	[tilespmem:s1+$0xD0] =	vst v0;
	v0 =	vmul.f32 $8.000000000e+00, v2;
	v2 =	vld [tilespmem:s1+$0x140]  }
0x158: {  	[tilespmem:s1+$0xE0] =	vst v1;
	v1 =	vmul.f32 $8.000000000e+00, v5;
	v5 =	vld [tilespmem:s1+$0x150]  }
0x159: {  	[tilespmem:s1+$0xF0] =	vst v0;
	v0 =	vmul.f32 $8.000000000e+00, v6;
	v6 =	vld [tilespmem:s1+$0x160]  }
0x15a: {  	[tilespmem:s1+$0x100] =	vst v1;
	v1 =	vmul.f32 $8.000000000e+00, v3;
	v3 =	vld [tilespmem:s1+$0x170]  }
0x15b: {  	[tilespmem:s1+$0x110] =	vst v0;
	v0 =	vmul.f32 $8.000000000e+00, v4;
	v4 =	vld [tilespmem:s1+$0x180]  }
0x15c: {  	[tilespmem:s1+$0x120] =	vst v1;
	v1 =	vmul.f32 $8.000000000e+00, v2;
	v7 =	vld [tilespmem:s1+$0x190]  }
0x15d: {  	[tilespmem:s1+$0x130] =	vst v0;
	v2 =	vmul.f32 $8.000000000e+00, v5;
	v8 =	vld [tilespmem:s1+$0x1A0]  }
.Ltmp5:
0x15e: {  	[tilespmem:s1+$0x140] =	vst v1;
	v5 =	vmul.f32 $8.000000000e+00, v6;
	v0 =	vld [tilespmem:s1+$0x1B0];
	(pc) =	sbr.rel @p0 .LBB2_9-.Ltmp5, $4  }
0x15f: {  	[tilespmem:s1+$0x150] =	vst v2;
	v3 =	vmul.f32 $8.000000000e+00, v3;
	v1 =	vld [tilespmem:s1+$0x1C0]  }
0x160: {  	[tilespmem:s1+$0x160] =	vst v5;
	v6 =	vmul.f32 $8.000000000e+00, v4;
	v2 =	vld [tilespmem:s1+$0x1D0]  }
0x161: {  	[tilespmem:s1+$0x170] =	vst v3;
	v5 =	vmul.f32 $8.000000000e+00, v7;
	v3 =	vld [tilespmem:s1+$0x1E0]  }
0x162: {  	s1 =	sadd.s32 $0x200, s1;
	v4 =	vld [tilespmem:s30+$0x0];
	[tilespmem:s30+$0x180] =	vst v6;
	v6 =	vmul.f32 $8.000000000e+00, v8  }
0x163: {  	[tilespmem:s30+$0x190] =	vst v5;
	v0 =	vmul.f32 $8.000000000e+00, v0  }
0x164: {  	[tilespmem:s30+$0x1A0] =	vst v6;
	v1 =	vmul.f32 $8.000000000e+00, v1  }
0x165: {  	[tilespmem:s30+$0x1B0] =	vst v0;
	v0 =	vmul.f32 $8.000000000e+00, v2  }
0x166: {  	[tilespmem:s30+$0x1C0] =	vst v1;
	v1 =	vmul.f32 $8.000000000e+00, v3  }
0x167: {  	v2 =	vmul.f32 $8.000000000e+00, v4;
	[tilespmem:s30+$0x1D0] =	vst v0  }
0x168: {  	[tilespmem:s30+$0x1E0] =	vst v1  }
0x169: {  	s0 =	sadd.s32 $0x12C0, s29;
	p0 =	seq.s32 s24, $0xF;
	[tilespmem:s30+$0x0] =	vst v2  }
0x16a: {  	[hbm4b:s0+s3] =	stream.linear.scatter [tilespmem:s15], [sflag:$0x2], $0x3200, $0x38;
	[tilespmem:$0x1F400] =	vst v63  }
0x16b: {  	s1 =	smul.u32 @!p0 $0x1900, s24;
	s0 =	simm.s32 @!p0 $0x2  }
0x16c: {  	_ =	swait.ge @!p0 [sflag:s0], $0x3200  }
0x16d: {  	s31 =	simm.s32 @!p0 $0x6400;
	s30 =	sshra.s32 @!p0 s1, $0x2;
	[sflag:s0] =	ssyncset.done @!p0 $0x0  }
0x16e: {  	s1 =	simm.s32 @!p0 $0xC8;
	[sflag:s0] =	ssyncadd.s32 @!p0 $0xFFFFCE00;
	s0 =	sadd.s32 @!p0 $0x640, s30  }
0x16f: {  	[tilespmem:s31], [sflag:$0x1] =	stream.indirect.gather @!p0 [hbm4b:s5+s1], $0x40, s0, s1, $0xb8;
	[tilespmem:$0x1F400] =	vst v63  }
0x170: {  	_ =	swait.ge [sflag:s18], $0x3200  }
0x171: {  	[sflag:s18] =	ssyncset.done $0x0  }
0x172: {  	s31 =	simm.s32 $0x12C00;
	[sflag:s18] =	ssyncadd.s32 $0xFFFFCE00  }
0x173: {  	v0 =	vld [tilespmem:s31+$0x1F0]  }
0x174: {  	v1 =	vld [tilespmem:s31+$0x10]  }
0x175: {  	v2 =	vld [tilespmem:s31+$0x20]  }
0x176: {  	v3 =	vld [tilespmem:s31+$0x30]  }
0x177: {  	v4 =	vld [tilespmem:s31+$0x40]  }
0x178: {  	v5 =	vld [tilespmem:s31+$0x50];
	v0 =	vmul.f32 $8.000000000e+00, v0  }
0x179: {  	v6 =	vld [tilespmem:s31+$0x60];
	v1 =	vmul.f32 $8.000000000e+00, v1  }
0x17a: {  	v7 =	vld [tilespmem:s31+$0x70];
	v2 =	vmul.f32 $8.000000000e+00, v2;
	[tilespmem:s31+$0x1F0] =	vst v0  }
0x17b: {  	[tilespmem:s31+$0x10] =	vst v1;
	v0 =	vmul.f32 $8.000000000e+00, v3;
	v1 =	vld [tilespmem:s31+$0x80]  }
0x17c: {  	[tilespmem:s31+$0x20] =	vst v2;
	v2 =	vmul.f32 $8.000000000e+00, v4;
	v3 =	vld [tilespmem:s31+$0x90]  }
0x17d: {  	v4 =	vld [tilespmem:s31+$0xA0];
	[tilespmem:s31+$0x30] =	vst v0;
	v0 =	vmul.f32 $8.000000000e+00, v5  }
0x17e: {  	[tilespmem:s31+$0x40] =	vst v2;
	v2 =	vmul.f32 $8.000000000e+00, v6;
	v5 =	vld [tilespmem:s31+$0xB0]  }
0x17f: {  	v6 =	vld [tilespmem:s31+$0xC0];
	[tilespmem:s31+$0x50] =	vst v0;
	v0 =	vmul.f32 $8.000000000e+00, v7  }
0x180: {  	[tilespmem:s31+$0x60] =	vst v2;
	v2 =	vld [tilespmem:s31+$0xD0];
	v1 =	vmul.f32 $8.000000000e+00, v1  }
0x181: {  	[tilespmem:s31+$0x70] =	vst v0;
	v0 =	vmul.f32 $8.000000000e+00, v3;
	v3 =	vld [tilespmem:s31+$0xE0]  }
0x182: {  	[tilespmem:s31+$0x80] =	vst v1;
	v1 =	vmul.f32 $8.000000000e+00, v4;
	v4 =	vld [tilespmem:s31+$0xF0]  }
0x183: {  	[tilespmem:s31+$0x90] =	vst v0;
	v0 =	vmul.f32 $8.000000000e+00, v5;
	v5 =	vld [tilespmem:s31+$0x100]  }
0x184: {  	[tilespmem:s31+$0xA0] =	vst v1;
	v1 =	vmul.f32 $8.000000000e+00, v6;
	v6 =	vld [tilespmem:s31+$0x110]  }
0x185: {  	[tilespmem:s31+$0xB0] =	vst v0;
	v0 =	vmul.f32 $8.000000000e+00, v2;
	v2 =	vld [tilespmem:s31+$0x120]  }
0x186: {  	[tilespmem:s31+$0xC0] =	vst v1;
	v1 =	vmul.f32 $8.000000000e+00, v3;
	v3 =	vld [tilespmem:s31+$0x130]  }
0x187: {  	[tilespmem:s31+$0xD0] =	vst v0;
	v0 =	vmul.f32 $8.000000000e+00, v4;
	v4 =	vld [tilespmem:s31+$0x140]  }
0x188: {  	[tilespmem:s31+$0xE0] =	vst v1;
	v1 =	vmul.f32 $8.000000000e+00, v5;
	v5 =	vld [tilespmem:s31+$0x150]  }
0x189: {  	[tilespmem:s31+$0xF0] =	vst v0;
	v0 =	vmul.f32 $8.000000000e+00, v6;
	v6 =	vld [tilespmem:s31+$0x160]  }
0x18a: {  	[tilespmem:s31+$0x100] =	vst v1;
	v1 =	vmul.f32 $8.000000000e+00, v2;
	v2 =	vld [tilespmem:s31+$0x170]  }
0x18b: {  	[tilespmem:s31+$0x110] =	vst v0;
	v0 =	vmul.f32 $8.000000000e+00, v3;
	v3 =	vld [tilespmem:s31+$0x180]  }
0x18c: {  	[tilespmem:s31+$0x120] =	vst v1;
	v1 =	vmul.f32 $8.000000000e+00, v4;
	v4 =	vld [tilespmem:s31+$0x190]  }
0x18d: {  	v7 =	vld [tilespmem:s31+$0x1A0];
	[tilespmem:s31+$0x130] =	vst v0;
	v5 =	vmul.f32 $8.000000000e+00, v5  }
0x18e: {  	v0 =	vld [tilespmem:s31+$0x1B0];
	[tilespmem:s31+$0x140] =	vst v1;
	v6 =	vmul.f32 $8.000000000e+00, v6  }
0x18f: {  	v1 =	vld [tilespmem:s31+$0x1C0];
	[tilespmem:s31+$0x150] =	vst v5;
	v5 =	vmul.f32 $8.000000000e+00, v2  }
0x190: {  	v2 =	vld [tilespmem:s31+$0x1D0];
	[tilespmem:s31+$0x160] =	vst v6;
	v6 =	vmul.f32 $8.000000000e+00, v3  }
0x191: {  	v3 =	vld [tilespmem:s31+$0x1E0];
	[tilespmem:s31+$0x170] =	vst v5;
	v5 =	vmul.f32 $8.000000000e+00, v4  }
0x192: {  	s1 =	simm.s32 $0x0;
	s0 =	simm.s32 $0x12E00;
	v4 =	vld [tilespmem:s31+$0x0];
	[tilespmem:s31+$0x180] =	vst v6;
	v6 =	vmul.f32 $8.000000000e+00, v7  }
.LBB2_11:
0x193: {  	v7 =	vld [tilespmem:s0+$0x1F0];
	s1 =	sadd.s32 $0x8, s1;
	[tilespmem:s31+$0x190] =	vst v5;
	v0 =	vmul.f32 $8.000000000e+00, v0  }
0x194: {  	v5 =	vld [tilespmem:s0+$0x10];
	p1 =	slt.u32 s1, $0xC0;
	[tilespmem:s31+$0x1A0] =	vst v6;
	v1 =	vmul.f32 $8.000000000e+00, v1  }
0x195: {  	v6 =	vld [tilespmem:s0+$0x20];
	[tilespmem:s31+$0x1B0] =	vst v0;
	v0 =	vmul.f32 $8.000000000e+00, v2  }
0x196: {  	v2 =	vld [tilespmem:s0+$0x30];
	[tilespmem:s31+$0x1C0] =	vst v1;
	v1 =	vmul.f32 $8.000000000e+00, v3  }
0x197: {  	v3 =	vld [tilespmem:s0+$0x40];
	v4 =	vmul.f32 $8.000000000e+00, v4;
	[tilespmem:s31+$0x1D0] =	vst v0  }
0x198: {  	v0 =	vld [tilespmem:s0+$0x50];
	v7 =	vmul.f32 $8.000000000e+00, v7;
	[tilespmem:s31+$0x1E0] =	vst v1  }
0x199: {  	v1 =	vmul.f32 $8.000000000e+00, v5;
	v5 =	vld [tilespmem:s0+$0x60];
	[tilespmem:s31+$0x0] =	vst v4;
	s31 =	smov.u32 s0  }
0x19a: {  	v4 =	vmul.f32 $8.000000000e+00, v6;
	v6 =	vld [tilespmem:s0+$0x70];
	[tilespmem:s0+$0x1F0] =	vst v7  }
0x19b: {  	[tilespmem:s0+$0x10] =	vst v1;
	v1 =	vmul.f32 $8.000000000e+00, v2;
	v2 =	vld [tilespmem:s0+$0x80]  }
0x19c: {  	[tilespmem:s0+$0x20] =	vst v4;
	v3 =	vmul.f32 $8.000000000e+00, v3;
	v4 =	vld [tilespmem:s0+$0x90]  }
0x19d: {  	[tilespmem:s0+$0x30] =	vst v1;
	v0 =	vmul.f32 $8.000000000e+00, v0;
	v1 =	vld [tilespmem:s0+$0xA0]  }
0x19e: {  	[tilespmem:s0+$0x40] =	vst v3;
	v3 =	vmul.f32 $8.000000000e+00, v5;
	v5 =	vld [tilespmem:s0+$0xB0]  }
0x19f: {  	[tilespmem:s0+$0x50] =	vst v0;
	v0 =	vmul.f32 $8.000000000e+00, v6;
	v6 =	vld [tilespmem:s0+$0xC0]  }
0x1a0: {  	[tilespmem:s0+$0x60] =	vst v3;
	v2 =	vmul.f32 $8.000000000e+00, v2;
	v3 =	vld [tilespmem:s0+$0xD0]  }
0x1a1: {  	[tilespmem:s0+$0x70] =	vst v0;
	v0 =	vmul.f32 $8.000000000e+00, v4;
	v4 =	vld [tilespmem:s0+$0xE0]  }
0x1a2: {  	[tilespmem:s0+$0x80] =	vst v2;
	v1 =	vmul.f32 $8.000000000e+00, v1;
	v2 =	vld [tilespmem:s0+$0xF0]  }
0x1a3: {  	[tilespmem:s0+$0x90] =	vst v0;
	v0 =	vmul.f32 $8.000000000e+00, v5;
	v5 =	vld [tilespmem:s0+$0x100]  }
0x1a4: {  	[tilespmem:s0+$0xA0] =	vst v1;
	v1 =	vmul.f32 $8.000000000e+00, v6;
	v6 =	vld [tilespmem:s0+$0x110]  }
0x1a5: {  	[tilespmem:s0+$0xB0] =	vst v0;
	v0 =	vmul.f32 $8.000000000e+00, v3;
	v3 =	vld [tilespmem:s0+$0x120]  }
0x1a6: {  	[tilespmem:s0+$0xC0] =	vst v1;
	v1 =	vmul.f32 $8.000000000e+00, v4;
	v4 =	vld [tilespmem:s0+$0x130]  }
0x1a7: {  	[tilespmem:s0+$0xD0] =	vst v0;
	v0 =	vmul.f32 $8.000000000e+00, v2;
	v2 =	vld [tilespmem:s0+$0x140]  }
0x1a8: {  	[tilespmem:s0+$0xE0] =	vst v1;
	v1 =	vmul.f32 $8.000000000e+00, v5;
	v5 =	vld [tilespmem:s0+$0x150]  }
0x1a9: {  	[tilespmem:s0+$0xF0] =	vst v0;
	v0 =	vmul.f32 $8.000000000e+00, v6;
	v6 =	vld [tilespmem:s0+$0x160]  }
0x1aa: {  	[tilespmem:s0+$0x100] =	vst v1;
	v1 =	vmul.f32 $8.000000000e+00, v3;
	v3 =	vld [tilespmem:s0+$0x170]  }
0x1ab: {  	[tilespmem:s0+$0x110] =	vst v0;
	v0 =	vmul.f32 $8.000000000e+00, v4;
	v4 =	vld [tilespmem:s0+$0x180]  }
0x1ac: {  	[tilespmem:s0+$0x120] =	vst v1;
	v1 =	vmul.f32 $8.000000000e+00, v2;
	v7 =	vld [tilespmem:s0+$0x190]  }
0x1ad: {  	[tilespmem:s0+$0x130] =	vst v0;
	v2 =	vmul.f32 $8.000000000e+00, v5;
	v8 =	vld [tilespmem:s0+$0x1A0]  }
.Ltmp6:
0x1ae: {  	[tilespmem:s0+$0x140] =	vst v1;
	v5 =	vmul.f32 $8.000000000e+00, v6;
	v0 =	vld [tilespmem:s0+$0x1B0];
	(pc) =	sbr.rel @p1 .LBB2_11-.Ltmp6, $4  }
0x1af: {  	[tilespmem:s0+$0x150] =	vst v2;
	v3 =	vmul.f32 $8.000000000e+00, v3;
	v1 =	vld [tilespmem:s0+$0x1C0]  }
0x1b0: {  	[tilespmem:s0+$0x160] =	vst v5;
	v6 =	vmul.f32 $8.000000000e+00, v4;
	v2 =	vld [tilespmem:s0+$0x1D0]  }
0x1b1: {  	[tilespmem:s0+$0x170] =	vst v3;
	v5 =	vmul.f32 $8.000000000e+00, v7;
	v3 =	vld [tilespmem:s0+$0x1E0]  }
0x1b2: {  	s0 =	sadd.s32 $0x200, s0;
	v4 =	vld [tilespmem:s31+$0x0];
	[tilespmem:s31+$0x180] =	vst v6;
	v6 =	vmul.f32 $8.000000000e+00, v8  }
0x1b3: {  	[tilespmem:s31+$0x190] =	vst v5;
	v0 =	vmul.f32 $8.000000000e+00, v0  }
0x1b4: {  	[tilespmem:s31+$0x1A0] =	vst v6;
	v1 =	vmul.f32 $8.000000000e+00, v1  }
0x1b5: {  	[tilespmem:s31+$0x1B0] =	vst v0;
	v0 =	vmul.f32 $8.000000000e+00, v2  }
0x1b6: {  	[tilespmem:s31+$0x1C0] =	vst v1;
	v1 =	vmul.f32 $8.000000000e+00, v3  }
0x1b7: {  	v2 =	vmul.f32 $8.000000000e+00, v4;
	[tilespmem:s31+$0x1D0] =	vst v0  }
0x1b8: {  	[tilespmem:s31+$0x1E0] =	vst v1  }
0x1b9: {  	s0 =	sadd.s32 $0x1900, s29;
	[tilespmem:s31+$0x0] =	vst v2  }
0x1ba: {  	[hbm4b:s0+s3] =	stream.linear.scatter [tilespmem:s17], [sflag:$0x2], $0x3200, $0x38;
	[tilespmem:$0x1F400] =	vst v63  }
0x1bb: {  	s0 =	simm.s32 @!p0 $0x2  }
0x1bc: {  	_ =	swait.ge @!p0 [sflag:s0], $0x3200  }
0x1bd: {  	s1 =	simm.s32 @!p0 $0xC8;
	[sflag:s0] =	ssyncset.done @!p0 $0x0  }
0x1be: {  	s29 =	simm.s32 @!p0 $0x9600;
	[sflag:s0] =	ssyncadd.s32 @!p0 $0xFFFFCE00;
	s0 =	sadd.s32 @!p0 $0x708, s30  }
0x1bf: {  	[tilespmem:s29], [sflag:$0x1] =	stream.indirect.gather @!p0 [hbm4b:s5+s1], $0x40, s0, s1, $0xb8;
	[tilespmem:$0x1F400] =	vst v63  }
0x1c0: {  	_ =	swait.ge [sflag:s18], $0x3200  }
0x1c1: {  	[sflag:s18] =	ssyncset.done $0x0  }
0x1c2: {  	s29 =	simm.s32 $0x15E00;
	[sflag:s18] =	ssyncadd.s32 $0xFFFFCE00  }
0x1c3: {  	v0 =	vld [tilespmem:s29+$0x1F0]  }
0x1c4: {  	v1 =	vld [tilespmem:s29+$0x10]  }
0x1c5: {  	v2 =	vld [tilespmem:s29+$0x20]  }
0x1c6: {  	v3 =	vld [tilespmem:s29+$0x30]  }
0x1c7: {  	v4 =	vld [tilespmem:s29+$0x40]  }
0x1c8: {  	v5 =	vld [tilespmem:s29+$0x50];
	v0 =	vmul.f32 $8.000000000e+00, v0  }
0x1c9: {  	v6 =	vld [tilespmem:s29+$0x60];
	v1 =	vmul.f32 $8.000000000e+00, v1  }
0x1ca: {  	v7 =	vld [tilespmem:s29+$0x70];
	v2 =	vmul.f32 $8.000000000e+00, v2;
	[tilespmem:s29+$0x1F0] =	vst v0  }
0x1cb: {  	[tilespmem:s29+$0x10] =	vst v1;
	v0 =	vmul.f32 $8.000000000e+00, v3;
	v1 =	vld [tilespmem:s29+$0x80]  }
0x1cc: {  	[tilespmem:s29+$0x20] =	vst v2;
	v2 =	vmul.f32 $8.000000000e+00, v4;
	v3 =	vld [tilespmem:s29+$0x90]  }
0x1cd: {  	v4 =	vld [tilespmem:s29+$0xA0];
	[tilespmem:s29+$0x30] =	vst v0;
	v0 =	vmul.f32 $8.000000000e+00, v5  }
0x1ce: {  	[tilespmem:s29+$0x40] =	vst v2;
	v2 =	vmul.f32 $8.000000000e+00, v6;
	v5 =	vld [tilespmem:s29+$0xB0]  }
0x1cf: {  	v6 =	vld [tilespmem:s29+$0xC0];
	[tilespmem:s29+$0x50] =	vst v0;
	v0 =	vmul.f32 $8.000000000e+00, v7  }
0x1d0: {  	[tilespmem:s29+$0x60] =	vst v2;
	v2 =	vld [tilespmem:s29+$0xD0];
	v1 =	vmul.f32 $8.000000000e+00, v1  }
0x1d1: {  	[tilespmem:s29+$0x70] =	vst v0;
	v0 =	vmul.f32 $8.000000000e+00, v3;
	v3 =	vld [tilespmem:s29+$0xE0]  }
0x1d2: {  	[tilespmem:s29+$0x80] =	vst v1;
	v1 =	vmul.f32 $8.000000000e+00, v4;
	v4 =	vld [tilespmem:s29+$0xF0]  }
0x1d3: {  	[tilespmem:s29+$0x90] =	vst v0;
	v0 =	vmul.f32 $8.000000000e+00, v5;
	v5 =	vld [tilespmem:s29+$0x100]  }
0x1d4: {  	[tilespmem:s29+$0xA0] =	vst v1;
	v1 =	vmul.f32 $8.000000000e+00, v6;
	v6 =	vld [tilespmem:s29+$0x110]  }
0x1d5: {  	[tilespmem:s29+$0xB0] =	vst v0;
	v0 =	vmul.f32 $8.000000000e+00, v2;
	v2 =	vld [tilespmem:s29+$0x120]  }
0x1d6: {  	[tilespmem:s29+$0xC0] =	vst v1;
	v1 =	vmul.f32 $8.000000000e+00, v3;
	v3 =	vld [tilespmem:s29+$0x130]  }
0x1d7: {  	[tilespmem:s29+$0xD0] =	vst v0;
	v0 =	vmul.f32 $8.000000000e+00, v4;
	v4 =	vld [tilespmem:s29+$0x140]  }
0x1d8: {  	[tilespmem:s29+$0xE0] =	vst v1;
	v1 =	vmul.f32 $8.000000000e+00, v5;
	v5 =	vld [tilespmem:s29+$0x150]  }
0x1d9: {  	[tilespmem:s29+$0xF0] =	vst v0;
	v0 =	vmul.f32 $8.000000000e+00, v6;
	v6 =	vld [tilespmem:s29+$0x160]  }
0x1da: {  	[tilespmem:s29+$0x100] =	vst v1;
	v1 =	vmul.f32 $8.000000000e+00, v2;
	v2 =	vld [tilespmem:s29+$0x170]  }
0x1db: {  	[tilespmem:s29+$0x110] =	vst v0;
	v0 =	vmul.f32 $8.000000000e+00, v3;
	v3 =	vld [tilespmem:s29+$0x180]  }
0x1dc: {  	[tilespmem:s29+$0x120] =	vst v1;
	v1 =	vmul.f32 $8.000000000e+00, v4;
	v4 =	vld [tilespmem:s29+$0x190]  }
0x1dd: {  	v7 =	vld [tilespmem:s29+$0x1A0];
	[tilespmem:s29+$0x130] =	vst v0;
	v5 =	vmul.f32 $8.000000000e+00, v5  }
0x1de: {  	v0 =	vld [tilespmem:s29+$0x1B0];
	[tilespmem:s29+$0x140] =	vst v1;
	v6 =	vmul.f32 $8.000000000e+00, v6  }
0x1df: {  	v1 =	vld [tilespmem:s29+$0x1C0];
	[tilespmem:s29+$0x150] =	vst v5;
	v5 =	vmul.f32 $8.000000000e+00, v2  }
0x1e0: {  	v2 =	vld [tilespmem:s29+$0x1D0];
	[tilespmem:s29+$0x160] =	vst v6;
	v6 =	vmul.f32 $8.000000000e+00, v3  }
0x1e1: {  	v3 =	vld [tilespmem:s29+$0x1E0];
	[tilespmem:s29+$0x170] =	vst v5;
	v5 =	vmul.f32 $8.000000000e+00, v4  }
0x1e2: {  	s1 =	simm.s32 $0x0;
	s0 =	simm.s32 $0x16000;
	v4 =	vld [tilespmem:s29+$0x0];
	[tilespmem:s29+$0x180] =	vst v6;
	v6 =	vmul.f32 $8.000000000e+00, v7  }
.LBB2_13:
0x1e3: {  	v7 =	vld [tilespmem:s0+$0x1F0];
	s1 =	sadd.s32 $0x8, s1;
	[tilespmem:s29+$0x190] =	vst v5;
	v0 =	vmul.f32 $8.000000000e+00, v0  }
0x1e4: {  	v5 =	vld [tilespmem:s0+$0x10];
	p1 =	slt.u32 s1, $0xC0;
	[tilespmem:s29+$0x1A0] =	vst v6;
	v1 =	vmul.f32 $8.000000000e+00, v1  }
0x1e5: {  	v6 =	vld [tilespmem:s0+$0x20];
	[tilespmem:s29+$0x1B0] =	vst v0;
	v0 =	vmul.f32 $8.000000000e+00, v2  }
0x1e6: {  	v2 =	vld [tilespmem:s0+$0x30];
	[tilespmem:s29+$0x1C0] =	vst v1;
	v1 =	vmul.f32 $8.000000000e+00, v3  }
0x1e7: {  	v3 =	vld [tilespmem:s0+$0x40];
	v4 =	vmul.f32 $8.000000000e+00, v4;
	[tilespmem:s29+$0x1D0] =	vst v0  }
0x1e8: {  	v0 =	vld [tilespmem:s0+$0x50];
	v7 =	vmul.f32 $8.000000000e+00, v7;
	[tilespmem:s29+$0x1E0] =	vst v1  }
0x1e9: {  	v1 =	vmul.f32 $8.000000000e+00, v5;
	v5 =	vld [tilespmem:s0+$0x60];
	[tilespmem:s29+$0x0] =	vst v4;
	s29 =	smov.u32 s0  }
0x1ea: {  	v4 =	vmul.f32 $8.000000000e+00, v6;
	v6 =	vld [tilespmem:s0+$0x70];
	[tilespmem:s0+$0x1F0] =	vst v7  }
0x1eb: {  	[tilespmem:s0+$0x10] =	vst v1;
	v1 =	vmul.f32 $8.000000000e+00, v2;
	v2 =	vld [tilespmem:s0+$0x80]  }
0x1ec: {  	[tilespmem:s0+$0x20] =	vst v4;
	v3 =	vmul.f32 $8.000000000e+00, v3;
	v4 =	vld [tilespmem:s0+$0x90]  }
0x1ed: {  	[tilespmem:s0+$0x30] =	vst v1;
	v0 =	vmul.f32 $8.000000000e+00, v0;
	v1 =	vld [tilespmem:s0+$0xA0]  }
0x1ee: {  	[tilespmem:s0+$0x40] =	vst v3;
	v3 =	vmul.f32 $8.000000000e+00, v5;
	v5 =	vld [tilespmem:s0+$0xB0]  }
0x1ef: {  	[tilespmem:s0+$0x50] =	vst v0;
	v0 =	vmul.f32 $8.000000000e+00, v6;
	v6 =	vld [tilespmem:s0+$0xC0]  }
0x1f0: {  	[tilespmem:s0+$0x60] =	vst v3;
	v2 =	vmul.f32 $8.000000000e+00, v2;
	v3 =	vld [tilespmem:s0+$0xD0]  }
0x1f1: {  	[tilespmem:s0+$0x70] =	vst v0;
	v0 =	vmul.f32 $8.000000000e+00, v4;
	v4 =	vld [tilespmem:s0+$0xE0]  }
0x1f2: {  	[tilespmem:s0+$0x80] =	vst v2;
	v1 =	vmul.f32 $8.000000000e+00, v1;
	v2 =	vld [tilespmem:s0+$0xF0]  }
0x1f3: {  	[tilespmem:s0+$0x90] =	vst v0;
	v0 =	vmul.f32 $8.000000000e+00, v5;
	v5 =	vld [tilespmem:s0+$0x100]  }
0x1f4: {  	[tilespmem:s0+$0xA0] =	vst v1;
	v1 =	vmul.f32 $8.000000000e+00, v6;
	v6 =	vld [tilespmem:s0+$0x110]  }
0x1f5: {  	[tilespmem:s0+$0xB0] =	vst v0;
	v0 =	vmul.f32 $8.000000000e+00, v3;
	v3 =	vld [tilespmem:s0+$0x120]  }
0x1f6: {  	[tilespmem:s0+$0xC0] =	vst v1;
	v1 =	vmul.f32 $8.000000000e+00, v4;
	v4 =	vld [tilespmem:s0+$0x130]  }
0x1f7: {  	[tilespmem:s0+$0xD0] =	vst v0;
	v0 =	vmul.f32 $8.000000000e+00, v2;
	v2 =	vld [tilespmem:s0+$0x140]  }
0x1f8: {  	[tilespmem:s0+$0xE0] =	vst v1;
	v1 =	vmul.f32 $8.000000000e+00, v5;
	v5 =	vld [tilespmem:s0+$0x150]  }
0x1f9: {  	[tilespmem:s0+$0xF0] =	vst v0;
	v0 =	vmul.f32 $8.000000000e+00, v6;
	v6 =	vld [tilespmem:s0+$0x160]  }
0x1fa: {  	[tilespmem:s0+$0x100] =	vst v1;
	v1 =	vmul.f32 $8.000000000e+00, v3;
	v3 =	vld [tilespmem:s0+$0x170]  }
0x1fb: {  	[tilespmem:s0+$0x110] =	vst v0;
	v0 =	vmul.f32 $8.000000000e+00, v4;
	v4 =	vld [tilespmem:s0+$0x180]  }
0x1fc: {  	[tilespmem:s0+$0x120] =	vst v1;
	v1 =	vmul.f32 $8.000000000e+00, v2;
	v7 =	vld [tilespmem:s0+$0x190]  }
0x1fd: {  	[tilespmem:s0+$0x130] =	vst v0;
	v2 =	vmul.f32 $8.000000000e+00, v5;
	v8 =	vld [tilespmem:s0+$0x1A0]  }
.Ltmp7:
0x1fe: {  	[tilespmem:s0+$0x140] =	vst v1;
	v5 =	vmul.f32 $8.000000000e+00, v6;
	v0 =	vld [tilespmem:s0+$0x1B0];
	(pc) =	sbr.rel @p1 .LBB2_13-.Ltmp7, $4  }
0x1ff: {  	[tilespmem:s0+$0x150] =	vst v2;
	v3 =	vmul.f32 $8.000000000e+00, v3;
	v1 =	vld [tilespmem:s0+$0x1C0]  }
0x200: {  	[tilespmem:s0+$0x160] =	vst v5;
	v6 =	vmul.f32 $8.000000000e+00, v4;
	v2 =	vld [tilespmem:s0+$0x1D0]  }
0x201: {  	[tilespmem:s0+$0x170] =	vst v3;
	v5 =	vmul.f32 $8.000000000e+00, v7;
	v3 =	vld [tilespmem:s0+$0x1E0]  }
0x202: {  	s0 =	sadd.s32 $0x200, s0;
	v4 =	vld [tilespmem:s29+$0x0];
	[tilespmem:s29+$0x180] =	vst v6;
	v6 =	vmul.f32 $8.000000000e+00, v8  }
0x203: {  	[tilespmem:s29+$0x190] =	vst v5;
	v0 =	vmul.f32 $8.000000000e+00, v0  }
0x204: {  	[tilespmem:s29+$0x1A0] =	vst v6;
	v1 =	vmul.f32 $8.000000000e+00, v1  }
0x205: {  	[tilespmem:s29+$0x1B0] =	vst v0;
	v0 =	vmul.f32 $8.000000000e+00, v2  }
0x206: {  	s0 =	sadd.s32 s4, s26;
	[tilespmem:s29+$0x1C0] =	vst v1;
	v1 =	vmul.f32 $8.000000000e+00, v3  }
0x207: {  	s0 =	smul.u32 $0x640, s0;
	v2 =	vmul.f32 $8.000000000e+00, v4;
	[tilespmem:s29+$0x1D0] =	vst v0  }
0x208: {  	[tilespmem:s29+$0x1E0] =	vst v1  }
0x209: {  	s0 =	sadd.s32 s2, s0;
	[tilespmem:s29+$0x0] =	vst v2  }
0x20a: {  	[hbm4b:s0+s3] =	stream.linear.scatter [tilespmem:s19], [sflag:$0x2], $0x3200, $0x38;
	[tilespmem:$0x1F400] =	vst v63  }
0x20b: {  	s0 =	simm.s32 @!p0 $0x2  }
0x20c: {  	_ =	swait.ge @!p0 [sflag:s0], $0x3200  }
0x20d: {  	s1 =	simm.s32 @!p0 $0xC8;
	[sflag:s0] =	ssyncset.done @!p0 $0x0  }
0x20e: {  	s26 =	simm.s32 @!p0 $0xC800;
	[sflag:s0] =	ssyncadd.s32 @!p0 $0xFFFFCE00;
	s0 =	sadd.s32 @!p0 $0x7D0, s30  }
0x20f: {  	[tilespmem:s26], [sflag:$0x1] =	stream.indirect.gather @!p0 [hbm4b:s5+s1], $0x40, s0, s1, $0xb8;
	[tilespmem:$0x1F400] =	vst v63  }
0x210: {  	_ =	swait.ge [sflag:s18], $0x3200  }
0x211: {  	[sflag:s18] =	ssyncset.done $0x0  }
0x212: {  	s26 =	simm.s32 $0x19000;
	[sflag:s18] =	ssyncadd.s32 $0xFFFFCE00  }
0x213: {  	v0 =	vld [tilespmem:s26+$0x1F0]  }
0x214: {  	v1 =	vld [tilespmem:s26+$0x10]  }
0x215: {  	v2 =	vld [tilespmem:s26+$0x20]  }
0x216: {  	v3 =	vld [tilespmem:s26+$0x30]  }
0x217: {  	v4 =	vld [tilespmem:s26+$0x40]  }
0x218: {  	v5 =	vld [tilespmem:s26+$0x50];
	v0 =	vmul.f32 $8.000000000e+00, v0  }
0x219: {  	v6 =	vld [tilespmem:s26+$0x60];
	v1 =	vmul.f32 $8.000000000e+00, v1  }
0x21a: {  	v7 =	vld [tilespmem:s26+$0x70];
	v2 =	vmul.f32 $8.000000000e+00, v2;
	[tilespmem:s26+$0x1F0] =	vst v0  }
0x21b: {  	[tilespmem:s26+$0x10] =	vst v1;
	v0 =	vmul.f32 $8.000000000e+00, v3;
	v1 =	vld [tilespmem:s26+$0x80]  }
0x21c: {  	[tilespmem:s26+$0x20] =	vst v2;
	v2 =	vmul.f32 $8.000000000e+00, v4;
	v3 =	vld [tilespmem:s26+$0x90]  }
0x21d: {  	v4 =	vld [tilespmem:s26+$0xA0];
	[tilespmem:s26+$0x30] =	vst v0;
	v0 =	vmul.f32 $8.000000000e+00, v5  }
0x21e: {  	[tilespmem:s26+$0x40] =	vst v2;
	v2 =	vmul.f32 $8.000000000e+00, v6;
	v5 =	vld [tilespmem:s26+$0xB0]  }
0x21f: {  	v6 =	vld [tilespmem:s26+$0xC0];
	[tilespmem:s26+$0x50] =	vst v0;
	v0 =	vmul.f32 $8.000000000e+00, v7  }
0x220: {  	[tilespmem:s26+$0x60] =	vst v2;
	v2 =	vld [tilespmem:s26+$0xD0];
	v1 =	vmul.f32 $8.000000000e+00, v1  }
0x221: {  	[tilespmem:s26+$0x70] =	vst v0;
	v0 =	vmul.f32 $8.000000000e+00, v3;
	v3 =	vld [tilespmem:s26+$0xE0]  }
0x222: {  	[tilespmem:s26+$0x80] =	vst v1;
	v1 =	vmul.f32 $8.000000000e+00, v4;
	v4 =	vld [tilespmem:s26+$0xF0]  }
0x223: {  	[tilespmem:s26+$0x90] =	vst v0;
	v0 =	vmul.f32 $8.000000000e+00, v5;
	v5 =	vld [tilespmem:s26+$0x100]  }
0x224: {  	[tilespmem:s26+$0xA0] =	vst v1;
	v1 =	vmul.f32 $8.000000000e+00, v6;
	v6 =	vld [tilespmem:s26+$0x110]  }
0x225: {  	[tilespmem:s26+$0xB0] =	vst v0;
	v0 =	vmul.f32 $8.000000000e+00, v2;
	v2 =	vld [tilespmem:s26+$0x120]  }
0x226: {  	[tilespmem:s26+$0xC0] =	vst v1;
	v1 =	vmul.f32 $8.000000000e+00, v3;
	v3 =	vld [tilespmem:s26+$0x130]  }
0x227: {  	[tilespmem:s26+$0xD0] =	vst v0;
	v0 =	vmul.f32 $8.000000000e+00, v4;
	v4 =	vld [tilespmem:s26+$0x140]  }
0x228: {  	[tilespmem:s26+$0xE0] =	vst v1;
	v1 =	vmul.f32 $8.000000000e+00, v5;
	v5 =	vld [tilespmem:s26+$0x150]  }
0x229: {  	[tilespmem:s26+$0xF0] =	vst v0;
	v0 =	vmul.f32 $8.000000000e+00, v6;
	v6 =	vld [tilespmem:s26+$0x160]  }
0x22a: {  	[tilespmem:s26+$0x100] =	vst v1;
	v1 =	vmul.f32 $8.000000000e+00, v2;
	v2 =	vld [tilespmem:s26+$0x170]  }
0x22b: {  	[tilespmem:s26+$0x110] =	vst v0;
	v0 =	vmul.f32 $8.000000000e+00, v3;
	v3 =	vld [tilespmem:s26+$0x180]  }
0x22c: {  	[tilespmem:s26+$0x120] =	vst v1;
	v1 =	vmul.f32 $8.000000000e+00, v4;
	v4 =	vld [tilespmem:s26+$0x190]  }
0x22d: {  	v7 =	vld [tilespmem:s26+$0x1A0];
	[tilespmem:s26+$0x130] =	vst v0;
	v5 =	vmul.f32 $8.000000000e+00, v5  }
0x22e: {  	v0 =	vld [tilespmem:s26+$0x1B0];
	[tilespmem:s26+$0x140] =	vst v1;
	v6 =	vmul.f32 $8.000000000e+00, v6  }
0x22f: {  	v1 =	vld [tilespmem:s26+$0x1C0];
	[tilespmem:s26+$0x150] =	vst v5;
	v5 =	vmul.f32 $8.000000000e+00, v2  }
0x230: {  	v2 =	vld [tilespmem:s26+$0x1D0];
	[tilespmem:s26+$0x160] =	vst v6;
	v6 =	vmul.f32 $8.000000000e+00, v3  }
0x231: {  	v3 =	vld [tilespmem:s26+$0x1E0];
	[tilespmem:s26+$0x170] =	vst v5;
	v5 =	vmul.f32 $8.000000000e+00, v4  }
0x232: {  	s1 =	simm.s32 $0x0;
	s0 =	simm.s32 $0x19200;
	v4 =	vld [tilespmem:s26+$0x0];
	[tilespmem:s26+$0x180] =	vst v6;
	v6 =	vmul.f32 $8.000000000e+00, v7  }
.LBB2_15:
0x233: {  	v7 =	vld [tilespmem:s0+$0x1F0];
	s1 =	sadd.s32 $0x8, s1;
	[tilespmem:s26+$0x190] =	vst v5;
	v0 =	vmul.f32 $8.000000000e+00, v0  }
0x234: {  	v5 =	vld [tilespmem:s0+$0x10];
	p1 =	slt.u32 s1, $0xC0;
	[tilespmem:s26+$0x1A0] =	vst v6;
	v1 =	vmul.f32 $8.000000000e+00, v1  }
0x235: {  	v6 =	vld [tilespmem:s0+$0x20];
	[tilespmem:s26+$0x1B0] =	vst v0;
	v0 =	vmul.f32 $8.000000000e+00, v2  }
0x236: {  	v2 =	vld [tilespmem:s0+$0x30];
	[tilespmem:s26+$0x1C0] =	vst v1;
	v1 =	vmul.f32 $8.000000000e+00, v3  }
0x237: {  	v3 =	vld [tilespmem:s0+$0x40];
	v4 =	vmul.f32 $8.000000000e+00, v4;
	[tilespmem:s26+$0x1D0] =	vst v0  }
0x238: {  	v0 =	vld [tilespmem:s0+$0x50];
	v7 =	vmul.f32 $8.000000000e+00, v7;
	[tilespmem:s26+$0x1E0] =	vst v1  }
0x239: {  	v1 =	vmul.f32 $8.000000000e+00, v5;
	v5 =	vld [tilespmem:s0+$0x60];
	[tilespmem:s26+$0x0] =	vst v4;
	s26 =	smov.u32 s0  }
0x23a: {  	v4 =	vmul.f32 $8.000000000e+00, v6;
	v6 =	vld [tilespmem:s0+$0x70];
	[tilespmem:s0+$0x1F0] =	vst v7  }
0x23b: {  	[tilespmem:s0+$0x10] =	vst v1;
	v1 =	vmul.f32 $8.000000000e+00, v2;
	v2 =	vld [tilespmem:s0+$0x80]  }
0x23c: {  	[tilespmem:s0+$0x20] =	vst v4;
	v3 =	vmul.f32 $8.000000000e+00, v3;
	v4 =	vld [tilespmem:s0+$0x90]  }
0x23d: {  	[tilespmem:s0+$0x30] =	vst v1;
	v0 =	vmul.f32 $8.000000000e+00, v0;
	v1 =	vld [tilespmem:s0+$0xA0]  }
0x23e: {  	[tilespmem:s0+$0x40] =	vst v3;
	v3 =	vmul.f32 $8.000000000e+00, v5;
	v5 =	vld [tilespmem:s0+$0xB0]  }
0x23f: {  	[tilespmem:s0+$0x50] =	vst v0;
	v0 =	vmul.f32 $8.000000000e+00, v6;
	v6 =	vld [tilespmem:s0+$0xC0]  }
0x240: {  	[tilespmem:s0+$0x60] =	vst v3;
	v2 =	vmul.f32 $8.000000000e+00, v2;
	v3 =	vld [tilespmem:s0+$0xD0]  }
0x241: {  	[tilespmem:s0+$0x70] =	vst v0;
	v0 =	vmul.f32 $8.000000000e+00, v4;
	v4 =	vld [tilespmem:s0+$0xE0]  }
0x242: {  	[tilespmem:s0+$0x80] =	vst v2;
	v1 =	vmul.f32 $8.000000000e+00, v1;
	v2 =	vld [tilespmem:s0+$0xF0]  }
0x243: {  	[tilespmem:s0+$0x90] =	vst v0;
	v0 =	vmul.f32 $8.000000000e+00, v5;
	v5 =	vld [tilespmem:s0+$0x100]  }
0x244: {  	[tilespmem:s0+$0xA0] =	vst v1;
	v1 =	vmul.f32 $8.000000000e+00, v6;
	v6 =	vld [tilespmem:s0+$0x110]  }
0x245: {  	[tilespmem:s0+$0xB0] =	vst v0;
	v0 =	vmul.f32 $8.000000000e+00, v3;
	v3 =	vld [tilespmem:s0+$0x120]  }
0x246: {  	[tilespmem:s0+$0xC0] =	vst v1;
	v1 =	vmul.f32 $8.000000000e+00, v4;
	v4 =	vld [tilespmem:s0+$0x130]  }
0x247: {  	[tilespmem:s0+$0xD0] =	vst v0;
	v0 =	vmul.f32 $8.000000000e+00, v2;
	v2 =	vld [tilespmem:s0+$0x140]  }
0x248: {  	[tilespmem:s0+$0xE0] =	vst v1;
	v1 =	vmul.f32 $8.000000000e+00, v5;
	v5 =	vld [tilespmem:s0+$0x150]  }
0x249: {  	[tilespmem:s0+$0xF0] =	vst v0;
	v0 =	vmul.f32 $8.000000000e+00, v6;
	v6 =	vld [tilespmem:s0+$0x160]  }
0x24a: {  	[tilespmem:s0+$0x100] =	vst v1;
	v1 =	vmul.f32 $8.000000000e+00, v3;
	v3 =	vld [tilespmem:s0+$0x170]  }
0x24b: {  	[tilespmem:s0+$0x110] =	vst v0;
	v0 =	vmul.f32 $8.000000000e+00, v4;
	v4 =	vld [tilespmem:s0+$0x180]  }
0x24c: {  	[tilespmem:s0+$0x120] =	vst v1;
	v1 =	vmul.f32 $8.000000000e+00, v2;
	v7 =	vld [tilespmem:s0+$0x190]  }
0x24d: {  	[tilespmem:s0+$0x130] =	vst v0;
	v2 =	vmul.f32 $8.000000000e+00, v5;
	v8 =	vld [tilespmem:s0+$0x1A0]  }
.Ltmp8:
0x24e: {  	[tilespmem:s0+$0x140] =	vst v1;
	v5 =	vmul.f32 $8.000000000e+00, v6;
	v0 =	vld [tilespmem:s0+$0x1B0];
	(pc) =	sbr.rel @p1 .LBB2_15-.Ltmp8, $4  }
0x24f: {  	[tilespmem:s0+$0x150] =	vst v2;
	v3 =	vmul.f32 $8.000000000e+00, v3;
	v1 =	vld [tilespmem:s0+$0x1C0]  }
0x250: {  	[tilespmem:s0+$0x160] =	vst v5;
	v6 =	vmul.f32 $8.000000000e+00, v4;
	v2 =	vld [tilespmem:s0+$0x1D0]  }
0x251: {  	[tilespmem:s0+$0x170] =	vst v3;
	v5 =	vmul.f32 $8.000000000e+00, v7;
	v3 =	vld [tilespmem:s0+$0x1E0]  }
0x252: {  	s0 =	sadd.s32 $0x200, s0;
	v4 =	vld [tilespmem:s26+$0x0];
	[tilespmem:s26+$0x180] =	vst v6;
	v6 =	vmul.f32 $8.000000000e+00, v8  }
0x253: {  	[tilespmem:s26+$0x190] =	vst v5;
	v0 =	vmul.f32 $8.000000000e+00, v0  }
0x254: {  	[tilespmem:s26+$0x1A0] =	vst v6;
	v1 =	vmul.f32 $8.000000000e+00, v1  }
0x255: {  	[tilespmem:s26+$0x1B0] =	vst v0;
	v0 =	vmul.f32 $8.000000000e+00, v2  }
0x256: {  	s0 =	sadd.s32 s4, s28;
	[tilespmem:s26+$0x1C0] =	vst v1;
	v1 =	vmul.f32 $8.000000000e+00, v3  }
0x257: {  	s0 =	smul.u32 $0x640, s0;
	v2 =	vmul.f32 $8.000000000e+00, v4;
	[tilespmem:s26+$0x1D0] =	vst v0  }
0x258: {  	[tilespmem:s26+$0x1E0] =	vst v1  }
0x259: {  	s0 =	sadd.s32 s2, s0;
	[tilespmem:s26+$0x0] =	vst v2  }
0x25a: {  	[hbm4b:s0+s3] =	stream.linear.scatter [tilespmem:s20], [sflag:$0x2], $0x3200, $0x38;
	[tilespmem:$0x1F400] =	vst v63  }
0x25b: {  	s0 =	simm.s32 @!p0 $0x2  }
0x25c: {  	_ =	swait.ge @!p0 [sflag:s0], $0x3200  }
0x25d: {  	s1 =	simm.s32 @!p0 $0xC8;
	[sflag:s0] =	ssyncset.done @!p0 $0x0  }
0x25e: {  	s26 =	simm.s32 @!p0 $0xFA00;
	[sflag:s0] =	ssyncadd.s32 @!p0 $0xFFFFCE00;
	s0 =	sadd.s32 @!p0 $0x898, s30  }
0x25f: {  	[tilespmem:s26], [sflag:$0x1] =	stream.indirect.gather @!p0 [hbm4b:s5+s1], $0x40, s0, s1, $0xb8;
	[tilespmem:$0x1F400] =	vst v63  }
0x260: {  	_ =	swait.ge [sflag:s18], $0x3200  }
0x261: {  	[sflag:s18] =	ssyncset.done $0x0  }
0x262: {  	s26 =	simm.s32 $0x1C200;
	[sflag:s18] =	ssyncadd.s32 $0xFFFFCE00  }
0x263: {  	v0 =	vld [tilespmem:s26+$0x1F0]  }
0x264: {  	v1 =	vld [tilespmem:s26+$0x10]  }
0x265: {  	v2 =	vld [tilespmem:s26+$0x20]  }
0x266: {  	v3 =	vld [tilespmem:s26+$0x30]  }
0x267: {  	v4 =	vld [tilespmem:s26+$0x40]  }
0x268: {  	v5 =	vld [tilespmem:s26+$0x50];
	v0 =	vmul.f32 $8.000000000e+00, v0  }
0x269: {  	v6 =	vld [tilespmem:s26+$0x60];
	v1 =	vmul.f32 $8.000000000e+00, v1  }
0x26a: {  	v7 =	vld [tilespmem:s26+$0x70];
	v2 =	vmul.f32 $8.000000000e+00, v2;
	[tilespmem:s26+$0x1F0] =	vst v0  }
0x26b: {  	[tilespmem:s26+$0x10] =	vst v1;
	v0 =	vmul.f32 $8.000000000e+00, v3;
	v1 =	vld [tilespmem:s26+$0x80]  }
0x26c: {  	[tilespmem:s26+$0x20] =	vst v2;
	v2 =	vmul.f32 $8.000000000e+00, v4;
	v3 =	vld [tilespmem:s26+$0x90]  }
0x26d: {  	v4 =	vld [tilespmem:s26+$0xA0];
	[tilespmem:s26+$0x30] =	vst v0;
	v0 =	vmul.f32 $8.000000000e+00, v5  }
0x26e: {  	[tilespmem:s26+$0x40] =	vst v2;
	v2 =	vmul.f32 $8.000000000e+00, v6;
	v5 =	vld [tilespmem:s26+$0xB0]  }
0x26f: {  	v6 =	vld [tilespmem:s26+$0xC0];
	[tilespmem:s26+$0x50] =	vst v0;
	v0 =	vmul.f32 $8.000000000e+00, v7  }
0x270: {  	[tilespmem:s26+$0x60] =	vst v2;
	v2 =	vld [tilespmem:s26+$0xD0];
	v1 =	vmul.f32 $8.000000000e+00, v1  }
0x271: {  	[tilespmem:s26+$0x70] =	vst v0;
	v0 =	vmul.f32 $8.000000000e+00, v3;
	v3 =	vld [tilespmem:s26+$0xE0]  }
0x272: {  	[tilespmem:s26+$0x80] =	vst v1;
	v1 =	vmul.f32 $8.000000000e+00, v4;
	v4 =	vld [tilespmem:s26+$0xF0]  }
0x273: {  	[tilespmem:s26+$0x90] =	vst v0;
	v0 =	vmul.f32 $8.000000000e+00, v5;
	v5 =	vld [tilespmem:s26+$0x100]  }
0x274: {  	[tilespmem:s26+$0xA0] =	vst v1;
	v1 =	vmul.f32 $8.000000000e+00, v6;
	v6 =	vld [tilespmem:s26+$0x110]  }
0x275: {  	[tilespmem:s26+$0xB0] =	vst v0;
	v0 =	vmul.f32 $8.000000000e+00, v2;
	v2 =	vld [tilespmem:s26+$0x120]  }
0x276: {  	[tilespmem:s26+$0xC0] =	vst v1;
	v1 =	vmul.f32 $8.000000000e+00, v3;
	v3 =	vld [tilespmem:s26+$0x130]  }
0x277: {  	[tilespmem:s26+$0xD0] =	vst v0;
	v0 =	vmul.f32 $8.000000000e+00, v4;
	v4 =	vld [tilespmem:s26+$0x140]  }
0x278: {  	[tilespmem:s26+$0xE0] =	vst v1;
	v1 =	vmul.f32 $8.000000000e+00, v5;
	v5 =	vld [tilespmem:s26+$0x150]  }
0x279: {  	[tilespmem:s26+$0xF0] =	vst v0;
	v0 =	vmul.f32 $8.000000000e+00, v6;
	v6 =	vld [tilespmem:s26+$0x160]  }
0x27a: {  	[tilespmem:s26+$0x100] =	vst v1;
	v1 =	vmul.f32 $8.000000000e+00, v2;
	v2 =	vld [tilespmem:s26+$0x170]  }
0x27b: {  	[tilespmem:s26+$0x110] =	vst v0;
	v0 =	vmul.f32 $8.000000000e+00, v3;
	v3 =	vld [tilespmem:s26+$0x180]  }
0x27c: {  	[tilespmem:s26+$0x120] =	vst v1;
	v1 =	vmul.f32 $8.000000000e+00, v4;
	v4 =	vld [tilespmem:s26+$0x190]  }
0x27d: {  	v7 =	vld [tilespmem:s26+$0x1A0];
	[tilespmem:s26+$0x130] =	vst v0;
	v5 =	vmul.f32 $8.000000000e+00, v5  }
0x27e: {  	v0 =	vld [tilespmem:s26+$0x1B0];
	[tilespmem:s26+$0x140] =	vst v1;
	v6 =	vmul.f32 $8.000000000e+00, v6  }
0x27f: {  	v1 =	vld [tilespmem:s26+$0x1C0];
	[tilespmem:s26+$0x150] =	vst v5;
	v5 =	vmul.f32 $8.000000000e+00, v2  }
0x280: {  	v2 =	vld [tilespmem:s26+$0x1D0];
	[tilespmem:s26+$0x160] =	vst v6;
	v6 =	vmul.f32 $8.000000000e+00, v3  }
0x281: {  	v3 =	vld [tilespmem:s26+$0x1E0];
	[tilespmem:s26+$0x170] =	vst v5;
	v5 =	vmul.f32 $8.000000000e+00, v4  }
0x282: {  	s1 =	simm.s32 $0x0;
	s0 =	simm.s32 $0x1C400;
	v4 =	vld [tilespmem:s26+$0x0];
	[tilespmem:s26+$0x180] =	vst v6;
	v6 =	vmul.f32 $8.000000000e+00, v7  }
.LBB2_17:
0x283: {  	v7 =	vld [tilespmem:s0+$0x1F0];
	s1 =	sadd.s32 $0x8, s1;
	[tilespmem:s26+$0x190] =	vst v5;
	v0 =	vmul.f32 $8.000000000e+00, v0  }
0x284: {  	v5 =	vld [tilespmem:s0+$0x10];
	p1 =	slt.u32 s1, $0xC0;
	[tilespmem:s26+$0x1A0] =	vst v6;
	v1 =	vmul.f32 $8.000000000e+00, v1  }
0x285: {  	v6 =	vld [tilespmem:s0+$0x20];
	[tilespmem:s26+$0x1B0] =	vst v0;
	v0 =	vmul.f32 $8.000000000e+00, v2  }
0x286: {  	v2 =	vld [tilespmem:s0+$0x30];
	[tilespmem:s26+$0x1C0] =	vst v1;
	v1 =	vmul.f32 $8.000000000e+00, v3  }
0x287: {  	v3 =	vld [tilespmem:s0+$0x40];
	v4 =	vmul.f32 $8.000000000e+00, v4;
	[tilespmem:s26+$0x1D0] =	vst v0  }
0x288: {  	v0 =	vld [tilespmem:s0+$0x50];
	v7 =	vmul.f32 $8.000000000e+00, v7;
	[tilespmem:s26+$0x1E0] =	vst v1  }
0x289: {  	v1 =	vmul.f32 $8.000000000e+00, v5;
	v5 =	vld [tilespmem:s0+$0x60];
	[tilespmem:s26+$0x0] =	vst v4;
	s26 =	smov.u32 s0  }
0x28a: {  	v4 =	vmul.f32 $8.000000000e+00, v6;
	v6 =	vld [tilespmem:s0+$0x70];
	[tilespmem:s0+$0x1F0] =	vst v7  }
0x28b: {  	[tilespmem:s0+$0x10] =	vst v1;
	v1 =	vmul.f32 $8.000000000e+00, v2;
	v2 =	vld [tilespmem:s0+$0x80]  }
0x28c: {  	[tilespmem:s0+$0x20] =	vst v4;
	v3 =	vmul.f32 $8.000000000e+00, v3;
	v4 =	vld [tilespmem:s0+$0x90]  }
0x28d: {  	[tilespmem:s0+$0x30] =	vst v1;
	v0 =	vmul.f32 $8.000000000e+00, v0;
	v1 =	vld [tilespmem:s0+$0xA0]  }
0x28e: {  	[tilespmem:s0+$0x40] =	vst v3;
	v3 =	vmul.f32 $8.000000000e+00, v5;
	v5 =	vld [tilespmem:s0+$0xB0]  }
0x28f: {  	[tilespmem:s0+$0x50] =	vst v0;
	v0 =	vmul.f32 $8.000000000e+00, v6;
	v6 =	vld [tilespmem:s0+$0xC0]  }
0x290: {  	[tilespmem:s0+$0x60] =	vst v3;
	v2 =	vmul.f32 $8.000000000e+00, v2;
	v3 =	vld [tilespmem:s0+$0xD0]  }
0x291: {  	[tilespmem:s0+$0x70] =	vst v0;
	v0 =	vmul.f32 $8.000000000e+00, v4;
	v4 =	vld [tilespmem:s0+$0xE0]  }
0x292: {  	[tilespmem:s0+$0x80] =	vst v2;
	v1 =	vmul.f32 $8.000000000e+00, v1;
	v2 =	vld [tilespmem:s0+$0xF0]  }
0x293: {  	[tilespmem:s0+$0x90] =	vst v0;
	v0 =	vmul.f32 $8.000000000e+00, v5;
	v5 =	vld [tilespmem:s0+$0x100]  }
0x294: {  	[tilespmem:s0+$0xA0] =	vst v1;
	v1 =	vmul.f32 $8.000000000e+00, v6;
	v6 =	vld [tilespmem:s0+$0x110]  }
0x295: {  	[tilespmem:s0+$0xB0] =	vst v0;
	v0 =	vmul.f32 $8.000000000e+00, v3;
	v3 =	vld [tilespmem:s0+$0x120]  }
0x296: {  	[tilespmem:s0+$0xC0] =	vst v1;
	v1 =	vmul.f32 $8.000000000e+00, v4;
	v4 =	vld [tilespmem:s0+$0x130]  }
0x297: {  	[tilespmem:s0+$0xD0] =	vst v0;
	v0 =	vmul.f32 $8.000000000e+00, v2;
	v2 =	vld [tilespmem:s0+$0x140]  }
0x298: {  	[tilespmem:s0+$0xE0] =	vst v1;
	v1 =	vmul.f32 $8.000000000e+00, v5;
	v5 =	vld [tilespmem:s0+$0x150]  }
0x299: {  	[tilespmem:s0+$0xF0] =	vst v0;
	v0 =	vmul.f32 $8.000000000e+00, v6;
	v6 =	vld [tilespmem:s0+$0x160]  }
0x29a: {  	[tilespmem:s0+$0x100] =	vst v1;
	v1 =	vmul.f32 $8.000000000e+00, v3;
	v3 =	vld [tilespmem:s0+$0x170]  }
0x29b: {  	[tilespmem:s0+$0x110] =	vst v0;
	v0 =	vmul.f32 $8.000000000e+00, v4;
	v4 =	vld [tilespmem:s0+$0x180]  }
0x29c: {  	[tilespmem:s0+$0x120] =	vst v1;
	v1 =	vmul.f32 $8.000000000e+00, v2;
	v7 =	vld [tilespmem:s0+$0x190]  }
0x29d: {  	[tilespmem:s0+$0x130] =	vst v0;
	v2 =	vmul.f32 $8.000000000e+00, v5;
	v8 =	vld [tilespmem:s0+$0x1A0]  }
.Ltmp9:
0x29e: {  	[tilespmem:s0+$0x140] =	vst v1;
	v5 =	vmul.f32 $8.000000000e+00, v6;
	v0 =	vld [tilespmem:s0+$0x1B0];
	(pc) =	sbr.rel @p1 .LBB2_17-.Ltmp9, $4  }
0x29f: {  	[tilespmem:s0+$0x150] =	vst v2;
	v3 =	vmul.f32 $8.000000000e+00, v3;
	v1 =	vld [tilespmem:s0+$0x1C0]  }
0x2a0: {  	[tilespmem:s0+$0x160] =	vst v5;
	v6 =	vmul.f32 $8.000000000e+00, v4;
	v2 =	vld [tilespmem:s0+$0x1D0]  }
0x2a1: {  	[tilespmem:s0+$0x170] =	vst v3;
	v5 =	vmul.f32 $8.000000000e+00, v7;
	v3 =	vld [tilespmem:s0+$0x1E0]  }
0x2a2: {  	s0 =	sadd.s32 $0x200, s0;
	v4 =	vld [tilespmem:s26+$0x0];
	[tilespmem:s26+$0x180] =	vst v6;
	v6 =	vmul.f32 $8.000000000e+00, v8  }
0x2a3: {  	[tilespmem:s26+$0x190] =	vst v5;
	v0 =	vmul.f32 $8.000000000e+00, v0  }
0x2a4: {  	[tilespmem:s26+$0x1A0] =	vst v6;
	v1 =	vmul.f32 $8.000000000e+00, v1  }
0x2a5: {  	[tilespmem:s26+$0x1B0] =	vst v0;
	v61 =	vmul.f32 $8.000000000e+00, v2  }
0x2a6: {  	s0 =	sadd.s32 s4, s25;
	[tilespmem:s26+$0x1C0] =	vst v1;
	v62 =	vmul.f32 $8.000000000e+00, v3  }
0x2a7: {  	s0 =	smul.u32 $0x640, s0;
	v63 =	vmul.f32 $8.000000000e+00, v4;
	[tilespmem:s26+$0x1D0] =	vst v61  }
0x2a8: {  	[tilespmem:s26+$0x1E0] =	vst v62  }
.Ltmp10:
0x2a9: {  	s0 =	sadd.s32 s2, s0;
	[tilespmem:s26+$0x0] =	vst v63;
	(pc) =	sbr.rel @p0 .LBB2_20-.Ltmp10, $4  }
0x2aa: {  	[hbm4b:s0+s3] =	stream.linear.scatter [tilespmem:s21], [sflag:$0x2], $0x3200, $0x38;
	[tilespmem:$0x1F400] =	vst v63  }
0x2ab: {  	_ =	swait.ge [sflag:s22], $0x3200  }
0x2ac: {  	[sflag:s22] =	ssyncset.done $0x0  }
0x2ad: {  	[sflag:s22] =	ssyncadd.s32 $0xFFFFCE00  }
0x2ae: {  	s0 =	smul.u32 $0x1900, s24  }
.Ltmp11:
0x2af: {  	_ = 	snop;
	(pc) =	sbr.rel .LBB2_2-.Ltmp11, $4  }
0x2b0: {  	_ = 	snop  }
0x2b1: {  	s0 =	sshra.s32 s0, $0x2  }
0x2b2: {  	s24 =	sadd.s32 $0x1, s24;
	s0 =	sadd.s32 $0x960, s0  }
0x2b3: {  	[tilespmem:s17], [sflag:$0x1] =	stream.indirect.gather [hbm4b:s5+s9], $0x40, s0, s9, $0xb8;
	[tilespmem:$0x1F400] =	vst v63  }
.LBB2_21:
0x2b4: {  	_ =	sfence.sel $0x180000  }
0x2b5: {  	[bflag:$0x0] =	sbarrier.arrive $0xFFFF  }
0x2b6: {  	_ =	strace $0x90000047  }
0x2b7: {  	s0 =	stileid.u32;
	[bflag:$0x2] =	sbarrier.arrive $0xFFFF  }
0x2b8: {  	p0 =	sne.s32 s0, $0x0;
	s0 =	rddreg [dreg:$0x2]  }
0x2b9: {  	s0 =	sadd.s32 @!p0 $0x100000, s0  }
0x2ba: {  	[sflag:s0] =	ssyncadd.tile.s32 @!p0 $0x1;
	_ =	shalt  }
.Lfunc_end2:
_tile_overlayer_lowered:
.L_overlay_start_2:
0x2bb: {  	(tag) =	ssettag $0x2  }
0x2bc: {  	s0 =	rddreg [dreg:$0x0];
	s2 =	stileid.u32  }
0x2bd: {  	s1 =	rddreg [dreg:$0x1];
	p0 =	sne.s32 s2, $0x0  }
0x2be: {  	s3 =	rddreg [dreg:$0x2];
	[bflag:$0x3] =	sbarrier.arrive $0xFFFF;
	s2 =	simm.s32 @!p0 $0x1C03  }
0x2bf: {  	[timem:s3], [sflag:s2] =	dma.local @!p0 [hbm:s0], s1  }
0x2c0: {  	s0 =	simm.s32 @!p0 $0x3  }
0x2c1: {  	_ =	swait.ge @!p0 [sflag:s0], s1  }
0x2c2: {  	s1 =	ssub.s32 @!p0 $0x0, s1;
	[sflag:s0] =	ssyncset.done @!p0 $0x0  }
0x2c3: {  	[sflag:s0] =	ssyncadd.s32 @!p0 s1  }
0x2c4: {  	[bflag:$0x3] =	sbarrier.arrive $0xFFFF  }
0x2c5: {  	_ =	shalt  }

// kernel: sparse-core-data-format-call.cloned.1.call-start
scs
called_computation_lowered:
.L_overlay_start_0:
0x0: {  	s2 =	sld [smem:$0x3FD9]  }
0x1: {  	s3 =	sld [smem:$0x3FFE];
	_ =	sdelay $0x1  }
0x2: {  	s1 =	srdreg.scid  }
0x3: {  	s0 =	sand.u32 $0x1, s1  }
0x4: {  	s18 =	sshll.u32 s0, $0xA;
	s2 =	sadd.s32 s3, s2  }
0x5: {  	s2 =	sadd.s32 s2, s18  }
0x6: {  	[smem:$0x3FC6] =	sst s2  }
0x7: {  	_ = 	snop  }
0x8: {  	s2 =	sld [smem:$0x3FD0];
	(tm) =	ssettm $0x1  }
0x9: {  	s19 =	sld [smem:$0x3FFB];
	_ =	sdelay $0x3  }
0xa: {  	_ =	strace s19  }
0xb: {  	s3 =	sld [smem:$0x3FFC];
	_ =	sdelay $0x3  }
0xc: {  	_ =	strace s3  }
0xd: {  	s3 =	sld [smem:$0x3FFD];
	_ =	sdelay $0x3  }
0xe: {  	_ =	strace s3  }
0xf: {  	_ =	strace $0x8FFFFFFF  }
0x10: {  	s20 =	sld [smem:$0x3FDB];
	_ =	sdelay $0x1  }
0x11: {  	s4 =	simm.s32 $_scs_section_size  }
0x12: {  	s5 =	simm.s32 $_size__tile_overlayer_lowered;
	s6 =	simm.s32 $_tile_overlayer_lowered  }
0x13: {  	s23 =	simm.s32 $0x1BFF;
	s22 =	sshll.u32 s6, $0x1;
	s3 =	sadd.s32 s4, s20  }
0x14: {  	s7 =	simm.s32 $0x0;
	s21 =	sshll.u32 s5, $0x1;
	s5 =	sadd.s32 s22, s3  }
0x15: {  	[timem:s7], [sflag:s23] =	dma.local [hbm:s5], s21  }
0x16: {  	_ =	swait.ge [sflag:s23], s21  }
0x17: {  	s4 =	ssub.s32 $0x0, s21;
	[sflag:s23] =	ssyncset.done $0x0  }
0x18: {  	[sflag:s23] =	ssyncadd.s32 s4;
	_ =	sdelay $0x1  }
0x19: {  	s24 =	simm.s32 $0x1B8B  }
0x1a: {  	_ =	swait.ge [sflag:s24], $0x1  }
0x1b: {  	[sflag:s24] =	ssyncset.done $0x0  }
0x1c: {  	s26 =	simm.s32 $0x1B8E;
	s25 =	sld [smem:$0x3FFE];
	[sflag:s24] =	ssyncadd.s32 $0xFFFFFFFF  }
0x1d: {  	s27 =	simm.s32 $execute0_lowered;
	[smem:$0x3FD2] =	sst s26  }
0x1e: {  	s5 =	sshll.u32 s27, $0x1;
	_ =	strace $0x80000049;
	[dreg:$0x1] =	wrdreg $0xFFFFFFFF  }
0x1f: {  	s28 =	simm.s32 $_size_execute0_lowered;
	s3 =	sadd.s32 s3, s5;
	[dreg:$0x0] =	wrdreg $0x0  }
0x20: {  	s5 =	sshll.u32 s28, $0x1;
	[dreg:$0x2] =	wrdreg s3  }
0x21: {  	[dreg:$0x3] =	wrdreg s5  }
0x22: {  	[dreg:$0x4] =	wrdreg $0xC0  }
0x23: {  	_ =	task [dreg:s7], $0x5FFFF  }
0x24: {  	[dreg:$0x1] =	wrdreg $0xFFFFFFFF  }
0x25: {  	[dreg:$0x0] =	wrdreg $0x60  }
0x26: {  	[dreg:$0x2] =	wrdreg s25  }
0x27: {  	[dreg:$0x3] =	wrdreg s2  }
0x28: {  	[dreg:$0x4] =	wrdreg $0x9  }
0x29: {  	_ =	task.clear_ibuf [dreg:s7], $0x5FFFF;
	_ =	strace $0x90000049  }
0x2a: {  	s29 =	simm.s32 $0x9;
	_ =	strace $0x8000004B  }
0x2b: {  	_ =	swait.ge [sflag:s29], $0x1  }
0x2c: {  	[sflag:s29] =	ssyncadd.s32 $0xFFFFFFFF  }
0x2d: {  	_ =	strace $0x9000004B  }
0x2e: {  	_ =	sfence  }
0x2f: {  	s30 =	sld [smem:$0x0];
	_ =	sdelay $0x2  }
0x30: {  	s31 =	sshll.u32 s1, $0xD;
	s1 =	sshrl.u32 s1, $0x2  }
0x31: {  	s3 =	sand.u32 $0x4000, s31;
	s1 =	sadd.s32 s1, s30  }
0x32: {  	s0 =	sor.u32 s3, s0;
	s1 =	sshll.u32 s1, $0x11  }
0x33: {  	s0 =	sor.u32 s1, s0  }
0x34: {  	s0 =	sadd.s32 $0x8F2B, s0  }
0x35: {  	[sflag:s0] =	ssyncadd.remote.s32 $0x1  }
0x36: {  	_ =	sfence.sel $0xFFFF  }
0x37: {  	[dreg:$0x0] =	wrdreg $0xFFFFFFFF;
	(pc) =	sbr.abs _section_cstart, $3  }
0x38: {  	[dreg:$0x1] =	wrdreg $0xFFFFFFFF  }
0x39: {  	_ =	task.clear_ibuf [dreg:s7], $0x2FFFF;
	_ =	strace $0x9FFFFFFF  }
0x3a: {  	(tm) =	ssettm $0x7FFFFFFF  }
0x3b: {  	_ =	shalt  }
tec
execute0_lowered:
.L_overlay_start_1:
0x0: {  	(tag) =	ssettag $0x1  }
0x1: {  	s0 =	srdreg.scid  }
0x2: {  	s1 =	sshll.u32 s0, $0x4  }
0x3: {  	s0 =	stileid.u32;
	s1 =	sand.u32 $0x10, s1  }
0x4: {  	s1 =	sor.u32 s0, s1  }
0x5: {  	s6 =	rddreg [dreg:$0x0];
	s4 =	simm.s32 $0x1;
	s2 =	sshll.u32 s1, $0x7  }
0x6: {  	s7 =	simm.s32 $0x2;
	s12 =	simm.s32 $0x0;
	s1 =	ssub.s32 $0x1000, s2  }
0x7: {  	s8 =	simm.s32 $0x8000;
	s13 =	simm.s32 $0x0;
	s3 =	sand.u32 $0xF80, s1  }
0x8: {  	s9 =	simm.s32 $0x0;
	s5 =	sshrl.u32 s1, $0xC;
	p0 =	sne.s32 s3, $0x0  }
.Ltmp0:
0x9: {  	s1 =	rddreg [dreg:$0x2];
	s4 =	simm.s32 @!p0 $0x0;
	(pc) =	sbr.rel .LBB1_1-.Ltmp0, $4  }
0xa: {  	s11 =	simm.s32 $0x0;
	s3 =	rddreg [dreg:$0x1];
	s5 =	sadd.s32 s4, s5  }
0xb: {  	_ =	strace $0x8000004A;
	s4 =	simm.s32 $0x1;
	s5 =	smul.u32 $0xC8, s5  }
0xc: {  	s6 =	sadd.s32 $0xA00, s6;
	s10 =	smov.u32 s2;
	[sflag:s4] =	ssyncpa.u1 $0x0  }
0xd: {  	p0 =	por $0x0, $0x0;
	[sflag:s7] =	ssyncpa.u1 $0x0;
	s7 =	sor.u32 $0x1, s5  }
.LBB1_4:
0xe: {  	s16 =	sshll.u32 s13, $0x3;
	s17 =	sand.u32 $0x78, s13  }
0xf: {  	s30 =	sand.u32 $0x7E00, s13;
	s12 =	sshll.u32 s12, $0xF;
	s16 =	sand.u32 $0xC00, s16  }
0x10: {  	[tilespmem:s15+$0x810 ss:$0x81] =	vst.msk $0xffff, v2;
	s31 =	sand.u32 $0x7, s13;
	s16 =	sor.u32 s17, s16;
	s17 =	sadd.s32 s3, s30  }
0x11: {  	[tilespmem:s15+$0x1020 ss:$0x81] =	vst.msk $0xffff, v0;
	s13 =	sshll.u32 s31, $0x12;
	s12 =	sadd.s32 s12, s17;
	s16 =	sshrl.u32 s16, $0x3  }
0x12: {  	[tilespmem:s15+$0x0 ss:$0x81] =	vst.msk $0xffff, v1;
	s13 =	sor.u32 $0x400, s13;
	s12 =	sadd.s32 s16, s12  }
0x13: {  	[hbm4b:s12+s13] =	stream.strided.scatter [tilespmem:s14], [sflag:$0x2], $0x2000, s8, s13, $0x20;
	[tilespmem:$0x8080] =	vst v63  }
.LBB1_5:
0x14: {  	s14 =	sadd.s32 $0x1, s9  }
0x15: {  	s12 =	sadd.s32 $0x1000, s10;
	s16 =	smov.u32 s10;
	p2 =	sgt.s32 s14, $0xC7  }
0x16: {  	s16 =	smov.u32 @p2 s12  }
0x17: {  	s14 =	simm.s32 @p2 $0x0;
	p2 =	sgt.s32 s16, $0xFFF  }
0x18: {  	s16 =	smov.u32 @p2 s2;
	p2 =	sne.s32 s11, s7  }
.Ltmp1:
0x19: {  	p1 =	slt.u32 s11, $0x2;
	(pc) =	sbr.rel @!p2 .LBB1_6-.Ltmp1, $4  }
0x1a: {  	s15 =	simm.s32 @!p1 $0x2  }
0x1b: {  	s13 =	smov.u32 s10;
	p0 =	por !p0, !p0;
	_ =	swait.ge @!p1 [sflag:s15], $0x2000  }
0x1c: {  	s12 =	smov.u32 s9;
	[sflag:s15] =	ssyncset.done @!p1 $0x0;
	s9 =	smov.u32 s14  }
0x1d: {  	s11 =	sadd.s32 $0x1, s11;
	[sflag:s15] =	ssyncadd.s32 @!p1 $0xFFFFE000;
	s10 =	smov.u32 s16  }
.LBB1_1:
0x1e: {  	p1 =	sge.u32 s11, s5  }
0x1f: {  	s14 =	sand.u32 @!p1 $0x1FFFFFF, s9  }
0x20: {  	s15 =	smulhi.u32 @!p1 $0x147AE15, s14;
	_ =	sdelay $0x1  }
0x21: {  	s15 =	smul.u32 @!p1 $0xC8, s15  }
0x22: {  	s16 =	sxor.u32 @!p1 $0xFFFFFFFF, s11;
	s17 =	smul.u32 @!p1 $0xC80, s10  }
0x23: {  	s31 =	sadd.s32 $0xFFFFFFFF, s11;
	s16 =	sshll.u32 @!p1 s16, $0xD;
	s14 =	ssub.s32 @!p1 s14, s15  }
0x24: {  	s15 =	sand.u32 @!p1 $0x2000, s16;
	s16 =	sadd.s32 @!p1 s6, s17;
	s14 =	sshll.u32 @!p1 s14, $0x4  }
0x25: {  	s17 =	simm.s32 @!p1 $0x6400;
	s14 =	sadd.s32 @!p1 s14, s16;
	s16 =	simm.s32 @!p1 $0x40  }
0x26: {  	[tilespmem:s15], [sflag:$0x1] =	stream.strided.gather @!p1 [hbm4b:s14+s16], $0x2000, s17, s16, $0x38;
	[tilespmem:$0x8080] =	vst v63  }
0x27: {  	p1 =	sge.u32 s31, s5  }
.Ltmp2:
0x28: {  	_ = 	snop;
	(pc) =	sbr.rel @p1 .LBB1_5-.Ltmp2, $1  }
0x29: {  	_ =	sdelay $0x3  }
0x2a: {  	s14 =	simm.s32 $0x1  }
0x2b: {  	_ =	swait.ge [sflag:s4], $0x2000;
	s14 =	simm.s32 @!p0 $0x0  }
0x2c: {  	[sflag:s4] =	ssyncset.done $0x0;
	s15 =	sshll.u32 s14, $0xD  }
0x2d: {  	[sflag:s4] =	ssyncadd.s32 $0xFFFFE000;
	s18 =	sor.u32 $0x20, s15  }
0x2e: {  	s14 =	smul.u32 $0x8100, s14;
	v3 =	vld [tilespmem:s18+$0x10]  }
0x2f: {  	s30 =	sand.u32 $0x1, s11;
	v2 =	vld [tilespmem:s18+$0xFFFFFFF0]  }
0x30: {  	s15 =	smul.u32 $0x8100, s30;
	s14 =	sshrl.u32 s14, $0x2;
	v0 =	vld [tilespmem:s18+$0x0]  }
0x31: {  	v1 =	vld [tilespmem:s18+$0xFFFFFFE0];
	s16 =	sor.u32 $0x4000, s14  }
0x32: {  	s31 =	sshrl.u32 s15, $0x2;
	s15 =	sadd.s32 $0x0, s16  }
0x33: {  	s17 =	simm.s32 $0x4;
	s18 =	sadd.s32 $0x40, s18;
	s14 =	sor.u32 $0x4000, s31;
	[tilespmem:s15+$0x1830 ss:$0x81] =	vst.msk $0xffff, v3  }
.LBB1_3:
0x34: {  	v3 =	vld [tilespmem:s18+$0x10];
	p1 =	sne.s32 s17, $0x1FC;
	[tilespmem:s15+$0x810 ss:$0x81] =	vst.msk $0xffff, v2;
	s19 =	smov.u32 s17;
	s17 =	sadd.s32 $0x4, s17  }
.Ltmp3:
0x35: {  	v2 =	vld [tilespmem:s18+$0xFFFFFFF0];
	[tilespmem:s15+$0x1020 ss:$0x81] =	vst.msk $0xffff, v0;
	(pc) =	sbr.rel @p1 .LBB1_3-.Ltmp3, $4  }
0x36: {  	v0 =	vld [tilespmem:s18+$0x0];
	[tilespmem:s15+$0x0 ss:$0x81] =	vst.msk $0xffff, v1  }
0x37: {  	s15 =	sshra.s32 s19, $0x2;
	v1 =	vld [tilespmem:s18+$0xFFFFFFE0]  }
0x38: {  	s15 =	sadd.s32 s15, s16  }
0x39: {  	s18 =	sadd.s32 $0x40, s18;
	[tilespmem:s15+$0x1830 ss:$0x81] =	vst.msk $0xffff, v3  }
.Ltmp4:
0x3a: {  	_ = 	snop;
	(pc) =	sbr.rel .LBB1_4-.Ltmp4, $1  }
0x3b: {  	_ =	sdelay $0x3  }
.LBB1_6:
0x3c: {  	_ =	sfence.sel $0x180000  }
0x3d: {  	s2 =	simm.s32 $0x1;
	[bflag:$0x0] =	sbarrier.arrive $0xFFFF  }
0x3e: {  	s31 =	simm.s32 $0x2;
	[sflag:s2] =	ssyncpa.u1 $0x1  }
0x3f: {  	[sflag:s31] =	ssyncpa.u1 $0x1  }
0x40: {  	p0 =	sne.s32 s0, $0x0;
	_ =	strace $0x9000004A  }
0x41: {  	s0 =	sadd.s32 @!p0 $0x100000, s1;
	[bflag:$0x2] =	sbarrier.arrive $0xFFFF  }
0x42: {  	[sflag:s0] =	ssyncadd.tile.s32 @!p0 $0x1;
	_ =	shalt  }
.Lfunc_end1:
_tile_overlayer_lowered:
.L_overlay_start_2:
0x43: {  	(tag) =	ssettag $0x2  }
0x44: {  	s0 =	rddreg [dreg:$0x0];
	s2 =	stileid.u32  }
0x45: {  	s1 =	rddreg [dreg:$0x1];
	p0 =	sne.s32 s2, $0x0  }
0x46: {  	s3 =	rddreg [dreg:$0x2];
	[bflag:$0x3] =	sbarrier.arrive $0xFFFF;
	s2 =	simm.s32 @!p0 $0x1C01  }
0x47: {  	[timem:s3], [sflag:s2] =	dma.local @!p0 [hbm:s0], s1  }
0x48: {  	s0 =	simm.s32 @!p0 $0x1  }
0x49: {  	_ =	swait.ge @!p0 [sflag:s0], s1  }
0x4a: {  	s1 =	ssub.s32 @!p0 $0x0, s1;
	[sflag:s0] =	ssyncset.done @!p0 $0x0  }
0x4b: {  	[sflag:s0] =	ssyncadd.s32 @!p0 s1  }
0x4c: {  	[bflag:$0x3] =	sbarrier.arrive $0xFFFF  }
0x4d: {  	_ =	shalt  }

</sc_bundles>
